<compile_context>
chip_gen: v7x
topology: tpu7x:2x2x1
jax: 0.10.2.dev20260603
libtpu: 0.0.44.dev20260713+nightly
codegen_flags: <defaults>
</compile_context>

<pallas_src>
import functools

import jax
import jax.numpy as jnp
from jax import lax
from jax.experimental import pallas as pl
from jax.experimental.pallas import tpu as pltpu
from jax.experimental.pallas import tpu_sc as plsc

N = 10000
E = 320000
IN_DIM = 128
H_DIM = 256
OUT_DIM = 256

NC = 2
NS = 16
NW = NC * NS
CHUNK = 128

KPT = 80
EPW = KPT * CHUNK
E_PAD = EPW * NW
GB = 2

N_PAD = 10112
RPT = N_PAD // NS
TRASH = N

R_TC = 400

_MESH = dict(core_axis_name="c", subcore_axis_name="s",
             num_cores=NC, num_subcores=NS)


def _sc_segsum(with_gather=True):
  mesh = plsc.VectorSubcoreMesh(**_MESH)
  scratch = (
      [pltpu.VMEM((KPT, CHUNK), jnp.int32)] +
      [pltpu.VMEM((KPT,), jnp.int32)] +
      [pltpu.VMEM((KPT // 2, CHUNK), jnp.int32)] +
      [pltpu.VMEM((CHUNK, 128), jnp.float32)] * GB +
      [pltpu.VMEM_SHARED((N_PAD, 128), jnp.float32)] +
      [pltpu.SemaphoreType.DMA] * 2)

  @functools.partial(
      pl.kernel, mesh=mesh,
      out_type=jax.ShapeDtypeStruct((NC, N_PAD, 128), jnp.float32),
      scratch_types=scratch)
  def k(*refs):
    if with_gather:
      (table, srcs, dsts, out, src_v, ridx_v, dsth_v, *rest) = refs
    else:
      (dsts, out, src_v, ridx_v, dsth_v, *rest) = refs
    rows = rest[:GB]
    acc = rest[GB]
    gsem, ssem = rest[GB + 1], rest[GB + 2]
    c = lax.axis_index("c")
    s = lax.axis_index("s")
    wid = s * NC + c

    iota = lax.iota(jnp.int32, 16)
    wbase = wid * KPT

    def fill(t, carry):
      ridx_v[pl.ds(t * 16, 16)] = iota + (wbase + t * 16)
      return carry

    lax.fori_loop(0, KPT // 16, fill, 0)
    if with_gather:
      pltpu.async_copy(srcs.at[ridx_v], src_v, gsem).wait()

    z16 = jnp.zeros((16,), jnp.float32)

    def zrow(i, carry):
      for l in range(128 // 16):
        rows[0][i, pl.ds(l * 16, 16)] = z16
      return carry

    lax.fori_loop(0, CHUNK, zrow, 0)
    base = s * RPT
    for t in range(RPT // CHUNK):
      pltpu.sync_copy(rows[0], acc.at[pl.ds(base + t * CHUNK, CHUNK)])
    rem = RPT % CHUNK
    if rem:
      pltpu.sync_copy(rows[0].at[pl.ds(0, rem)],
                      acc.at[pl.ds(base + (RPT // CHUNK) * CHUNK, rem)])
    if not with_gather:
      one16 = jnp.ones((16,), jnp.float32)

      def orow(i, carry):
        for l in range(128 // 16):
          rows[0][i, pl.ds(l * 16, 16)] = one16
        return carry

      lax.fori_loop(0, CHUNK, orow, 0)
    plsc.subcore_barrier()

    half = KPT // 2
    for h in range(2):
      pltpu.async_copy(dsts.at[ridx_v.at[pl.ds(h * half, half)]], dsth_v,
                       gsem).wait()

      def group(g, carry):
        j0 = h * half + g * GB
        l0 = g * GB
        if with_gather:
          gds = [pltpu.async_copy(table.at[src_v.at[j0 + b]], rows[b], gsem)
                 for b in range(GB)]
        sds = []
        for b in range(GB):
          if with_gather:
            gds[b].wait()
            sds.append(pltpu.async_copy(rows[b], acc.at[dsth_v.at[l0 + b]],
                                        ssem, add=True))
          else:
            sds.append(pltpu.async_copy(rows[0], acc.at[dsth_v.at[l0 + b]],
                                        ssem, add=True))
        for d in sds:
          d.wait()
        return carry

      lax.fori_loop(0, half // GB, group, 0)
    plsc.subcore_barrier()
    pltpu.sync_copy(acc.at[pl.ds(s * RPT, RPT)],
                    out.at[c, pl.ds(s * RPT, RPT)])

  return k


def _tc_layer1(x, sum1, degp, Ws, Wn, b):

  def body(x_ref, s_ref, d_ref, ws_ref, wn_ref, b_ref, o_ref):
    sb = s_ref[0] + s_ref[1]
    deg = d_ref[0, :, :1] + d_ref[1, :, :1]
    recip = 1.0 / jnp.maximum(deg, 1.0)
    h = jnp.dot(x_ref[...], ws_ref[...], preferred_element_type=jnp.float32,
                   precision=lax.Precision.HIGHEST)
    h = h + jnp.dot(sb, wn_ref[...], preferred_element_type=jnp.float32,
                   precision=lax.Precision.HIGHEST) * recip
    h = h + b_ref[...]
    h = jnp.maximum(h, 0.0)
    o_ref[0] = h[:, :128]
    o_ref[1] = h[:, 128:]

  grid = (N // R_TC,)
  return pl.pallas_call(
      body,
      grid=grid,
      in_specs=[
          pl.BlockSpec((R_TC, IN_DIM), lambda i: (i, 0)),
          pl.BlockSpec((NC, R_TC, 128), lambda i: (0, i, 0)),
          pl.BlockSpec((NC, R_TC, 128), lambda i: (0, i, 0)),
          pl.BlockSpec((IN_DIM, H_DIM), lambda i: (0, 0)),
          pl.BlockSpec((IN_DIM, H_DIM), lambda i: (0, 0)),
          pl.BlockSpec((1, H_DIM), lambda i: (0, 0)),
      ],
      out_specs=pl.BlockSpec((NC, R_TC, 128), lambda i: (0, i, 0)),
      out_shape=jax.ShapeDtypeStruct((NC, N, 128), jnp.float32),
  )(x, sum1, degp, Ws, Wn, b)


def _tc_layer2(hst, s2a, s2b, degp, Ws2a, Ws2b, Wn2a, Wn2b, b):

  def body(h_ref, sa_ref, sb_ref, d_ref, wsa_ref, wsb_ref, wna_ref, wnb_ref,
           b_ref, o_ref):
    deg = d_ref[0, :, :1] + d_ref[1, :, :1]
    recip = 1.0 / jnp.maximum(deg, 1.0)
    acc = jnp.dot(h_ref[0], wsa_ref[...], preferred_element_type=jnp.float32,
                   precision=lax.Precision.HIGHEST)
    acc = acc + jnp.dot(h_ref[1], wsb_ref[...],
                        preferred_element_type=jnp.float32,
                   precision=lax.Precision.HIGHEST)
    sa = sa_ref[0] + sa_ref[1]
    sb = sb_ref[0] + sb_ref[1]
    nei = jnp.dot(sa, wna_ref[...], preferred_element_type=jnp.float32,
                   precision=lax.Precision.HIGHEST)
    nei = nei + jnp.dot(sb, wnb_ref[...], preferred_element_type=jnp.float32,
                   precision=lax.Precision.HIGHEST)
    o_ref[...] = acc + nei * recip + b_ref[...]

  grid = (N // R_TC,)
  return pl.pallas_call(
      body,
      grid=grid,
      in_specs=[
          pl.BlockSpec((NC, R_TC, 128), lambda i: (0, i, 0)),
          pl.BlockSpec((NC, R_TC, 128), lambda i: (0, i, 0)),
          pl.BlockSpec((NC, R_TC, 128), lambda i: (0, i, 0)),
          pl.BlockSpec((NC, R_TC, 128), lambda i: (0, i, 0)),
          pl.BlockSpec((128, OUT_DIM), lambda i: (0, 0)),
          pl.BlockSpec((128, OUT_DIM), lambda i: (0, 0)),
          pl.BlockSpec((128, OUT_DIM), lambda i: (0, 0)),
          pl.BlockSpec((128, OUT_DIM), lambda i: (0, 0)),
          pl.BlockSpec((1, OUT_DIM), lambda i: (0, 0)),
      ],
      out_specs=pl.BlockSpec((R_TC, OUT_DIM), lambda i: (i, 0)),
      out_shape=jax.ShapeDtypeStruct((N, OUT_DIM), jnp.float32),
  )(hst, s2a, s2b, degp, Ws2a, Ws2b, Wn2a, Wn2b, b)


def kernel(feats, edge_index, W_self1, W_neigh1, b1, W_self2, W_neigh2, b2):
  src = edge_index[0]
  dst = edge_index[1]
  pad = E_PAD - E
  src_p = jnp.concatenate([src, jnp.zeros((pad,), jnp.int32)])
  dst_p = jnp.concatenate([dst, jnp.full((pad,), TRASH, jnp.int32)])

  srcs = src_p.reshape(NW * KPT, CHUNK)
  dsts = dst_p.reshape(NW * KPT, CHUNK)
  srcs_hi = srcs + N

  degp = _sc_segsum(with_gather=False)(dsts)
  sum1 = _sc_segsum()(feats, srcs, dsts)

  hst = _tc_layer1(feats, sum1, degp, W_self1, W_neigh1, b1.reshape(1, H_DIM))

  table2 = hst.reshape(2 * N, 128)
  s2a = _sc_segsum()(table2, srcs, dsts)
  s2b = _sc_segsum()(table2, srcs_hi, dsts)

  out = _tc_layer2(hst, s2a, s2b, degp,
                   W_self2[:128], W_self2[128:],
                   W_neigh2[:128], W_neigh2[128:],
                   b2.reshape(1, OUT_DIM))
  return out

# --- scband reference (transcript-rebuilt; emitter-appended) ---
"""Pipeline reference for scband-graph-sage-30090540876232 (READ-ONLY COPY).

The authoritative reference and input builder live on the scoring server;
editing this copy changes nothing except your own understanding.
"""

import jax, jax.numpy as jnp
import numpy as np

N = 10000
E = 320000
IN_DIM = 128
H_DIM = 256
OUT_DIM = 256


def setup_inputs(seed: int = 0) -> dict:
    key = jax.random.key(seed)
    ks = jax.random.split(key, 8)
    feats = jax.random.normal(ks[0], (N, IN_DIM), dtype=jnp.float32)
    edge_index = jax.random.randint(ks[1], (2, E), 0, N, dtype=jnp.int32)
    W_self1 = jax.random.normal(ks[2], (IN_DIM, H_DIM), dtype=jnp.float32) * (1.0 / np.sqrt(IN_DIM))
    W_neigh1 = jax.random.normal(ks[3], (IN_DIM, H_DIM), dtype=jnp.float32) * (1.0 / np.sqrt(IN_DIM))
    b1 = jnp.zeros((H_DIM,), dtype=jnp.float32)
    W_self2 = jax.random.normal(ks[4], (H_DIM, OUT_DIM), dtype=jnp.float32) * (1.0 / np.sqrt(H_DIM))
    W_neigh2 = jax.random.normal(ks[5], (H_DIM, OUT_DIM), dtype=jnp.float32) * (1.0 / np.sqrt(H_DIM))
    b2 = jnp.zeros((OUT_DIM,), dtype=jnp.float32)
    return {
        "feats": feats,
        "edge_index": edge_index,
        "W_self1": W_self1,
        "W_neigh1": W_neigh1,
        "b1": b1,
        "W_self2": W_self2,
        "W_neigh2": W_neigh2,
        "b2": b2,
    }


def sage_layer(x, edge_index, W_self, W_neigh, b):
    # DGL SAGEConv with mean aggregator:
    # h_neigh = mean_{u in N(v)} x_u ; out = x @ W_self + h_neigh @ W_neigh + b
    src = edge_index[0]
    dst = edge_index[1]
    msgs = jnp.take(x, src, axis=0)  # gather source features per edge
    summed = jax.ops.segment_sum(msgs, dst, num_segments=N)  # scatter-add to dst
    deg = jax.ops.segment_sum(jnp.ones((E,), dtype=x.dtype), dst, num_segments=N)
    h_neigh = summed / jnp.maximum(deg, 1.0)[:, None]
    return x @ W_self + h_neigh @ W_neigh + b


def reference(feats, edge_index, W_self1, W_neigh1, b1, W_self2, W_neigh2, b2):
    h = sage_layer(feats, edge_index, W_self1, W_neigh1, b1)
    h = jax.nn.relu(h)
    h = sage_layer(h, edge_index, W_self2, W_neigh2, b2)
    return h

if __name__ == "__main__":
    import jax
    _d = setup_inputs()
    print(jax.jit(kernel)(*tuple(_d.values())))

</pallas_src>

<mosaic_0001>
#map = affine_map<(d0, d1) -> (0, 0)>
#map1 = affine_map<(d0, d1) -> (0, 0, 0)>
module attributes {stable_mosaic.version = 14 : i64} {
  func.func @k(%arg0: i32, %arg1: i32, %arg2: memref<10000x128xf32, #tpu.memory_space<hbm>>, %arg3: memref<2560x128xi32, #tpu.memory_space<hbm>>, %arg4: memref<2560x128xi32, #tpu.memory_space<hbm>>, %arg5: memref<2x10112x128xf32, #tpu.memory_space<hbm>>, %arg6: memref<80x128xi32, #tpu.memory_space<vmem>>, %arg7: memref<80xi32, #tpu.memory_space<vmem>>, %arg8: memref<40x128xi32, #tpu.memory_space<vmem>>, %arg9: memref<128x128xf32, #tpu.memory_space<vmem>>, %arg10: memref<128x128xf32, #tpu.memory_space<vmem>>, %arg11: memref<10112x128xf32, #tpu.memory_space<vmem_shared>>, %arg12: memref<!tpu.dma_semaphore, #tpu.memory_space<semaphore_mem>>, %arg13: memref<!tpu.dma_semaphore, #tpu.memory_space<semaphore_mem>>) attributes {dimension_semantics = [#tpu.dimension_semantics<core_parallel>, #tpu.dimension_semantics<subcore_parallel>], iteration_bounds = array<i64: 2, 16>, scalar_prefetch = 0 : i64, scratch_operands = 8 : i64, tpu.core_type = #tpu.core_type<sc_vector_subcore>, window_params = [{transform_indices = #map}, {transform_indices = #map}, {transform_indices = #map}, {transform_indices = #map1}]} {
    %mul3A = arith.constant 2 : i32
    %mul3A_0 = arith.muli %arg1, %mul3A : i32
    %add3A = arith.addi %mul3A_0, %arg0 : i32
    %iota3A = tpu.iota {dimensions = array<i32: 0>} : vector<16xi32>
    %mul3A_1 = arith.constant 80 : i32
    %mul3A_2 = arith.muli %add3A, %mul3A_1 : i32
    %scan3A = arith.constant 0 : i32
    %scan3A_3 = arith.constant 0 : i32
    %scan3A_4 = arith.constant 5 : i32
    %scan3A_5 = arith.addi %scan3A_3, %scan3A_4 : i32
    %scan3A_6 = arith.constant 1 : i32
    scf.for %scan3A_68 = %scan3A_3 to %scan3A_5 step %scan3A_6  : i32 {
      %mul3A_69 = arith.constant 16 : i32
      %mul3A_70 = arith.muli %scan3A_68, %mul3A_69 : i32
      %add3A_71 = arith.addi %mul3A_2, %mul3A_70 : i32
      %add3A_72 = vector.broadcast %add3A_71 : i32 to vector<16xi32>
      %add3A_73 = arith.addi %iota3A, %add3A_72 : vector<16xi32>
      %mul3A_74 = arith.constant 16 : i32
      %mul3A_75 = arith.muli %scan3A_68, %mul3A_74 : i32
      %swap3A = arith.index_cast %mul3A_75 : i32 to index
      %swap3A_76 = tpu.vector_load %arg7[%swap3A] {strides = array<i32>} : memref<80xi32, #tpu.memory_space<vmem>>, vector<16xi32>,
      %swap3A_77 = vector.shape_cast %swap3A_76 : vector<16xi32> to vector<16xi32>
      %swap3A_78 = vector.shape_cast %add3A_73 : vector<16xi32> to vector<16xi32>
      tpu.vector_store %arg7[%swap3A], %swap3A_78 {strides = array<i32>} : memref<80xi32, #tpu.memory_space<vmem>>, vector<16xi32>,
    }
    %scan3A_7 = arith.constant 5 : i32
    %dma_start3A = arith.constant 0 : i32
    %dma_start3A_8 = arith.constant 0 : i32
    %dma_start3A_9 = tpu.memref_slice %arg3[%dma_start3A, %dma_start3A_8] : memref<2560x128xi32, #tpu.memory_space<hbm>> -> memref<2560x128xi32, #tpu.memory_space<hbm>>
    tpu.enqueue_indirect_dma source(%dma_start3A_9 : memref<2560x128xi32, #tpu.memory_space<hbm>>) target(%arg6 : memref<80x128xi32, #tpu.memory_space<vmem>>) offsets(%arg7 : memref<80xi32, #tpu.memory_space<vmem>>) semaphore(%arg12 : memref<!tpu.dma_semaphore, #tpu.memory_space<semaphore_mem>>)
    %dma_wait3A = arith.constant 0 : i32
    %dma_wait3A_10 = arith.constant 0 : i32
    %dma_wait3A_11 = tpu.memref_slice %arg3[%dma_wait3A, %dma_wait3A_10] : memref<2560x128xi32, #tpu.memory_space<hbm>> -> memref<2560x128xi32, #tpu.memory_space<hbm>>
    tpu.wait_indirect_dma semaphore(%arg12 : memref<!tpu.dma_semaphore, #tpu.memory_space<semaphore_mem>>) src(%dma_wait3A_11 : memref<2560x128xi32, #tpu.memory_space<hbm>>) dst(%arg6 : memref<80x128xi32, #tpu.memory_space<vmem>>)
    %broadcast_in_dim3A = arith.constant 0.000000e+00 : f32
    %broadcast_in_dim3A_12 = vector.broadcast %broadcast_in_dim3A : f32 to vector<16xf32>
    %scan3A_13 = arith.constant 0 : i32
    %scan3A_14 = arith.constant 0 : i32
    %scan3A_15 = arith.constant 128 : i32
    %scan3A_16 = arith.addi %scan3A_14, %scan3A_15 : i32
    %scan3A_17 = arith.constant 1 : i32
    scf.for %scan3A_68 = %scan3A_14 to %scan3A_16 step %scan3A_17  : i32 {
      %swap3A = arith.index_cast %scan3A_68 : i32 to index
      %swap3A_69 = arith.constant 0 : index
      %swap3A_70 = tpu.vector_load %arg9[%swap3A, %swap3A_69] {strides = array<i32>} : memref<128x128xf32, #tpu.memory_space<vmem>>, vector<1x16xf32>,
      %swap3A_71 = vector.shape_cast %swap3A_70 : vector<1x16xf32> to vector<16xf32>
      %swap3A_72 = vector.shape_cast %broadcast_in_dim3A_12 : vector<16xf32> to vector<1x16xf32>
      tpu.vector_store %arg9[%swap3A, %swap3A_69], %swap3A_72 {strides = array<i32>} : memref<128x128xf32, #tpu.memory_space<vmem>>, vector<1x16xf32>,
      %swap3A_73 = arith.index_cast %scan3A_68 : i32 to index
      %swap3A_74 = arith.constant 16 : index
      %swap3A_75 = tpu.vector_load %arg9[%swap3A_73, %swap3A_74] {strides = array<i32>} : memref<128x128xf32, #tpu.memory_space<vmem>>, vector<1x16xf32>,
      %swap3A_76 = vector.shape_cast %swap3A_75 : vector<1x16xf32> to vector<16xf32>
      %swap3A_77 = vector.shape_cast %broadcast_in_dim3A_12 : vector<16xf32> to vector<1x16xf32>
      tpu.vector_store %arg9[%swap3A_73, %swap3A_74], %swap3A_77 {strides = array<i32>} : memref<128x128xf32, #tpu.memory_space<vmem>>, vector<1x16xf32>,
      %swap3A_78 = arith.index_cast %scan3A_68 : i32 to index
      %swap3A_79 = arith.constant 32 : index
      %swap3A_80 = tpu.vector_load %arg9[%swap3A_78, %swap3A_79] {strides = array<i32>} : memref<128x128xf32, #tpu.memory_space<vmem>>, vector<1x16xf32>,
      %swap3A_81 = vector.shape_cast %swap3A_80 : vector<1x16xf32> to vector<16xf32>
      %swap3A_82 = vector.shape_cast %broadcast_in_dim3A_12 : vector<16xf32> to vector<1x16xf32>
      tpu.vector_store %arg9[%swap3A_78, %swap3A_79], %swap3A_82 {strides = array<i32>} : memref<128x128xf32, #tpu.memory_space<vmem>>, vector<1x16xf32>,
      %swap3A_83 = arith.index_cast %scan3A_68 : i32 to index
      %swap3A_84 = arith.constant 48 : index
      %swap3A_85 = tpu.vector_load %arg9[%swap3A_83, %swap3A_84] {strides = array<i32>} : memref<128x128xf32, #tpu.memory_space<vmem>>, vector<1x16xf32>,
      %swap3A_86 = vector.shape_cast %swap3A_85 : vector<1x16xf32> to vector<16xf32>
      %swap3A_87 = vector.shape_cast %broadcast_in_dim3A_12 : vector<16xf32> to vector<1x16xf32>
      tpu.vector_store %arg9[%swap3A_83, %swap3A_84], %swap3A_87 {strides = array<i32>} : memref<128x128xf32, #tpu.memory_space<vmem>>, vector<1x16xf32>,
      %swap3A_88 = arith.index_cast %scan3A_68 : i32 to index
      %swap3A_89 = arith.constant 64 : index
      %swap3A_90 = tpu.vector_load %arg9[%swap3A_88, %swap3A_89] {strides = array<i32>} : memref<128x128xf32, #tpu.memory_space<vmem>>, vector<1x16xf32>,
      %swap3A_91 = vector.shape_cast %swap3A_90 : vector<1x16xf32> to vector<16xf32>
      %swap3A_92 = vector.shape_cast %broadcast_in_dim3A_12 : vector<16xf32> to vector<1x16xf32>
      tpu.vector_store %arg9[%swap3A_88, %swap3A_89], %swap3A_92 {strides = array<i32>} : memref<128x128xf32, #tpu.memory_space<vmem>>, vector<1x16xf32>,
      %swap3A_93 = arith.index_cast %scan3A_68 : i32 to index
      %swap3A_94 = arith.constant 80 : index
      %swap3A_95 = tpu.vector_load %arg9[%swap3A_93, %swap3A_94] {strides = array<i32>} : memref<128x128xf32, #tpu.memory_space<vmem>>, vector<1x16xf32>,
      %swap3A_96 = vector.shape_cast %swap3A_95 : vector<1x16xf32> to vector<16xf32>
      %swap3A_97 = vector.shape_cast %broadcast_in_dim3A_12 : vector<16xf32> to vector<1x16xf32>
      tpu.vector_store %arg9[%swap3A_93, %swap3A_94], %swap3A_97 {strides = array<i32>} : memref<128x128xf32, #tpu.memory_space<vmem>>, vector<1x16xf32>,
      %swap3A_98 = arith.index_cast %scan3A_68 : i32 to index
      %swap3A_99 = arith.constant 96 : index
      %swap3A_100 = tpu.vector_load %arg9[%swap3A_98, %swap3A_99] {strides = array<i32>} : memref<128x128xf32, #tpu.memory_space<vmem>>, vector<1x16xf32>,
      %swap3A_101 = vector.shape_cast %swap3A_100 : vector<1x16xf32> to vector<16xf32>
      %swap3A_102 = vector.shape_cast %broadcast_in_dim3A_12 : vector<16xf32> to vector<1x16xf32>
      tpu.vector_store %arg9[%swap3A_98, %swap3A_99], %swap3A_102 {strides = array<i32>} : memref<128x128xf32, #tpu.memory_space<vmem>>, vector<1x16xf32>,
      %swap3A_103 = arith.index_cast %scan3A_68 : i32 to index
      %swap3A_104 = arith.constant 112 : index
      %swap3A_105 = tpu.vector_load %arg9[%swap3A_103, %swap3A_104] {strides = array<i32>} : memref<128x128xf32, #tpu.memory_space<vmem>>, vector<1x16xf32>,
      %swap3A_106 = vector.shape_cast %swap3A_105 : vector<1x16xf32> to vector<16xf32>
      %swap3A_107 = vector.shape_cast %broadcast_in_dim3A_12 : vector<16xf32> to vector<1x16xf32>
      tpu.vector_store %arg9[%swap3A_103, %swap3A_104], %swap3A_107 {strides = array<i32>} : memref<128x128xf32, #tpu.memory_space<vmem>>, vector<1x16xf32>,
    }
    %scan3A_18 = arith.constant 128 : i32
    %mul3A_19 = arith.constant 632 : i32
    %mul3A_20 = arith.muli %arg1, %mul3A_19 : i32
    %add3A_21 = arith.constant 0 : i32
    %add3A_22 = arith.addi %mul3A_20, %add3A_21 : i32
    "tpu.region"() ({
      %run_scoped3A = tpu.sem_alloc : memref<!tpu.dma_semaphore, #tpu.memory_space<semaphore_mem>>
      %dma_start3A_68 = arith.constant 0 : i32
      %dma_start3A_69 = tpu.memref_slice %arg11[%add3A_22, %dma_start3A_68] : memref<10112x128xf32, #tpu.memory_space<vmem_shared>> -> memref<128x128xf32, #tpu.memory_space<vmem_shared>>
      %dma_start3A_70 = arith.constant 0 : i32
      %dma_start3A_71 = tpu.memref_slice %arg11[%add3A_22, %dma_start3A_70] : memref<10112x128xf32, #tpu.memory_space<vmem_shared>> -> memref<128x128xf32, #tpu.memory_space<vmem_shared>>
      tpu.enqueue_dma source(%arg9 : memref<128x128xf32, #tpu.memory_space<vmem>>) target(%dma_start3A_71 : memref<128x128xf32, #tpu.memory_space<vmem_shared>>) target_semaphore(%run_scoped3A : memref<!tpu.dma_semaphore, #tpu.memory_space<semaphore_mem>>)
      %dma_wait3A_72 = arith.constant 0 : i32
      %dma_wait3A_73 = tpu.memref_slice %arg11[%add3A_22, %dma_wait3A_72] : memref<10112x128xf32, #tpu.memory_space<vmem_shared>> -> memref<128x128xf32, #tpu.memory_space<vmem_shared>>
      %dma_wait3A_74 = arith.constant 0 : i32
      %dma_wait3A_75 = tpu.memref_slice %arg11[%add3A_22, %dma_wait3A_74] : memref<10112x128xf32, #tpu.memory_space<vmem_shared>> -> memref<128x128xf32, #tpu.memory_space<vmem_shared>>
      tpu.wait_dma2 semaphore(%run_scoped3A : memref<!tpu.dma_semaphore, #tpu.memory_space<semaphore_mem>>) src(%arg9 : memref<128x128xf32, #tpu.memory_space<vmem>>) dst(%dma_wait3A_75 : memref<128x128xf32, #tpu.memory_space<vmem_shared>>)
      tpu.yield
    }) : () -> ()
    %add3A_23 = arith.constant 128 : i32
    %add3A_24 = arith.addi %mul3A_20, %add3A_23 : i32
    "tpu.region"() ({
      %run_scoped3A = tpu.sem_alloc : memref<!tpu.dma_semaphore, #tpu.memory_space<semaphore_mem>>
      %dma_start3A_68 = arith.constant 0 : i32
      %dma_start3A_69 = tpu.memref_slice %arg11[%add3A_24, %dma_start3A_68] : memref<10112x128xf32, #tpu.memory_space<vmem_shared>> -> memref<128x128xf32, #tpu.memory_space<vmem_shared>>
      %dma_start3A_70 = arith.constant 0 : i32
      %dma_start3A_71 = tpu.memref_slice %arg11[%add3A_24, %dma_start3A_70] : memref<10112x128xf32, #tpu.memory_space<vmem_shared>> -> memref<128x128xf32, #tpu.memory_space<vmem_shared>>
      tpu.enqueue_dma source(%arg9 : memref<128x128xf32, #tpu.memory_space<vmem>>) target(%dma_start3A_71 : memref<128x128xf32, #tpu.memory_space<vmem_shared>>) target_semaphore(%run_scoped3A : memref<!tpu.dma_semaphore, #tpu.memory_space<semaphore_mem>>)
      %dma_wait3A_72 = arith.constant 0 : i32
      %dma_wait3A_73 = tpu.memref_slice %arg11[%add3A_24, %dma_wait3A_72] : memref<10112x128xf32, #tpu.memory_space<vmem_shared>> -> memref<128x128xf32, #tpu.memory_space<vmem_shared>>
      %dma_wait3A_74 = arith.constant 0 : i32
      %dma_wait3A_75 = tpu.memref_slice %arg11[%add3A_24, %dma_wait3A_74] : memref<10112x128xf32, #tpu.memory_space<vmem_shared>> -> memref<128x128xf32, #tpu.memory_space<vmem_shared>>
      tpu.wait_dma2 semaphore(%run_scoped3A : memref<!tpu.dma_semaphore, #tpu.memory_space<semaphore_mem>>) src(%arg9 : memref<128x128xf32, #tpu.memory_space<vmem>>) dst(%dma_wait3A_75 : memref<128x128xf32, #tpu.memory_space<vmem_shared>>)
      tpu.yield
    }) : () -> ()
    %add3A_25 = arith.constant 256 : i32
    %add3A_26 = arith.addi %mul3A_20, %add3A_25 : i32
    "tpu.region"() ({
      %run_scoped3A = tpu.sem_alloc : memref<!tpu.dma_semaphore, #tpu.memory_space<semaphore_mem>>
      %dma_start3A_68 = arith.constant 0 : i32
      %dma_start3A_69 = tpu.memref_slice %arg11[%add3A_26, %dma_start3A_68] : memref<10112x128xf32, #tpu.memory_space<vmem_shared>> -> memref<128x128xf32, #tpu.memory_space<vmem_shared>>
      %dma_start3A_70 = arith.constant 0 : i32
      %dma_start3A_71 = tpu.memref_slice %arg11[%add3A_26, %dma_start3A_70] : memref<10112x128xf32, #tpu.memory_space<vmem_shared>> -> memref<128x128xf32, #tpu.memory_space<vmem_shared>>
      tpu.enqueue_dma source(%arg9 : memref<128x128xf32, #tpu.memory_space<vmem>>) target(%dma_start3A_71 : memref<128x128xf32, #tpu.memory_space<vmem_shared>>) target_semaphore(%run_scoped3A : memref<!tpu.dma_semaphore, #tpu.memory_space<semaphore_mem>>)
      %dma_wait3A_72 = arith.constant 0 : i32
      %dma_wait3A_73 = tpu.memref_slice %arg11[%add3A_26, %dma_wait3A_72] : memref<10112x128xf32, #tpu.memory_space<vmem_shared>> -> memref<128x128xf32, #tpu.memory_space<vmem_shared>>
      %dma_wait3A_74 = arith.constant 0 : i32
      %dma_wait3A_75 = tpu.memref_slice %arg11[%add3A_26, %dma_wait3A_74] : memref<10112x128xf32, #tpu.memory_space<vmem_shared>> -> memref<128x128xf32, #tpu.memory_space<vmem_shared>>
      tpu.wait_dma2 semaphore(%run_scoped3A : memref<!tpu.dma_semaphore, #tpu.memory_space<semaphore_mem>>) src(%arg9 : memref<128x128xf32, #tpu.memory_space<vmem>>) dst(%dma_wait3A_75 : memref<128x128xf32, #tpu.memory_space<vmem_shared>>)
      tpu.yield
    }) : () -> ()
    %add3A_27 = arith.constant 384 : i32
    %add3A_28 = arith.addi %mul3A_20, %add3A_27 : i32
    "tpu.region"() ({
      %run_scoped3A = tpu.sem_alloc : memref<!tpu.dma_semaphore, #tpu.memory_space<semaphore_mem>>
      %dma_start3A_68 = arith.constant 0 : i32
      %dma_start3A_69 = tpu.memref_slice %arg11[%add3A_28, %dma_start3A_68] : memref<10112x128xf32, #tpu.memory_space<vmem_shared>> -> memref<128x128xf32, #tpu.memory_space<vmem_shared>>
      %dma_start3A_70 = arith.constant 0 : i32
      %dma_start3A_71 = tpu.memref_slice %arg11[%add3A_28, %dma_start3A_70] : memref<10112x128xf32, #tpu.memory_space<vmem_shared>> -> memref<128x128xf32, #tpu.memory_space<vmem_shared>>
      tpu.enqueue_dma source(%arg9 : memref<128x128xf32, #tpu.memory_space<vmem>>) target(%dma_start3A_71 : memref<128x128xf32, #tpu.memory_space<vmem_shared>>) target_semaphore(%run_scoped3A : memref<!tpu.dma_semaphore, #tpu.memory_space<semaphore_mem>>)
      %dma_wait3A_72 = arith.constant 0 : i32
      %dma_wait3A_73 = tpu.memref_slice %arg11[%add3A_28, %dma_wait3A_72] : memref<10112x128xf32, #tpu.memory_space<vmem_shared>> -> memref<128x128xf32, #tpu.memory_space<vmem_shared>>
      %dma_wait3A_74 = arith.constant 0 : i32
      %dma_wait3A_75 = tpu.memref_slice %arg11[%add3A_28, %dma_wait3A_74] : memref<10112x128xf32, #tpu.memory_space<vmem_shared>> -> memref<128x128xf32, #tpu.memory_space<vmem_shared>>
      tpu.wait_dma2 semaphore(%run_scoped3A : memref<!tpu.dma_semaphore, #tpu.memory_space<semaphore_mem>>) src(%arg9 : memref<128x128xf32, #tpu.memory_space<vmem>>) dst(%dma_wait3A_75 : memref<128x128xf32, #tpu.memory_space<vmem_shared>>)
      tpu.yield
    }) : () -> ()
    %add3A_29 = arith.constant 512 : i32
    %add3A_30 = arith.addi %mul3A_20, %add3A_29 : i32
    "tpu.region"() ({
      %run_scoped3A = tpu.sem_alloc : memref<!tpu.dma_semaphore, #tpu.memory_space<semaphore_mem>>
      %dma_start3A_68 = arith.constant 0 : i32
      %dma_start3A_69 = arith.constant 0 : i32
      %dma_start3A_70 = tpu.memref_slice %arg9[%dma_start3A_68, %dma_start3A_69] : memref<128x128xf32, #tpu.memory_space<vmem>> -> memref<120x128xf32, #tpu.memory_space<vmem>>
      %dma_start3A_71 = arith.constant 0 : i32
      %dma_start3A_72 = tpu.memref_slice %arg11[%add3A_30, %dma_start3A_71] : memref<10112x128xf32, #tpu.memory_space<vmem_shared>> -> memref<120x128xf32, #tpu.memory_space<vmem_shared>>
      %dma_start3A_73 = arith.constant 0 : i32
      %dma_start3A_74 = tpu.memref_slice %arg11[%add3A_30, %dma_start3A_73] : memref<10112x128xf32, #tpu.memory_space<vmem_shared>> -> memref<120x128xf32, #tpu.memory_space<vmem_shared>>
      %dma_start3A_75 = arith.constant 0 : i32
      %dma_start3A_76 = arith.constant 0 : i32
      %dma_start3A_77 = tpu.memref_slice %arg9[%dma_start3A_75, %dma_start3A_76] : memref<128x128xf32, #tpu.memory_space<vmem>> -> memref<120x128xf32, #tpu.memory_space<vmem>>
      tpu.enqueue_dma source(%dma_start3A_77 : memref<120x128xf32, #tpu.memory_space<vmem>>) target(%dma_start3A_74 : memref<120x128xf32, #tpu.memory_space<vmem_shared>>) target_semaphore(%run_scoped3A : memref<!tpu.dma_semaphore, #tpu.memory_space<semaphore_mem>>)
      %dma_wait3A_78 = arith.constant 0 : i32
      %dma_wait3A_79 = arith.constant 0 : i32
      %dma_wait3A_80 = tpu.memref_slice %arg9[%dma_wait3A_78, %dma_wait3A_79] : memref<128x128xf32, #tpu.memory_space<vmem>> -> memref<120x128xf32, #tpu.memory_space<vmem>>
      %dma_wait3A_81 = arith.constant 0 : i32
      %dma_wait3A_82 = tpu.memref_slice %arg11[%add3A_30, %dma_wait3A_81] : memref<10112x128xf32, #tpu.memory_space<vmem_shared>> -> memref<120x128xf32, #tpu.memory_space<vmem_shared>>
      %dma_wait3A_83 = arith.constant 0 : i32
      %dma_wait3A_84 = tpu.memref_slice %arg11[%add3A_30, %dma_wait3A_83] : memref<10112x128xf32, #tpu.memory_space<vmem_shared>> -> memref<120x128xf32, #tpu.memory_space<vmem_shared>>
      %dma_wait3A_85 = arith.constant 0 : i32
      %dma_wait3A_86 = arith.constant 0 : i32
      %dma_wait3A_87 = tpu.memref_slice %arg9[%dma_wait3A_85, %dma_wait3A_86] : memref<128x128xf32, #tpu.memory_space<vmem>> -> memref<120x128xf32, #tpu.memory_space<vmem>>
      tpu.wait_dma2 semaphore(%run_scoped3A : memref<!tpu.dma_semaphore, #tpu.memory_space<semaphore_mem>>) src(%dma_wait3A_87 : memref<120x128xf32, #tpu.memory_space<vmem>>) dst(%dma_wait3A_84 : memref<120x128xf32, #tpu.memory_space<vmem_shared>>)
      tpu.yield
    }) : () -> ()
    %barrier3A = arith.constant 0 : index
    tpu.barrier barrier_id(%barrier3A)
    %dma_start3A_31 = arith.constant 0 : i32
    %dma_start3A_32 = tpu.memref_slice %arg7[%dma_start3A_31] : memref<80xi32, #tpu.memory_space<vmem>> -> memref<40xi32, #tpu.memory_space<vmem>>
    %dma_start3A_33 = arith.constant 0 : i32
    %dma_start3A_34 = arith.constant 0 : i32
    %dma_start3A_35 = tpu.memref_slice %arg4[%dma_start3A_33, %dma_start3A_34] : memref<2560x128xi32, #tpu.memory_space<hbm>> -> memref<2560x128xi32, #tpu.memory_space<hbm>>
    tpu.enqueue_indirect_dma source(%dma_start3A_35 : memref<2560x128xi32, #tpu.memory_space<hbm>>) target(%arg8 : memref<40x128xi32, #tpu.memory_space<vmem>>) offsets(%dma_start3A_32 : memref<40xi32, #tpu.memory_space<vmem>>) semaphore(%arg12 : memref<!tpu.dma_semaphore, #tpu.memory_space<semaphore_mem>>)
    %dma_wait3A_36 = arith.constant 0 : i32
    %dma_wait3A_37 = tpu.memref_slice %arg7[%dma_wait3A_36] : memref<80xi32, #tpu.memory_space<vmem>> -> memref<40xi32, #tpu.memory_space<vmem>>
    %dma_wait3A_38 = arith.constant 0 : i32
    %dma_wait3A_39 = arith.constant 0 : i32
    %dma_wait3A_40 = tpu.memref_slice %arg4[%dma_wait3A_38, %dma_wait3A_39] : memref<2560x128xi32, #tpu.memory_space<hbm>> -> memref<2560x128xi32, #tpu.memory_space<hbm>>
    tpu.wait_indirect_dma semaphore(%arg12 : memref<!tpu.dma_semaphore, #tpu.memory_space<semaphore_mem>>) src(%dma_wait3A_40 : memref<2560x128xi32, #tpu.memory_space<hbm>>) dst(%arg8 : memref<40x128xi32, #tpu.memory_space<vmem>>)
    %scan3A_41 = arith.constant 0 : i32
    %scan3A_42 = arith.constant 0 : i32
    %scan3A_43 = arith.constant 20 : i32
    %scan3A_44 = arith.addi %scan3A_42, %scan3A_43 : i32
    %scan3A_45 = arith.constant 1 : i32
    scf.for %scan3A_68 = %scan3A_42 to %scan3A_44 step %scan3A_45  : i32 {
      %mul3A_69 = arith.constant 2 : i32
      %mul3A_70 = arith.muli %scan3A_68, %mul3A_69 : i32
      %add3A_71 = arith.constant 0 : i32
      %add3A_72 = arith.addi %add3A_71, %mul3A_70 : i32
      %mul3A_73 = arith.constant 2 : i32
      %mul3A_74 = arith.muli %scan3A_68, %mul3A_73 : i32
      %add3A_75 = arith.constant 0 : i32
      %add3A_76 = arith.addi %add3A_72, %add3A_75 : i32
      %dma_start3A_77 = arith.constant 0 : i32
      %dma_start3A_78 = tpu.memref_slice %arg6[%add3A_76, %dma_start3A_77] : memref<80x128xi32, #tpu.memory_space<vmem>> -> memref<1x128xi32, #tpu.memory_space<vmem>>
      %dma_start3A_79 = tpu.memref_squeeze %dma_start3A_78 : memref<1x128xi32, #tpu.memory_space<vmem>> -> memref<128xi32, #tpu.memory_space<vmem>>
      %dma_start3A_80 = arith.constant 0 : i32
      %dma_start3A_81 = arith.constant 0 : i32
      %dma_start3A_82 = tpu.memref_slice %arg2[%dma_start3A_80, %dma_start3A_81] : memref<10000x128xf32, #tpu.memory_space<hbm>> -> memref<10000x128xf32, #tpu.memory_space<hbm>>
      tpu.enqueue_indirect_dma source(%dma_start3A_82 : memref<10000x128xf32, #tpu.memory_space<hbm>>) target(%arg9 : memref<128x128xf32, #tpu.memory_space<vmem>>) offsets(%dma_start3A_79 : memref<128xi32, #tpu.memory_space<vmem>>) semaphore(%arg12 : memref<!tpu.dma_semaphore, #tpu.memory_space<semaphore_mem>>)
      %add3A_83 = arith.constant 1 : i32
      %add3A_84 = arith.addi %add3A_72, %add3A_83 : i32
      %dma_start3A_85 = arith.constant 0 : i32
      %dma_start3A_86 = tpu.memref_slice %arg6[%add3A_84, %dma_start3A_85] : memref<80x128xi32, #tpu.memory_space<vmem>> -> memref<1x128xi32, #tpu.memory_space<vmem>>
      %dma_start3A_87 = tpu.memref_squeeze %dma_start3A_86 : memref<1x128xi32, #tpu.memory_space<vmem>> -> memref<128xi32, #tpu.memory_space<vmem>>
      %dma_start3A_88 = arith.constant 0 : i32
      %dma_start3A_89 = arith.constant 0 : i32
      %dma_start3A_90 = tpu.memref_slice %arg2[%dma_start3A_88, %dma_start3A_89] : memref<10000x128xf32, #tpu.memory_space<hbm>> -> memref<10000x128xf32, #tpu.memory_space<hbm>>
      tpu.enqueue_indirect_dma source(%dma_start3A_90 : memref<10000x128xf32, #tpu.memory_space<hbm>>) target(%arg10 : memref<128x128xf32, #tpu.memory_space<vmem>>) offsets(%dma_start3A_87 : memref<128xi32, #tpu.memory_space<vmem>>) semaphore(%arg12 : memref<!tpu.dma_semaphore, #tpu.memory_space<semaphore_mem>>)
      %dma_wait3A_91 = arith.constant 0 : i32
      %dma_wait3A_92 = tpu.memref_slice %arg6[%add3A_76, %dma_wait3A_91] : memref<80x128xi32, #tpu.memory_space<vmem>> -> memref<1x128xi32, #tpu.memory_space<vmem>>
      %dma_wait3A_93 = tpu.memref_squeeze %dma_wait3A_92 : memref<1x128xi32, #tpu.memory_space<vmem>> -> memref<128xi32, #tpu.memory_space<vmem>>
      %dma_wait3A_94 = arith.constant 0 : i32
      %dma_wait3A_95 = arith.constant 0 : i32
      %dma_wait3A_96 = tpu.memref_slice %arg2[%dma_wait3A_94, %dma_wait3A_95] : memref<10000x128xf32, #tpu.memory_space<hbm>> -> memref<10000x128xf32, #tpu.memory_space<hbm>>
      tpu.wait_indirect_dma semaphore(%arg12 : memref<!tpu.dma_semaphore, #tpu.memory_space<semaphore_mem>>) src(%dma_wait3A_96 : memref<10000x128xf32, #tpu.memory_space<hbm>>) dst(%arg9 : memref<128x128xf32, #tpu.memory_space<vmem>>)
      %add3A_97 = arith.constant 0 : i32
      %add3A_98 = arith.addi %mul3A_74, %add3A_97 : i32
      %dma_start3A_99 = arith.constant 0 : i32
      %dma_start3A_100 = tpu.memref_slice %arg8[%add3A_98, %dma_start3A_99] : memref<40x128xi32, #tpu.memory_space<vmem>> -> memref<1x128xi32, #tpu.memory_space<vmem>>
      %dma_start3A_101 = tpu.memref_squeeze %dma_start3A_100 : memref<1x128xi32, #tpu.memory_space<vmem>> -> memref<128xi32, #tpu.memory_space<vmem>>
      %dma_start3A_102 = arith.constant 0 : i32
      %dma_start3A_103 = arith.constant 0 : i32
      %dma_start3A_104 = tpu.memref_slice %arg11[%dma_start3A_102, %dma_start3A_103] : memref<10112x128xf32, #tpu.memory_space<vmem_shared>> -> memref<10112x128xf32, #tpu.memory_space<vmem_shared>>
      tpu.enqueue_indirect_dma source(%arg9 : memref<128x128xf32, #tpu.memory_space<vmem>>) target(%dma_start3A_104 : memref<10112x128xf32, #tpu.memory_space<vmem_shared>>) offsets(%dma_start3A_101 : memref<128xi32, #tpu.memory_space<vmem>>) semaphore(%arg13 : memref<!tpu.dma_semaphore, #tpu.memory_space<semaphore_mem>>) {add = true}
      %dma_wait3A_105 = arith.constant 0 : i32
      %dma_wait3A_106 = tpu.memref_slice %arg6[%add3A_84, %dma_wait3A_105] : memref<80x128xi32, #tpu.memory_space<vmem>> -> memref<1x128xi32, #tpu.memory_space<vmem>>
      %dma_wait3A_107 = tpu.memref_squeeze %dma_wait3A_106 : memref<1x128xi32, #tpu.memory_space<vmem>> -> memref<128xi32, #tpu.memory_space<vmem>>
      %dma_wait3A_108 = arith.constant 0 : i32
      %dma_wait3A_109 = arith.constant 0 : i32
      %dma_wait3A_110 = tpu.memref_slice %arg2[%dma_wait3A_108, %dma_wait3A_109] : memref<10000x128xf32, #tpu.memory_space<hbm>> -> memref<10000x128xf32, #tpu.memory_space<hbm>>
      tpu.wait_indirect_dma semaphore(%arg12 : memref<!tpu.dma_semaphore, #tpu.memory_space<semaphore_mem>>) src(%dma_wait3A_110 : memref<10000x128xf32, #tpu.memory_space<hbm>>) dst(%arg10 : memref<128x128xf32, #tpu.memory_space<vmem>>)
      %add3A_111 = arith.constant 1 : i32
      %add3A_112 = arith.addi %mul3A_74, %add3A_111 : i32
      %dma_start3A_113 = arith.constant 0 : i32
      %dma_start3A_114 = tpu.memref_slice %arg8[%add3A_112, %dma_start3A_113] : memref<40x128xi32, #tpu.memory_space<vmem>> -> memref<1x128xi32, #tpu.memory_space<vmem>>
      %dma_start3A_115 = tpu.memref_squeeze %dma_start3A_114 : memref<1x128xi32, #tpu.memory_space<vmem>> -> memref<128xi32, #tpu.memory_space<vmem>>
      %dma_start3A_116 = arith.constant 0 : i32
      %dma_start3A_117 = arith.constant 0 : i32
      %dma_start3A_118 = tpu.memref_slice %arg11[%dma_start3A_116, %dma_start3A_117] : memref<10112x128xf32, #tpu.memory_space<vmem_shared>> -> memref<10112x128xf32, #tpu.memory_space<vmem_shared>>
      tpu.enqueue_indirect_dma source(%arg10 : memref<128x128xf32, #tpu.memory_space<vmem>>) target(%dma_start3A_118 : memref<10112x128xf32, #tpu.memory_space<vmem_shared>>) offsets(%dma_start3A_115 : memref<128xi32, #tpu.memory_space<vmem>>) semaphore(%arg13 : memref<!tpu.dma_semaphore, #tpu.memory_space<semaphore_mem>>) {add = true}
      %dma_wait3A_119 = arith.constant 0 : i32
      %dma_wait3A_120 = tpu.memref_slice %arg8[%add3A_98, %dma_wait3A_119] : memref<40x128xi32, #tpu.memory_space<vmem>> -> memref<1x128xi32, #tpu.memory_space<vmem>>
      %dma_wait3A_121 = tpu.memref_squeeze %dma_wait3A_120 : memref<1x128xi32, #tpu.memory_space<vmem>> -> memref<128xi32, #tpu.memory_space<vmem>>
      %dma_wait3A_122 = arith.constant 0 : i32
      %dma_wait3A_123 = arith.constant 0 : i32
      %dma_wait3A_124 = tpu.memref_slice %arg11[%dma_wait3A_122, %dma_wait3A_123] : memref<10112x128xf32, #tpu.memory_space<vmem_shared>> -> memref<10112x128xf32, #tpu.memory_space<vmem_shared>>
      tpu.wait_indirect_dma semaphore(%arg13 : memref<!tpu.dma_semaphore, #tpu.memory_space<semaphore_mem>>) src(%arg9 : memref<128x128xf32, #tpu.memory_space<vmem>>) dst(%dma_wait3A_124 : memref<10112x128xf32, #tpu.memory_space<vmem_shared>>)
      %dma_wait3A_125 = arith.constant 0 : i32
      %dma_wait3A_126 = tpu.memref_slice %arg8[%add3A_112, %dma_wait3A_125] : memref<40x128xi32, #tpu.memory_space<vmem>> -> memref<1x128xi32, #tpu.memory_space<vmem>>
      %dma_wait3A_127 = tpu.memref_squeeze %dma_wait3A_126 : memref<1x128xi32, #tpu.memory_space<vmem>> -> memref<128xi32, #tpu.memory_space<vmem>>
      %dma_wait3A_128 = arith.constant 0 : i32
      %dma_wait3A_129 = arith.constant 0 : i32
      %dma_wait3A_130 = tpu.memref_slice %arg11[%dma_wait3A_128, %dma_wait3A_129] : memref<10112x128xf32, #tpu.memory_space<vmem_shared>> -> memref<10112x128xf32, #tpu.memory_space<vmem_shared>>
      tpu.wait_indirect_dma semaphore(%arg13 : memref<!tpu.dma_semaphore, #tpu.memory_space<semaphore_mem>>) src(%arg10 : memref<128x128xf32, #tpu.memory_space<vmem>>) dst(%dma_wait3A_130 : memref<10112x128xf32, #tpu.memory_space<vmem_shared>>)
    }
    %scan3A_46 = arith.constant 20 : i32
    %dma_start3A_47 = arith.constant 40 : i32
    %dma_start3A_48 = tpu.memref_slice %arg7[%dma_start3A_47] : memref<80xi32, #tpu.memory_space<vmem>> -> memref<40xi32, #tpu.memory_space<vmem>>
    %dma_start3A_49 = arith.constant 0 : i32
    %dma_start3A_50 = arith.constant 0 : i32
    %dma_start3A_51 = tpu.memref_slice %arg4[%dma_start3A_49, %dma_start3A_50] : memref<2560x128xi32, #tpu.memory_space<hbm>> -> memref<2560x128xi32, #tpu.memory_space<hbm>>
    tpu.enqueue_indirect_dma source(%dma_start3A_51 : memref<2560x128xi32, #tpu.memory_space<hbm>>) target(%arg8 : memref<40x128xi32, #tpu.memory_space<vmem>>) offsets(%dma_start3A_48 : memref<40xi32, #tpu.memory_space<vmem>>) semaphore(%arg12 : memref<!tpu.dma_semaphore, #tpu.memory_space<semaphore_mem>>)
    %dma_wait3A_52 = arith.constant 40 : i32
    %dma_wait3A_53 = tpu.memref_slice %arg7[%dma_wait3A_52] : memref<80xi32, #tpu.memory_space<vmem>> -> memref<40xi32, #tpu.memory_space<vmem>>
    %dma_wait3A_54 = arith.constant 0 : i32
    %dma_wait3A_55 = arith.constant 0 : i32
    %dma_wait3A_56 = tpu.memref_slice %arg4[%dma_wait3A_54, %dma_wait3A_55] : memref<2560x128xi32, #tpu.memory_space<hbm>> -> memref<2560x128xi32, #tpu.memory_space<hbm>>
    tpu.wait_indirect_dma semaphore(%arg12 : memref<!tpu.dma_semaphore, #tpu.memory_space<semaphore_mem>>) src(%dma_wait3A_56 : memref<2560x128xi32, #tpu.memory_space<hbm>>) dst(%arg8 : memref<40x128xi32, #tpu.memory_space<vmem>>)
    %scan3A_57 = arith.constant 0 : i32
    %scan3A_58 = arith.constant 0 : i32
    %scan3A_59 = arith.constant 20 : i32
    %scan3A_60 = arith.addi %scan3A_58, %scan3A_59 : i32
    %scan3A_61 = arith.constant 1 : i32
    scf.for %scan3A_68 = %scan3A_58 to %scan3A_60 step %scan3A_61  : i32 {
      %mul3A_69 = arith.constant 2 : i32
      %mul3A_70 = arith.muli %scan3A_68, %mul3A_69 : i32
      %add3A_71 = arith.constant 40 : i32
      %add3A_72 = arith.addi %add3A_71, %mul3A_70 : i32
      %mul3A_73 = arith.constant 2 : i32
      %mul3A_74 = arith.muli %scan3A_68, %mul3A_73 : i32
      %add3A_75 = arith.constant 0 : i32
      %add3A_76 = arith.addi %add3A_72, %add3A_75 : i32
      %dma_start3A_77 = arith.constant 0 : i32
      %dma_start3A_78 = tpu.memref_slice %arg6[%add3A_76, %dma_start3A_77] : memref<80x128xi32, #tpu.memory_space<vmem>> -> memref<1x128xi32, #tpu.memory_space<vmem>>
      %dma_start3A_79 = tpu.memref_squeeze %dma_start3A_78 : memref<1x128xi32, #tpu.memory_space<vmem>> -> memref<128xi32, #tpu.memory_space<vmem>>
      %dma_start3A_80 = arith.constant 0 : i32
      %dma_start3A_81 = arith.constant 0 : i32
      %dma_start3A_82 = tpu.memref_slice %arg2[%dma_start3A_80, %dma_start3A_81] : memref<10000x128xf32, #tpu.memory_space<hbm>> -> memref<10000x128xf32, #tpu.memory_space<hbm>>
      tpu.enqueue_indirect_dma source(%dma_start3A_82 : memref<10000x128xf32, #tpu.memory_space<hbm>>) target(%arg9 : memref<128x128xf32, #tpu.memory_space<vmem>>) offsets(%dma_start3A_79 : memref<128xi32, #tpu.memory_space<vmem>>) semaphore(%arg12 : memref<!tpu.dma_semaphore, #tpu.memory_space<semaphore_mem>>)
      %add3A_83 = arith.constant 1 : i32
      %add3A_84 = arith.addi %add3A_72, %add3A_83 : i32
      %dma_start3A_85 = arith.constant 0 : i32
      %dma_start3A_86 = tpu.memref_slice %arg6[%add3A_84, %dma_start3A_85] : memref<80x128xi32, #tpu.memory_space<vmem>> -> memref<1x128xi32, #tpu.memory_space<vmem>>
      %dma_start3A_87 = tpu.memref_squeeze %dma_start3A_86 : memref<1x128xi32, #tpu.memory_space<vmem>> -> memref<128xi32, #tpu.memory_space<vmem>>
      %dma_start3A_88 = arith.constant 0 : i32
      %dma_start3A_89 = arith.constant 0 : i32
      %dma_start3A_90 = tpu.memref_slice %arg2[%dma_start3A_88, %dma_start3A_89] : memref<10000x128xf32, #tpu.memory_space<hbm>> -> memref<10000x128xf32, #tpu.memory_space<hbm>>
      tpu.enqueue_indirect_dma source(%dma_start3A_90 : memref<10000x128xf32, #tpu.memory_space<hbm>>) target(%arg10 : memref<128x128xf32, #tpu.memory_space<vmem>>) offsets(%dma_start3A_87 : memref<128xi32, #tpu.memory_space<vmem>>) semaphore(%arg12 : memref<!tpu.dma_semaphore, #tpu.memory_space<semaphore_mem>>)
      %dma_wait3A_91 = arith.constant 0 : i32
      %dma_wait3A_92 = tpu.memref_slice %arg6[%add3A_76, %dma_wait3A_91] : memref<80x128xi32, #tpu.memory_space<vmem>> -> memref<1x128xi32, #tpu.memory_space<vmem>>
      %dma_wait3A_93 = tpu.memref_squeeze %dma_wait3A_92 : memref<1x128xi32, #tpu.memory_space<vmem>> -> memref<128xi32, #tpu.memory_space<vmem>>
      %dma_wait3A_94 = arith.constant 0 : i32
      %dma_wait3A_95 = arith.constant 0 : i32
      %dma_wait3A_96 = tpu.memref_slice %arg2[%dma_wait3A_94, %dma_wait3A_95] : memref<10000x128xf32, #tpu.memory_space<hbm>> -> memref<10000x128xf32, #tpu.memory_space<hbm>>
      tpu.wait_indirect_dma semaphore(%arg12 : memref<!tpu.dma_semaphore, #tpu.memory_space<semaphore_mem>>) src(%dma_wait3A_96 : memref<10000x128xf32, #tpu.memory_space<hbm>>) dst(%arg9 : memref<128x128xf32, #tpu.memory_space<vmem>>)
      %add3A_97 = arith.constant 0 : i32
      %add3A_98 = arith.addi %mul3A_74, %add3A_97 : i32
      %dma_start3A_99 = arith.constant 0 : i32
      %dma_start3A_100 = tpu.memref_slice %arg8[%add3A_98, %dma_start3A_99] : memref<40x128xi32, #tpu.memory_space<vmem>> -> memref<1x128xi32, #tpu.memory_space<vmem>>
      %dma_start3A_101 = tpu.memref_squeeze %dma_start3A_100 : memref<1x128xi32, #tpu.memory_space<vmem>> -> memref<128xi32, #tpu.memory_space<vmem>>
      %dma_start3A_102 = arith.constant 0 : i32
      %dma_start3A_103 = arith.constant 0 : i32
      %dma_start3A_104 = tpu.memref_slice %arg11[%dma_start3A_102, %dma_start3A_103] : memref<10112x128xf32, #tpu.memory_space<vmem_shared>> -> memref<10112x128xf32, #tpu.memory_space<vmem_shared>>
      tpu.enqueue_indirect_dma source(%arg9 : memref<128x128xf32, #tpu.memory_space<vmem>>) target(%dma_start3A_104 : memref<10112x128xf32, #tpu.memory_space<vmem_shared>>) offsets(%dma_start3A_101 : memref<128xi32, #tpu.memory_space<vmem>>) semaphore(%arg13 : memref<!tpu.dma_semaphore, #tpu.memory_space<semaphore_mem>>) {add = true}
      %dma_wait3A_105 = arith.constant 0 : i32
      %dma_wait3A_106 = tpu.memref_slice %arg6[%add3A_84, %dma_wait3A_105] : memref<80x128xi32, #tpu.memory_space<vmem>> -> memref<1x128xi32, #tpu.memory_space<vmem>>
      %dma_wait3A_107 = tpu.memref_squeeze %dma_wait3A_106 : memref<1x128xi32, #tpu.memory_space<vmem>> -> memref<128xi32, #tpu.memory_space<vmem>>
      %dma_wait3A_108 = arith.constant 0 : i32
      %dma_wait3A_109 = arith.constant 0 : i32
      %dma_wait3A_110 = tpu.memref_slice %arg2[%dma_wait3A_108, %dma_wait3A_109] : memref<10000x128xf32, #tpu.memory_space<hbm>> -> memref<10000x128xf32, #tpu.memory_space<hbm>>
      tpu.wait_indirect_dma semaphore(%arg12 : memref<!tpu.dma_semaphore, #tpu.memory_space<semaphore_mem>>) src(%dma_wait3A_110 : memref<10000x128xf32, #tpu.memory_space<hbm>>) dst(%arg10 : memref<128x128xf32, #tpu.memory_space<vmem>>)
      %add3A_111 = arith.constant 1 : i32
      %add3A_112 = arith.addi %mul3A_74, %add3A_111 : i32
      %dma_start3A_113 = arith.constant 0 : i32
      %dma_start3A_114 = tpu.memref_slice %arg8[%add3A_112, %dma_start3A_113] : memref<40x128xi32, #tpu.memory_space<vmem>> -> memref<1x128xi32, #tpu.memory_space<vmem>>
      %dma_start3A_115 = tpu.memref_squeeze %dma_start3A_114 : memref<1x128xi32, #tpu.memory_space<vmem>> -> memref<128xi32, #tpu.memory_space<vmem>>
      %dma_start3A_116 = arith.constant 0 : i32
      %dma_start3A_117 = arith.constant 0 : i32
      %dma_start3A_118 = tpu.memref_slice %arg11[%dma_start3A_116, %dma_start3A_117] : memref<10112x128xf32, #tpu.memory_space<vmem_shared>> -> memref<10112x128xf32, #tpu.memory_space<vmem_shared>>
      tpu.enqueue_indirect_dma source(%arg10 : memref<128x128xf32, #tpu.memory_space<vmem>>) target(%dma_start3A_118 : memref<10112x128xf32, #tpu.memory_space<vmem_shared>>) offsets(%dma_start3A_115 : memref<128xi32, #tpu.memory_space<vmem>>) semaphore(%arg13 : memref<!tpu.dma_semaphore, #tpu.memory_space<semaphore_mem>>) {add = true}
      %dma_wait3A_119 = arith.constant 0 : i32
      %dma_wait3A_120 = tpu.memref_slice %arg8[%add3A_98, %dma_wait3A_119] : memref<40x128xi32, #tpu.memory_space<vmem>> -> memref<1x128xi32, #tpu.memory_space<vmem>>
      %dma_wait3A_121 = tpu.memref_squeeze %dma_wait3A_120 : memref<1x128xi32, #tpu.memory_space<vmem>> -> memref<128xi32, #tpu.memory_space<vmem>>
      %dma_wait3A_122 = arith.constant 0 : i32
      %dma_wait3A_123 = arith.constant 0 : i32
      %dma_wait3A_124 = tpu.memref_slice %arg11[%dma_wait3A_122, %dma_wait3A_123] : memref<10112x128xf32, #tpu.memory_space<vmem_shared>> -> memref<10112x128xf32, #tpu.memory_space<vmem_shared>>
      tpu.wait_indirect_dma semaphore(%arg13 : memref<!tpu.dma_semaphore, #tpu.memory_space<semaphore_mem>>) src(%arg9 : memref<128x128xf32, #tpu.memory_space<vmem>>) dst(%dma_wait3A_124 : memref<10112x128xf32, #tpu.memory_space<vmem_shared>>)
      %dma_wait3A_125 = arith.constant 0 : i32
      %dma_wait3A_126 = tpu.memref_slice %arg8[%add3A_112, %dma_wait3A_125] : memref<40x128xi32, #tpu.memory_space<vmem>> -> memref<1x128xi32, #tpu.memory_space<vmem>>
      %dma_wait3A_127 = tpu.memref_squeeze %dma_wait3A_126 : memref<1x128xi32, #tpu.memory_space<vmem>> -> memref<128xi32, #tpu.memory_space<vmem>>
      %dma_wait3A_128 = arith.constant 0 : i32
      %dma_wait3A_129 = arith.constant 0 : i32
      %dma_wait3A_130 = tpu.memref_slice %arg11[%dma_wait3A_128, %dma_wait3A_129] : memref<10112x128xf32, #tpu.memory_space<vmem_shared>> -> memref<10112x128xf32, #tpu.memory_space<vmem_shared>>
      tpu.wait_indirect_dma semaphore(%arg13 : memref<!tpu.dma_semaphore, #tpu.memory_space<semaphore_mem>>) src(%arg10 : memref<128x128xf32, #tpu.memory_space<vmem>>) dst(%dma_wait3A_130 : memref<10112x128xf32, #tpu.memory_space<vmem_shared>>)
    }
    %scan3A_62 = arith.constant 20 : i32
    %barrier3A_63 = arith.constant 0 : index
    tpu.barrier barrier_id(%barrier3A_63)
    %mul3A_64 = arith.constant 632 : i32
    %mul3A_65 = arith.muli %arg1, %mul3A_64 : i32
    %mul3A_66 = arith.constant 632 : i32
    %mul3A_67 = arith.muli %arg1, %mul3A_66 : i32
    "tpu.region"() ({
      %run_scoped3A = tpu.sem_alloc : memref<!tpu.dma_semaphore, #tpu.memory_space<semaphore_mem>>
      %dma_start3A_68 = arith.constant 0 : i32
      %dma_start3A_69 = tpu.memref_slice %arg5[%arg0, %mul3A_67, %dma_start3A_68] : memref<2x10112x128xf32, #tpu.memory_space<hbm>> -> memref<1x632x128xf32, #tpu.memory_space<hbm>>
      %dma_start3A_70 = tpu.memref_squeeze %dma_start3A_69 : memref<1x632x128xf32, #tpu.memory_space<hbm>> -> memref<632x128xf32, #tpu.memory_space<hbm>>
      %dma_start3A_71 = arith.constant 0 : i32
      %dma_start3A_72 = tpu.memref_slice %arg11[%mul3A_65, %dma_start3A_71] : memref<10112x128xf32, #tpu.memory_space<vmem_shared>> -> memref<632x128xf32, #tpu.memory_space<vmem_shared>>
      tpu.enqueue_dma source(%dma_start3A_72 : memref<632x128xf32, #tpu.memory_space<vmem_shared>>) target(%dma_start3A_70 : memref<632x128xf32, #tpu.memory_space<hbm>>) target_semaphore(%run_scoped3A : memref<!tpu.dma_semaphore, #tpu.memory_space<semaphore_mem>>)
      %dma_wait3A_73 = arith.constant 0 : i32
      %dma_wait3A_74 = tpu.memref_slice %arg5[%arg0, %mul3A_67, %dma_wait3A_73] : memref<2x10112x128xf32, #tpu.memory_space<hbm>> -> memref<1x632x128xf32, #tpu.memory_space<hbm>>
      %dma_wait3A_75 = tpu.memref_squeeze %dma_wait3A_74 : memref<1x632x128xf32, #tpu.memory_space<hbm>> -> memref<632x128xf32, #tpu.memory_space<hbm>>
      %dma_wait3A_76 = arith.constant 0 : i32
      %dma_wait3A_77 = tpu.memref_slice %arg11[%mul3A_65, %dma_wait3A_76] : memref<10112x128xf32, #tpu.memory_space<vmem_shared>> -> memref<632x128xf32, #tpu.memory_space<vmem_shared>>
      tpu.wait_dma2 semaphore(%run_scoped3A : memref<!tpu.dma_semaphore, #tpu.memory_space<semaphore_mem>>) src(%dma_wait3A_77 : memref<632x128xf32, #tpu.memory_space<vmem_shared>>) dst(%dma_wait3A_75 : memref<632x128xf32, #tpu.memory_space<hbm>>)
      tpu.yield
    }) : () -> ()
    return
  }
}

#map = affine_map<(d0, d1) -> (0, 0)>
#map1 = affine_map<(d0, d1) -> (0, 0, 0)>
module attributes {stable_mosaic.version = 14 : i64} {
  func.func @k(%arg0: i32, %arg1: i32, %arg2: memref<20000x128xf32, #tpu.memory_space<hbm>>, %arg3: memref<2560x128xi32, #tpu.memory_space<hbm>>, %arg4: memref<2560x128xi32, #tpu.memory_space<hbm>>, %arg5: memref<2x10112x128xf32, #tpu.memory_space<hbm>>, %arg6: memref<80x128xi32, #tpu.memory_space<vmem>>, %arg7: memref<80xi32, #tpu.memory_space<vmem>>, %arg8: memref<40x128xi32, #tpu.memory_space<vmem>>, %arg9: memref<128x128xf32, #tpu.memory_space<vmem>>, %arg10: memref<128x128xf32, #tpu.memory_space<vmem>>, %arg11: memref<10112x128xf32, #tpu.memory_space<vmem_shared>>, %arg12: memref<!tpu.dma_semaphore, #tpu.memory_space<semaphore_mem>>, %arg13: memref<!tpu.dma_semaphore, #tpu.memory_space<semaphore_mem>>) attributes {dimension_semantics = [#tpu.dimension_semantics<core_parallel>, #tpu.dimension_semantics<subcore_parallel>], iteration_bounds = array<i64: 2, 16>, scalar_prefetch = 0 : i64, scratch_operands = 8 : i64, tpu.core_type = #tpu.core_type<sc_vector_subcore>, window_params = [{transform_indices = #map}, {transform_indices = #map}, {transform_indices = #map}, {transform_indices = #map1}]} {
    %mul3A = arith.constant 2 : i32
    %mul3A_0 = arith.muli %arg1, %mul3A : i32
    %add3A = arith.addi %mul3A_0, %arg0 : i32
    %iota3A = tpu.iota {dimensions = array<i32: 0>} : vector<16xi32>
    %mul3A_1 = arith.constant 80 : i32
    %mul3A_2 = arith.muli %add3A, %mul3A_1 : i32
    %scan3A = arith.constant 0 : i32
    %scan3A_3 = arith.constant 0 : i32
    %scan3A_4 = arith.constant 5 : i32
    %scan3A_5 = arith.addi %scan3A_3, %scan3A_4 : i32
    %scan3A_6 = arith.constant 1 : i32
    scf.for %scan3A_68 = %scan3A_3 to %scan3A_5 step %scan3A_6  : i32 {
      %mul3A_69 = arith.constant 16 : i32
      %mul3A_70 = arith.muli %scan3A_68, %mul3A_69 : i32
      %add3A_71 = arith.addi %mul3A_2, %mul3A_70 : i32
      %add3A_72 = vector.broadcast %add3A_71 : i32 to vector<16xi32>
      %add3A_73 = arith.addi %iota3A, %add3A_72 : vector<16xi32>
      %mul3A_74 = arith.constant 16 : i32
      %mul3A_75 = arith.muli %scan3A_68, %mul3A_74 : i32
      %swap3A = arith.index_cast %mul3A_75 : i32 to index
      %swap3A_76 = tpu.vector_load %arg7[%swap3A] {strides = array<i32>} : memref<80xi32, #tpu.memory_space<vmem>>, vector<16xi32>,
      %swap3A_77 = vector.shape_cast %swap3A_76 : vector<16xi32> to vector<16xi32>
      %swap3A_78 = vector.shape_cast %add3A_73 : vector<16xi32> to vector<16xi32>
      tpu.vector_store %arg7[%swap3A], %swap3A_78 {strides = array<i32>} : memref<80xi32, #tpu.memory_space<vmem>>, vector<16xi32>,
    }
    %scan3A_7 = arith.constant 5 : i32
    %dma_start3A = arith.constant 0 : i32
    %dma_start3A_8 = arith.constant 0 : i32
    %dma_start3A_9 = tpu.memref_slice %arg3[%dma_start3A, %dma_start3A_8] : memref<2560x128xi32, #tpu.memory_space<hbm>> -> memref<2560x128xi32, #tpu.memory_space<hbm>>
    tpu.enqueue_indirect_dma source(%dma_start3A_9 : memref<2560x128xi32, #tpu.memory_space<hbm>>) target(%arg6 : memref<80x128xi32, #tpu.memory_space<vmem>>) offsets(%arg7 : memref<80xi32, #tpu.memory_space<vmem>>) semaphore(%arg12 : memref<!tpu.dma_semaphore, #tpu.memory_space<semaphore_mem>>)
    %dma_wait3A = arith.constant 0 : i32
    %dma_wait3A_10 = arith.constant 0 : i32
    %dma_wait3A_11 = tpu.memref_slice %arg3[%dma_wait3A, %dma_wait3A_10] : memref<2560x128xi32, #tpu.memory_space<hbm>> -> memref<2560x128xi32, #tpu.memory_space<hbm>>
    tpu.wait_indirect_dma semaphore(%arg12 : memref<!tpu.dma_semaphore, #tpu.memory_space<semaphore_mem>>) src(%dma_wait3A_11 : memref<2560x128xi32, #tpu.memory_space<hbm>>) dst(%arg6 : memref<80x128xi32, #tpu.memory_space<vmem>>)
    %broadcast_in_dim3A = arith.constant 0.000000e+00 : f32
    %broadcast_in_dim3A_12 = vector.broadcast %broadcast_in_dim3A : f32 to vector<16xf32>
    %scan3A_13 = arith.constant 0 : i32
    %scan3A_14 = arith.constant 0 : i32
    %scan3A_15 = arith.constant 128 : i32
    %scan3A_16 = arith.addi %scan3A_14, %scan3A_15 : i32
    %scan3A_17 = arith.constant 1 : i32
    scf.for %scan3A_68 = %scan3A_14 to %scan3A_16 step %scan3A_17  : i32 {
      %swap3A = arith.index_cast %scan3A_68 : i32 to index
      %swap3A_69 = arith.constant 0 : index
      %swap3A_70 = tpu.vector_load %arg9[%swap3A, %swap3A_69] {strides = array<i32>} : memref<128x128xf32, #tpu.memory_space<vmem>>, vector<1x16xf32>,
      %swap3A_71 = vector.shape_cast %swap3A_70 : vector<1x16xf32> to vector<16xf32>
      %swap3A_72 = vector.shape_cast %broadcast_in_dim3A_12 : vector<16xf32> to vector<1x16xf32>
      tpu.vector_store %arg9[%swap3A, %swap3A_69], %swap3A_72 {strides = array<i32>} : memref<128x128xf32, #tpu.memory_space<vmem>>, vector<1x16xf32>,
      %swap3A_73 = arith.index_cast %scan3A_68 : i32 to index
      %swap3A_74 = arith.constant 16 : index
      %swap3A_75 = tpu.vector_load %arg9[%swap3A_73, %swap3A_74] {strides = array<i32>} : memref<128x128xf32, #tpu.memory_space<vmem>>, vector<1x16xf32>,
      %swap3A_76 = vector.shape_cast %swap3A_75 : vector<1x16xf32> to vector<16xf32>
      %swap3A_77 = vector.shape_cast %broadcast_in_dim3A_12 : vector<16xf32> to vector<1x16xf32>
      tpu.vector_store %arg9[%swap3A_73, %swap3A_74], %swap3A_77 {strides = array<i32>} : memref<128x128xf32, #tpu.memory_space<vmem>>, vector<1x16xf32>,
      %swap3A_78 = arith.index_cast %scan3A_68 : i32 to index
      %swap3A_79 = arith.constant 32 : index
      %swap3A_80 = tpu.vector_load %arg9[%swap3A_78, %swap3A_79] {strides = array<i32>} : memref<128x128xf32, #tpu.memory_space<vmem>>, vector<1x16xf32>,
      %swap3A_81 = vector.shape_cast %swap3A_80 : vector<1x16xf32> to vector<16xf32>
      %swap3A_82 = vector.shape_cast %broadcast_in_dim3A_12 : vector<16xf32> to vector<1x16xf32>
      tpu.vector_store %arg9[%swap3A_78, %swap3A_79], %swap3A_82 {strides = array<i32>} : memref<128x128xf32, #tpu.memory_space<vmem>>, vector<1x16xf32>,
      %swap3A_83 = arith.index_cast %scan3A_68 : i32 to index
      %swap3A_84 = arith.constant 48 : index
      %swap3A_85 = tpu.vector_load %arg9[%swap3A_83, %swap3A_84] {strides = array<i32>} : memref<128x128xf32, #tpu.memory_space<vmem>>, vector<1x16xf32>,
      %swap3A_86 = vector.shape_cast %swap3A_85 : vector<1x16xf32> to vector<16xf32>
      %swap3A_87 = vector.shape_cast %broadcast_in_dim3A_12 : vector<16xf32> to vector<1x16xf32>
      tpu.vector_store %arg9[%swap3A_83, %swap3A_84], %swap3A_87 {strides = array<i32>} : memref<128x128xf32, #tpu.memory_space<vmem>>, vector<1x16xf32>,
      %swap3A_88 = arith.index_cast %scan3A_68 : i32 to index
      %swap3A_89 = arith.constant 64 : index
      %swap3A_90 = tpu.vector_load %arg9[%swap3A_88, %swap3A_89] {strides = array<i32>} : memref<128x128xf32, #tpu.memory_space<vmem>>, vector<1x16xf32>,
      %swap3A_91 = vector.shape_cast %swap3A_90 : vector<1x16xf32> to vector<16xf32>
      %swap3A_92 = vector.shape_cast %broadcast_in_dim3A_12 : vector<16xf32> to vector<1x16xf32>
      tpu.vector_store %arg9[%swap3A_88, %swap3A_89], %swap3A_92 {strides = array<i32>} : memref<128x128xf32, #tpu.memory_space<vmem>>, vector<1x16xf32>,
      %swap3A_93 = arith.index_cast %scan3A_68 : i32 to index
      %swap3A_94 = arith.constant 80 : index
      %swap3A_95 = tpu.vector_load %arg9[%swap3A_93, %swap3A_94] {strides = array<i32>} : memref<128x128xf32, #tpu.memory_space<vmem>>, vector<1x16xf32>,
      %swap3A_96 = vector.shape_cast %swap3A_95 : vector<1x16xf32> to vector<16xf32>
      %swap3A_97 = vector.shape_cast %broadcast_in_dim3A_12 : vector<16xf32> to vector<1x16xf32>
      tpu.vector_store %arg9[%swap3A_93, %swap3A_94], %swap3A_97 {strides = array<i32>} : memref<128x128xf32, #tpu.memory_space<vmem>>, vector<1x16xf32>,
      %swap3A_98 = arith.index_cast %scan3A_68 : i32 to index
      %swap3A_99 = arith.constant 96 : index
      %swap3A_100 = tpu.vector_load %arg9[%swap3A_98, %swap3A_99] {strides = array<i32>} : memref<128x128xf32, #tpu.memory_space<vmem>>, vector<1x16xf32>,
      %swap3A_101 = vector.shape_cast %swap3A_100 : vector<1x16xf32> to vector<16xf32>
      %swap3A_102 = vector.shape_cast %broadcast_in_dim3A_12 : vector<16xf32> to vector<1x16xf32>
      tpu.vector_store %arg9[%swap3A_98, %swap3A_99], %swap3A_102 {strides = array<i32>} : memref<128x128xf32, #tpu.memory_space<vmem>>, vector<1x16xf32>,
      %swap3A_103 = arith.index_cast %scan3A_68 : i32 to index
      %swap3A_104 = arith.constant 112 : index
      %swap3A_105 = tpu.vector_load %arg9[%swap3A_103, %swap3A_104] {strides = array<i32>} : memref<128x128xf32, #tpu.memory_space<vmem>>, vector<1x16xf32>,
      %swap3A_106 = vector.shape_cast %swap3A_105 : vector<1x16xf32> to vector<16xf32>
      %swap3A_107 = vector.shape_cast %broadcast_in_dim3A_12 : vector<16xf32> to vector<1x16xf32>
      tpu.vector_store %arg9[%swap3A_103, %swap3A_104], %swap3A_107 {strides = array<i32>} : memref<128x128xf32, #tpu.memory_space<vmem>>, vector<1x16xf32>,
    }
    %scan3A_18 = arith.constant 128 : i32
    %mul3A_19 = arith.constant 632 : i32
    %mul3A_20 = arith.muli %arg1, %mul3A_19 : i32
    %add3A_21 = arith.constant 0 : i32
    %add3A_22 = arith.addi %mul3A_20, %add3A_21 : i32
    "tpu.region"() ({
      %run_scoped3A = tpu.sem_alloc : memref<!tpu.dma_semaphore, #tpu.memory_space<semaphore_mem>>
      %dma_start3A_68 = arith.constant 0 : i32
      %dma_start3A_69 = tpu.memref_slice %arg11[%add3A_22, %dma_start3A_68] : memref<10112x128xf32, #tpu.memory_space<vmem_shared>> -> memref<128x128xf32, #tpu.memory_space<vmem_shared>>
      %dma_start3A_70 = arith.constant 0 : i32
      %dma_start3A_71 = tpu.memref_slice %arg11[%add3A_22, %dma_start3A_70] : memref<10112x128xf32, #tpu.memory_space<vmem_shared>> -> memref<128x128xf32, #tpu.memory_space<vmem_shared>>
      tpu.enqueue_dma source(%arg9 : memref<128x128xf32, #tpu.memory_space<vmem>>) target(%dma_start3A_71 : memref<128x128xf32, #tpu.memory_space<vmem_shared>>) target_semaphore(%run_scoped3A : memref<!tpu.dma_semaphore, #tpu.memory_space<semaphore_mem>>)
      %dma_wait3A_72 = arith.constant 0 : i32
      %dma_wait3A_73 = tpu.memref_slice %arg11[%add3A_22, %dma_wait3A_72] : memref<10112x128xf32, #tpu.memory_space<vmem_shared>> -> memref<128x128xf32, #tpu.memory_space<vmem_shared>>
      %dma_wait3A_74 = arith.constant 0 : i32
      %dma_wait3A_75 = tpu.memref_slice %arg11[%add3A_22, %dma_wait3A_74] : memref<10112x128xf32, #tpu.memory_space<vmem_shared>> -> memref<128x128xf32, #tpu.memory_space<vmem_shared>>
      tpu.wait_dma2 semaphore(%run_scoped3A : memref<!tpu.dma_semaphore, #tpu.memory_space<semaphore_mem>>) src(%arg9 : memref<128x128xf32, #tpu.memory_space<vmem>>) dst(%dma_wait3A_75 : memref<128x128xf32, #tpu.memory_space<vmem_shared>>)
      tpu.yield
    }) : () -> ()
    %add3A_23 = arith.constant 128 : i32
    %add3A_24 = arith.addi %mul3A_20, %add3A_23 : i32
    "tpu.region"() ({
      %run_scoped3A = tpu.sem_alloc : memref<!tpu.dma_semaphore, #tpu.memory_space<semaphore_mem>>
      %dma_start3A_68 = arith.constant 0 : i32
      %dma_start3A_69 = tpu.memref_slice %arg11[%add3A_24, %dma_start3A_68] : memref<10112x128xf32, #tpu.memory_space<vmem_shared>> -> memref<128x128xf32, #tpu.memory_space<vmem_shared>>
      %dma_start3A_70 = arith.constant 0 : i32
      %dma_start3A_71 = tpu.memref_slice %arg11[%add3A_24, %dma_start3A_70] : memref<10112x128xf32, #tpu.memory_space<vmem_shared>> -> memref<128x128xf32, #tpu.memory_space<vmem_shared>>
      tpu.enqueue_dma source(%arg9 : memref<128x128xf32, #tpu.memory_space<vmem>>) target(%dma_start3A_71 : memref<128x128xf32, #tpu.memory_space<vmem_shared>>) target_semaphore(%run_scoped3A : memref<!tpu.dma_semaphore, #tpu.memory_space<semaphore_mem>>)
      %dma_wait3A_72 = arith.constant 0 : i32
      %dma_wait3A_73 = tpu.memref_slice %arg11[%add3A_24, %dma_wait3A_72] : memref<10112x128xf32, #tpu.memory_space<vmem_shared>> -> memref<128x128xf32, #tpu.memory_space<vmem_shared>>
      %dma_wait3A_74 = arith.constant 0 : i32
      %dma_wait3A_75 = tpu.memref_slice %arg11[%add3A_24, %dma_wait3A_74] : memref<10112x128xf32, #tpu.memory_space<vmem_shared>> -> memref<128x128xf32, #tpu.memory_space<vmem_shared>>
      tpu.wait_dma2 semaphore(%run_scoped3A : memref<!tpu.dma_semaphore, #tpu.memory_space<semaphore_mem>>) src(%arg9 : memref<128x128xf32, #tpu.memory_space<vmem>>) dst(%dma_wait3A_75 : memref<128x128xf32, #tpu.memory_space<vmem_shared>>)
      tpu.yield
    }) : () -> ()
    %add3A_25 = arith.constant 256 : i32
    %add3A_26 = arith.addi %mul3A_20, %add3A_25 : i32
    "tpu.region"() ({
      %run_scoped3A = tpu.sem_alloc : memref<!tpu.dma_semaphore, #tpu.memory_space<semaphore_mem>>
      %dma_start3A_68 = arith.constant 0 : i32
      %dma_start3A_69 = tpu.memref_slice %arg11[%add3A_26, %dma_start3A_68] : memref<10112x128xf32, #tpu.memory_space<vmem_shared>> -> memref<128x128xf32, #tpu.memory_space<vmem_shared>>
      %dma_start3A_70 = arith.constant 0 : i32
      %dma_start3A_71 = tpu.memref_slice %arg11[%add3A_26, %dma_start3A_70] : memref<10112x128xf32, #tpu.memory_space<vmem_shared>> -> memref<128x128xf32, #tpu.memory_space<vmem_shared>>
      tpu.enqueue_dma source(%arg9 : memref<128x128xf32, #tpu.memory_space<vmem>>) target(%dma_start3A_71 : memref<128x128xf32, #tpu.memory_space<vmem_shared>>) target_semaphore(%run_scoped3A : memref<!tpu.dma_semaphore, #tpu.memory_space<semaphore_mem>>)
      %dma_wait3A_72 = arith.constant 0 : i32
      %dma_wait3A_73 = tpu.memref_slice %arg11[%add3A_26, %dma_wait3A_72] : memref<10112x128xf32, #tpu.memory_space<vmem_shared>> -> memref<128x128xf32, #tpu.memory_space<vmem_shared>>
      %dma_wait3A_74 = arith.constant 0 : i32
      %dma_wait3A_75 = tpu.memref_slice %arg11[%add3A_26, %dma_wait3A_74] : memref<10112x128xf32, #tpu.memory_space<vmem_shared>> -> memref<128x128xf32, #tpu.memory_space<vmem_shared>>
      tpu.wait_dma2 semaphore(%run_scoped3A : memref<!tpu.dma_semaphore, #tpu.memory_space<semaphore_mem>>) src(%arg9 : memref<128x128xf32, #tpu.memory_space<vmem>>) dst(%dma_wait3A_75 : memref<128x128xf32, #tpu.memory_space<vmem_shared>>)
      tpu.yield
    }) : () -> ()
    %add3A_27 = arith.constant 384 : i32
    %add3A_28 = arith.addi %mul3A_20, %add3A_27 : i32
    "tpu.region"() ({
      %run_scoped3A = tpu.sem_alloc : memref<!tpu.dma_semaphore, #tpu.memory_space<semaphore_mem>>
      %dma_start3A_68 = arith.constant 0 : i32
      %dma_start3A_69 = tpu.memref_slice %arg11[%add3A_28, %dma_start3A_68] : memref<10112x128xf32, #tpu.memory_space<vmem_shared>> -> memref<128x128xf32, #tpu.memory_space<vmem_shared>>
      %dma_start3A_70 = arith.constant 0 : i32
      %dma_start3A_71 = tpu.memref_slice %arg11[%add3A_28, %dma_start3A_70] : memref<10112x128xf32, #tpu.memory_space<vmem_shared>> -> memref<128x128xf32, #tpu.memory_space<vmem_shared>>
      tpu.enqueue_dma source(%arg9 : memref<128x128xf32, #tpu.memory_space<vmem>>) target(%dma_start3A_71 : memref<128x128xf32, #tpu.memory_space<vmem_shared>>) target_semaphore(%run_scoped3A : memref<!tpu.dma_semaphore, #tpu.memory_space<semaphore_mem>>)
      %dma_wait3A_72 = arith.constant 0 : i32
      %dma_wait3A_73 = tpu.memref_slice %arg11[%add3A_28, %dma_wait3A_72] : memref<10112x128xf32, #tpu.memory_space<vmem_shared>> -> memref<128x128xf32, #tpu.memory_space<vmem_shared>>
      %dma_wait3A_74 = arith.constant 0 : i32
      %dma_wait3A_75 = tpu.memref_slice %arg11[%add3A_28, %dma_wait3A_74] : memref<10112x128xf32, #tpu.memory_space<vmem_shared>> -> memref<128x128xf32, #tpu.memory_space<vmem_shared>>
      tpu.wait_dma2 semaphore(%run_scoped3A : memref<!tpu.dma_semaphore, #tpu.memory_space<semaphore_mem>>) src(%arg9 : memref<128x128xf32, #tpu.memory_space<vmem>>) dst(%dma_wait3A_75 : memref<128x128xf32, #tpu.memory_space<vmem_shared>>)
      tpu.yield
    }) : () -> ()
    %add3A_29 = arith.constant 512 : i32
    %add3A_30 = arith.addi %mul3A_20, %add3A_29 : i32
    "tpu.region"() ({
      %run_scoped3A = tpu.sem_alloc : memref<!tpu.dma_semaphore, #tpu.memory_space<semaphore_mem>>
      %dma_start3A_68 = arith.constant 0 : i32
      %dma_start3A_69 = arith.constant 0 : i32
      %dma_start3A_70 = tpu.memref_slice %arg9[%dma_start3A_68, %dma_start3A_69] : memref<128x128xf32, #tpu.memory_space<vmem>> -> memref<120x128xf32, #tpu.memory_space<vmem>>
      %dma_start3A_71 = arith.constant 0 : i32
      %dma_start3A_72 = tpu.memref_slice %arg11[%add3A_30, %dma_start3A_71] : memref<10112x128xf32, #tpu.memory_space<vmem_shared>> -> memref<120x128xf32, #tpu.memory_space<vmem_shared>>
      %dma_start3A_73 = arith.constant 0 : i32
      %dma_start3A_74 = tpu.memref_slice %arg11[%add3A_30, %dma_start3A_73] : memref<10112x128xf32, #tpu.memory_space<vmem_shared>> -> memref<120x128xf32, #tpu.memory_space<vmem_shared>>
      %dma_start3A_75 = arith.constant 0 : i32
      %dma_start3A_76 = arith.constant 0 : i32
      %dma_start3A_77 = tpu.memref_slice %arg9[%dma_start3A_75, %dma_start3A_76] : memref<128x128xf32, #tpu.memory_space<vmem>> -> memref<120x128xf32, #tpu.memory_space<vmem>>
      tpu.enqueue_dma source(%dma_start3A_77 : memref<120x128xf32, #tpu.memory_space<vmem>>) target(%dma_start3A_74 : memref<120x128xf32, #tpu.memory_space<vmem_shared>>) target_semaphore(%run_scoped3A : memref<!tpu.dma_semaphore, #tpu.memory_space<semaphore_mem>>)
      %dma_wait3A_78 = arith.constant 0 : i32
      %dma_wait3A_79 = arith.constant 0 : i32
      %dma_wait3A_80 = tpu.memref_slice %arg9[%dma_wait3A_78, %dma_wait3A_79] : memref<128x128xf32, #tpu.memory_space<vmem>> -> memref<120x128xf32, #tpu.memory_space<vmem>>
      %dma_wait3A_81 = arith.constant 0 : i32
      %dma_wait3A_82 = tpu.memref_slice %arg11[%add3A_30, %dma_wait3A_81] : memref<10112x128xf32, #tpu.memory_space<vmem_shared>> -> memref<120x128xf32, #tpu.memory_space<vmem_shared>>
      %dma_wait3A_83 = arith.constant 0 : i32
      %dma_wait3A_84 = tpu.memref_slice %arg11[%add3A_30, %dma_wait3A_83] : memref<10112x128xf32, #tpu.memory_space<vmem_shared>> -> memref<120x128xf32, #tpu.memory_space<vmem_shared>>
      %dma_wait3A_85 = arith.constant 0 : i32
      %dma_wait3A_86 = arith.constant 0 : i32
      %dma_wait3A_87 = tpu.memref_slice %arg9[%dma_wait3A_85, %dma_wait3A_86] : memref<128x128xf32, #tpu.memory_space<vmem>> -> memref<120x128xf32, #tpu.memory_space<vmem>>
      tpu.wait_dma2 semaphore(%run_scoped3A : memref<!tpu.dma_semaphore, #tpu.memory_space<semaphore_mem>>) src(%dma_wait3A_87 : memref<120x128xf32, #tpu.memory_space<vmem>>) dst(%dma_wait3A_84 : memref<120x128xf32, #tpu.memory_space<vmem_shared>>)
      tpu.yield
    }) : () -> ()
    %barrier3A = arith.constant 0 : index
    tpu.barrier barrier_id(%barrier3A)
    %dma_start3A_31 = arith.constant 0 : i32
    %dma_start3A_32 = tpu.memref_slice %arg7[%dma_start3A_31] : memref<80xi32, #tpu.memory_space<vmem>> -> memref<40xi32, #tpu.memory_space<vmem>>
    %dma_start3A_33 = arith.constant 0 : i32
    %dma_start3A_34 = arith.constant 0 : i32
    %dma_start3A_35 = tpu.memref_slice %arg4[%dma_start3A_33, %dma_start3A_34] : memref<2560x128xi32, #tpu.memory_space<hbm>> -> memref<2560x128xi32, #tpu.memory_space<hbm>>
    tpu.enqueue_indirect_dma source(%dma_start3A_35 : memref<2560x128xi32, #tpu.memory_space<hbm>>) target(%arg8 : memref<40x128xi32, #tpu.memory_space<vmem>>) offsets(%dma_start3A_32 : memref<40xi32, #tpu.memory_space<vmem>>) semaphore(%arg12 : memref<!tpu.dma_semaphore, #tpu.memory_space<semaphore_mem>>)
    %dma_wait3A_36 = arith.constant 0 : i32
    %dma_wait3A_37 = tpu.memref_slice %arg7[%dma_wait3A_36] : memref<80xi32, #tpu.memory_space<vmem>> -> memref<40xi32, #tpu.memory_space<vmem>>
    %dma_wait3A_38 = arith.constant 0 : i32
    %dma_wait3A_39 = arith.constant 0 : i32
    %dma_wait3A_40 = tpu.memref_slice %arg4[%dma_wait3A_38, %dma_wait3A_39] : memref<2560x128xi32, #tpu.memory_space<hbm>> -> memref<2560x128xi32, #tpu.memory_space<hbm>>
    tpu.wait_indirect_dma semaphore(%arg12 : memref<!tpu.dma_semaphore, #tpu.memory_space<semaphore_mem>>) src(%dma_wait3A_40 : memref<2560x128xi32, #tpu.memory_space<hbm>>) dst(%arg8 : memref<40x128xi32, #tpu.memory_space<vmem>>)
    %scan3A_41 = arith.constant 0 : i32
    %scan3A_42 = arith.constant 0 : i32
    %scan3A_43 = arith.constant 20 : i32
    %scan3A_44 = arith.addi %scan3A_42, %scan3A_43 : i32
    %scan3A_45 = arith.constant 1 : i32
    scf.for %scan3A_68 = %scan3A_42 to %scan3A_44 step %scan3A_45  : i32 {
      %mul3A_69 = arith.constant 2 : i32
      %mul3A_70 = arith.muli %scan3A_68, %mul3A_69 : i32
      %add3A_71 = arith.constant 0 : i32
      %add3A_72 = arith.addi %add3A_71, %mul3A_70 : i32
      %mul3A_73 = arith.constant 2 : i32
      %mul3A_74 = arith.muli %scan3A_68, %mul3A_73 : i32
      %add3A_75 = arith.constant 0 : i32
      %add3A_76 = arith.addi %add3A_72, %add3A_75 : i32
      %dma_start3A_77 = arith.constant 0 : i32
      %dma_start3A_78 = tpu.memref_slice %arg6[%add3A_76, %dma_start3A_77] : memref<80x128xi32, #tpu.memory_space<vmem>> -> memref<1x128xi32, #tpu.memory_space<vmem>>
      %dma_start3A_79 = tpu.memref_squeeze %dma_start3A_78 : memref<1x128xi32, #tpu.memory_space<vmem>> -> memref<128xi32, #tpu.memory_space<vmem>>
      %dma_start3A_80 = arith.constant 0 : i32
      %dma_start3A_81 = arith.constant 0 : i32
      %dma_start3A_82 = tpu.memref_slice %arg2[%dma_start3A_80, %dma_start3A_81] : memref<20000x128xf32, #tpu.memory_space<hbm>> -> memref<20000x128xf32, #tpu.memory_space<hbm>>
      tpu.enqueue_indirect_dma source(%dma_start3A_82 : memref<20000x128xf32, #tpu.memory_space<hbm>>) target(%arg9 : memref<128x128xf32, #tpu.memory_space<vmem>>) offsets(%dma_start3A_79 : memref<128xi32, #tpu.memory_space<vmem>>) semaphore(%arg12 : memref<!tpu.dma_semaphore, #tpu.memory_space<semaphore_mem>>)
      %add3A_83 = arith.constant 1 : i32
      %add3A_84 = arith.addi %add3A_72, %add3A_83 : i32
      %dma_start3A_85 = arith.constant 0 : i32
      %dma_start3A_86 = tpu.memref_slice %arg6[%add3A_84, %dma_start3A_85] : memref<80x128xi32, #tpu.memory_space<vmem>> -> memref<1x128xi32, #tpu.memory_space<vmem>>
      %dma_start3A_87 = tpu.memref_squeeze %dma_start3A_86 : memref<1x128xi32, #tpu.memory_space<vmem>> -> memref<128xi32, #tpu.memory_space<vmem>>
      %dma_start3A_88 = arith.constant 0 : i32
      %dma_start3A_89 = arith.constant 0 : i32
      %dma_start3A_90 = tpu.memref_slice %arg2[%dma_start3A_88, %dma_start3A_89] : memref<20000x128xf32, #tpu.memory_space<hbm>> -> memref<20000x128xf32, #tpu.memory_space<hbm>>
      tpu.enqueue_indirect_dma source(%dma_start3A_90 : memref<20000x128xf32, #tpu.memory_space<hbm>>) target(%arg10 : memref<128x128xf32, #tpu.memory_space<vmem>>) offsets(%dma_start3A_87 : memref<128xi32, #tpu.memory_space<vmem>>) semaphore(%arg12 : memref<!tpu.dma_semaphore, #tpu.memory_space<semaphore_mem>>)
      %dma_wait3A_91 = arith.constant 0 : i32
      %dma_wait3A_92 = tpu.memref_slice %arg6[%add3A_76, %dma_wait3A_91] : memref<80x128xi32, #tpu.memory_space<vmem>> -> memref<1x128xi32, #tpu.memory_space<vmem>>
      %dma_wait3A_93 = tpu.memref_squeeze %dma_wait3A_92 : memref<1x128xi32, #tpu.memory_space<vmem>> -> memref<128xi32, #tpu.memory_space<vmem>>
      %dma_wait3A_94 = arith.constant 0 : i32
      %dma_wait3A_95 = arith.constant 0 : i32
      %dma_wait3A_96 = tpu.memref_slice %arg2[%dma_wait3A_94, %dma_wait3A_95] : memref<20000x128xf32, #tpu.memory_space<hbm>> -> memref<20000x128xf32, #tpu.memory_space<hbm>>
      tpu.wait_indirect_dma semaphore(%arg12 : memref<!tpu.dma_semaphore, #tpu.memory_space<semaphore_mem>>) src(%dma_wait3A_96 : memref<20000x128xf32, #tpu.memory_space<hbm>>) dst(%arg9 : memref<128x128xf32, #tpu.memory_space<vmem>>)
      %add3A_97 = arith.constant 0 : i32
      %add3A_98 = arith.addi %mul3A_74, %add3A_97 : i32
      %dma_start3A_99 = arith.constant 0 : i32
      %dma_start3A_100 = tpu.memref_slice %arg8[%add3A_98, %dma_start3A_99] : memref<40x128xi32, #tpu.memory_space<vmem>> -> memref<1x128xi32, #tpu.memory_space<vmem>>
      %dma_start3A_101 = tpu.memref_squeeze %dma_start3A_100 : memref<1x128xi32, #tpu.memory_space<vmem>> -> memref<128xi32, #tpu.memory_space<vmem>>
      %dma_start3A_102 = arith.constant 0 : i32
      %dma_start3A_103 = arith.constant 0 : i32
      %dma_start3A_104 = tpu.memref_slice %arg11[%dma_start3A_102, %dma_start3A_103] : memref<10112x128xf32, #tpu.memory_space<vmem_shared>> -> memref<10112x128xf32, #tpu.memory_space<vmem_shared>>
      tpu.enqueue_indirect_dma source(%arg9 : memref<128x128xf32, #tpu.memory_space<vmem>>) target(%dma_start3A_104 : memref<10112x128xf32, #tpu.memory_space<vmem_shared>>) offsets(%dma_start3A_101 : memref<128xi32, #tpu.memory_space<vmem>>) semaphore(%arg13 : memref<!tpu.dma_semaphore, #tpu.memory_space<semaphore_mem>>) {add = true}
      %dma_wait3A_105 = arith.constant 0 : i32
      %dma_wait3A_106 = tpu.memref_slice %arg6[%add3A_84, %dma_wait3A_105] : memref<80x128xi32, #tpu.memory_space<vmem>> -> memref<1x128xi32, #tpu.memory_space<vmem>>
      %dma_wait3A_107 = tpu.memref_squeeze %dma_wait3A_106 : memref<1x128xi32, #tpu.memory_space<vmem>> -> memref<128xi32, #tpu.memory_space<vmem>>
      %dma_wait3A_108 = arith.constant 0 : i32
      %dma_wait3A_109 = arith.constant 0 : i32
      %dma_wait3A_110 = tpu.memref_slice %arg2[%dma_wait3A_108, %dma_wait3A_109] : memref<20000x128xf32, #tpu.memory_space<hbm>> -> memref<20000x128xf32, #tpu.memory_space<hbm>>
      tpu.wait_indirect_dma semaphore(%arg12 : memref<!tpu.dma_semaphore, #tpu.memory_space<semaphore_mem>>) src(%dma_wait3A_110 : memref<20000x128xf32, #tpu.memory_space<hbm>>) dst(%arg10 : memref<128x128xf32, #tpu.memory_space<vmem>>)
      %add3A_111 = arith.constant 1 : i32
      %add3A_112 = arith.addi %mul3A_74, %add3A_111 : i32
      %dma_start3A_113 = arith.constant 0 : i32
      %dma_start3A_114 = tpu.memref_slice %arg8[%add3A_112, %dma_start3A_113] : memref<40x128xi32, #tpu.memory_space<vmem>> -> memref<1x128xi32, #tpu.memory_space<vmem>>
      %dma_start3A_115 = tpu.memref_squeeze %dma_start3A_114 : memref<1x128xi32, #tpu.memory_space<vmem>> -> memref<128xi32, #tpu.memory_space<vmem>>
      %dma_start3A_116 = arith.constant 0 : i32
      %dma_start3A_117 = arith.constant 0 : i32
      %dma_start3A_118 = tpu.memref_slice %arg11[%dma_start3A_116, %dma_start3A_117] : memref<10112x128xf32, #tpu.memory_space<vmem_shared>> -> memref<10112x128xf32, #tpu.memory_space<vmem_shared>>
      tpu.enqueue_indirect_dma source(%arg10 : memref<128x128xf32, #tpu.memory_space<vmem>>) target(%dma_start3A_118 : memref<10112x128xf32, #tpu.memory_space<vmem_shared>>) offsets(%dma_start3A_115 : memref<128xi32, #tpu.memory_space<vmem>>) semaphore(%arg13 : memref<!tpu.dma_semaphore, #tpu.memory_space<semaphore_mem>>) {add = true}
      %dma_wait3A_119 = arith.constant 0 : i32
      %dma_wait3A_120 = tpu.memref_slice %arg8[%add3A_98, %dma_wait3A_119] : memref<40x128xi32, #tpu.memory_space<vmem>> -> memref<1x128xi32, #tpu.memory_space<vmem>>
      %dma_wait3A_121 = tpu.memref_squeeze %dma_wait3A_120 : memref<1x128xi32, #tpu.memory_space<vmem>> -> memref<128xi32, #tpu.memory_space<vmem>>
      %dma_wait3A_122 = arith.constant 0 : i32
      %dma_wait3A_123 = arith.constant 0 : i32
      %dma_wait3A_124 = tpu.memref_slice %arg11[%dma_wait3A_122, %dma_wait3A_123] : memref<10112x128xf32, #tpu.memory_space<vmem_shared>> -> memref<10112x128xf32, #tpu.memory_space<vmem_shared>>
      tpu.wait_indirect_dma semaphore(%arg13 : memref<!tpu.dma_semaphore, #tpu.memory_space<semaphore_mem>>) src(%arg9 : memref<128x128xf32, #tpu.memory_space<vmem>>) dst(%dma_wait3A_124 : memref<10112x128xf32, #tpu.memory_space<vmem_shared>>)
      %dma_wait3A_125 = arith.constant 0 : i32
      %dma_wait3A_126 = tpu.memref_slice %arg8[%add3A_112, %dma_wait3A_125] : memref<40x128xi32, #tpu.memory_space<vmem>> -> memref<1x128xi32, #tpu.memory_space<vmem>>
      %dma_wait3A_127 = tpu.memref_squeeze %dma_wait3A_126 : memref<1x128xi32, #tpu.memory_space<vmem>> -> memref<128xi32, #tpu.memory_space<vmem>>
      %dma_wait3A_128 = arith.constant 0 : i32
      %dma_wait3A_129 = arith.constant 0 : i32
      %dma_wait3A_130 = tpu.memref_slice %arg11[%dma_wait3A_128, %dma_wait3A_129] : memref<10112x128xf32, #tpu.memory_space<vmem_shared>> -> memref<10112x128xf32, #tpu.memory_space<vmem_shared>>
      tpu.wait_indirect_dma semaphore(%arg13 : memref<!tpu.dma_semaphore, #tpu.memory_space<semaphore_mem>>) src(%arg10 : memref<128x128xf32, #tpu.memory_space<vmem>>) dst(%dma_wait3A_130 : memref<10112x128xf32, #tpu.memory_space<vmem_shared>>)
    }
    %scan3A_46 = arith.constant 20 : i32
    %dma_start3A_47 = arith.constant 40 : i32
    %dma_start3A_48 = tpu.memref_slice %arg7[%dma_start3A_47] : memref<80xi32, #tpu.memory_space<vmem>> -> memref<40xi32, #tpu.memory_space<vmem>>
    %dma_start3A_49 = arith.constant 0 : i32
    %dma_start3A_50 = arith.constant 0 : i32
    %dma_start3A_51 = tpu.memref_slice %arg4[%dma_start3A_49, %dma_start3A_50] : memref<2560x128xi32, #tpu.memory_space<hbm>> -> memref<2560x128xi32, #tpu.memory_space<hbm>>
    tpu.enqueue_indirect_dma source(%dma_start3A_51 : memref<2560x128xi32, #tpu.memory_space<hbm>>) target(%arg8 : memref<40x128xi32, #tpu.memory_space<vmem>>) offsets(%dma_start3A_48 : memref<40xi32, #tpu.memory_space<vmem>>) semaphore(%arg12 : memref<!tpu.dma_semaphore, #tpu.memory_space<semaphore_mem>>)
    %dma_wait3A_52 = arith.constant 40 : i32
    %dma_wait3A_53 = tpu.memref_slice %arg7[%dma_wait3A_52] : memref<80xi32, #tpu.memory_space<vmem>> -> memref<40xi32, #tpu.memory_space<vmem>>
    %dma_wait3A_54 = arith.constant 0 : i32
    %dma_wait3A_55 = arith.constant 0 : i32
    %dma_wait3A_56 = tpu.memref_slice %arg4[%dma_wait3A_54, %dma_wait3A_55] : memref<2560x128xi32, #tpu.memory_space<hbm>> -> memref<2560x128xi32, #tpu.memory_space<hbm>>
    tpu.wait_indirect_dma semaphore(%arg12 : memref<!tpu.dma_semaphore, #tpu.memory_space<semaphore_mem>>) src(%dma_wait3A_56 : memref<2560x128xi32, #tpu.memory_space<hbm>>) dst(%arg8 : memref<40x128xi32, #tpu.memory_space<vmem>>)
    %scan3A_57 = arith.constant 0 : i32
    %scan3A_58 = arith.constant 0 : i32
    %scan3A_59 = arith.constant 20 : i32
    %scan3A_60 = arith.addi %scan3A_58, %scan3A_59 : i32
    %scan3A_61 = arith.constant 1 : i32
    scf.for %scan3A_68 = %scan3A_58 to %scan3A_60 step %scan3A_61  : i32 {
      %mul3A_69 = arith.constant 2 : i32
      %mul3A_70 = arith.muli %scan3A_68, %mul3A_69 : i32
      %add3A_71 = arith.constant 40 : i32
      %add3A_72 = arith.addi %add3A_71, %mul3A_70 : i32
      %mul3A_73 = arith.constant 2 : i32
      %mul3A_74 = arith.muli %scan3A_68, %mul3A_73 : i32
      %add3A_75 = arith.constant 0 : i32
      %add3A_76 = arith.addi %add3A_72, %add3A_75 : i32
      %dma_start3A_77 = arith.constant 0 : i32
      %dma_start3A_78 = tpu.memref_slice %arg6[%add3A_76, %dma_start3A_77] : memref<80x128xi32, #tpu.memory_space<vmem>> -> memref<1x128xi32, #tpu.memory_space<vmem>>
      %dma_start3A_79 = tpu.memref_squeeze %dma_start3A_78 : memref<1x128xi32, #tpu.memory_space<vmem>> -> memref<128xi32, #tpu.memory_space<vmem>>
      %dma_start3A_80 = arith.constant 0 : i32
      %dma_start3A_81 = arith.constant 0 : i32
      %dma_start3A_82 = tpu.memref_slice %arg2[%dma_start3A_80, %dma_start3A_81] : memref<20000x128xf32, #tpu.memory_space<hbm>> -> memref<20000x128xf32, #tpu.memory_space<hbm>>
      tpu.enqueue_indirect_dma source(%dma_start3A_82 : memref<20000x128xf32, #tpu.memory_space<hbm>>) target(%arg9 : memref<128x128xf32, #tpu.memory_space<vmem>>) offsets(%dma_start3A_79 : memref<128xi32, #tpu.memory_space<vmem>>) semaphore(%arg12 : memref<!tpu.dma_semaphore, #tpu.memory_space<semaphore_mem>>)
      %add3A_83 = arith.constant 1 : i32
      %add3A_84 = arith.addi %add3A_72, %add3A_83 : i32
      %dma_start3A_85 = arith.constant 0 : i32
      %dma_start3A_86 = tpu.memref_slice %arg6[%add3A_84, %dma_start3A_85] : memref<80x128xi32, #tpu.memory_space<vmem>> -> memref<1x128xi32, #tpu.memory_space<vmem>>
      %dma_start3A_87 = tpu.memref_squeeze %dma_start3A_86 : memref<1x128xi32, #tpu.memory_space<vmem>> -> memref<128xi32, #tpu.memory_space<vmem>>
      %dma_start3A_88 = arith.constant 0 : i32
      %dma_start3A_89 = arith.constant 0 : i32
      %dma_start3A_90 = tpu.memref_slice %arg2[%dma_start3A_88, %dma_start3A_89] : memref<20000x128xf32, #tpu.memory_space<hbm>> -> memref<20000x128xf32, #tpu.memory_space<hbm>>
      tpu.enqueue_indirect_dma source(%dma_start3A_90 : memref<20000x128xf32, #tpu.memory_space<hbm>>) target(%arg10 : memref<128x128xf32, #tpu.memory_space<vmem>>) offsets(%dma_start3A_87 : memref<128xi32, #tpu.memory_space<vmem>>) semaphore(%arg12 : memref<!tpu.dma_semaphore, #tpu.memory_space<semaphore_mem>>)
      %dma_wait3A_91 = arith.constant 0 : i32
      %dma_wait3A_92 = tpu.memref_slice %arg6[%add3A_76, %dma_wait3A_91] : memref<80x128xi32, #tpu.memory_space<vmem>> -> memref<1x128xi32, #tpu.memory_space<vmem>>
      %dma_wait3A_93 = tpu.memref_squeeze %dma_wait3A_92 : memref<1x128xi32, #tpu.memory_space<vmem>> -> memref<128xi32, #tpu.memory_space<vmem>>
      %dma_wait3A_94 = arith.constant 0 : i32
      %dma_wait3A_95 = arith.constant 0 : i32
      %dma_wait3A_96 = tpu.memref_slice %arg2[%dma_wait3A_94, %dma_wait3A_95] : memref<20000x128xf32, #tpu.memory_space<hbm>> -> memref<20000x128xf32, #tpu.memory_space<hbm>>
      tpu.wait_indirect_dma semaphore(%arg12 : memref<!tpu.dma_semaphore, #tpu.memory_space<semaphore_mem>>) src(%dma_wait3A_96 : memref<20000x128xf32, #tpu.memory_space<hbm>>) dst(%arg9 : memref<128x128xf32, #tpu.memory_space<vmem>>)
      %add3A_97 = arith.constant 0 : i32
      %add3A_98 = arith.addi %mul3A_74, %add3A_97 : i32
      %dma_start3A_99 = arith.constant 0 : i32
      %dma_start3A_100 = tpu.memref_slice %arg8[%add3A_98, %dma_start3A_99] : memref<40x128xi32, #tpu.memory_space<vmem>> -> memref<1x128xi32, #tpu.memory_space<vmem>>
      %dma_start3A_101 = tpu.memref_squeeze %dma_start3A_100 : memref<1x128xi32, #tpu.memory_space<vmem>> -> memref<128xi32, #tpu.memory_space<vmem>>
      %dma_start3A_102 = arith.constant 0 : i32
      %dma_start3A_103 = arith.constant 0 : i32
      %dma_start3A_104 = tpu.memref_slice %arg11[%dma_start3A_102, %dma_start3A_103] : memref<10112x128xf32, #tpu.memory_space<vmem_shared>> -> memref<10112x128xf32, #tpu.memory_space<vmem_shared>>
      tpu.enqueue_indirect_dma source(%arg9 : memref<128x128xf32, #tpu.memory_space<vmem>>) target(%dma_start3A_104 : memref<10112x128xf32, #tpu.memory_space<vmem_shared>>) offsets(%dma_start3A_101 : memref<128xi32, #tpu.memory_space<vmem>>) semaphore(%arg13 : memref<!tpu.dma_semaphore, #tpu.memory_space<semaphore_mem>>) {add = true}
      %dma_wait3A_105 = arith.constant 0 : i32
      %dma_wait3A_106 = tpu.memref_slice %arg6[%add3A_84, %dma_wait3A_105] : memref<80x128xi32, #tpu.memory_space<vmem>> -> memref<1x128xi32, #tpu.memory_space<vmem>>
      %dma_wait3A_107 = tpu.memref_squeeze %dma_wait3A_106 : memref<1x128xi32, #tpu.memory_space<vmem>> -> memref<128xi32, #tpu.memory_space<vmem>>
      %dma_wait3A_108 = arith.constant 0 : i32
      %dma_wait3A_109 = arith.constant 0 : i32
      %dma_wait3A_110 = tpu.memref_slice %arg2[%dma_wait3A_108, %dma_wait3A_109] : memref<20000x128xf32, #tpu.memory_space<hbm>> -> memref<20000x128xf32, #tpu.memory_space<hbm>>
      tpu.wait_indirect_dma semaphore(%arg12 : memref<!tpu.dma_semaphore, #tpu.memory_space<semaphore_mem>>) src(%dma_wait3A_110 : memref<20000x128xf32, #tpu.memory_space<hbm>>) dst(%arg10 : memref<128x128xf32, #tpu.memory_space<vmem>>)
      %add3A_111 = arith.constant 1 : i32
      %add3A_112 = arith.addi %mul3A_74, %add3A_111 : i32
      %dma_start3A_113 = arith.constant 0 : i32
      %dma_start3A_114 = tpu.memref_slice %arg8[%add3A_112, %dma_start3A_113] : memref<40x128xi32, #tpu.memory_space<vmem>> -> memref<1x128xi32, #tpu.memory_space<vmem>>
      %dma_start3A_115 = tpu.memref_squeeze %dma_start3A_114 : memref<1x128xi32, #tpu.memory_space<vmem>> -> memref<128xi32, #tpu.memory_space<vmem>>
      %dma_start3A_116 = arith.constant 0 : i32
      %dma_start3A_117 = arith.constant 0 : i32
      %dma_start3A_118 = tpu.memref_slice %arg11[%dma_start3A_116, %dma_start3A_117] : memref<10112x128xf32, #tpu.memory_space<vmem_shared>> -> memref<10112x128xf32, #tpu.memory_space<vmem_shared>>
      tpu.enqueue_indirect_dma source(%arg10 : memref<128x128xf32, #tpu.memory_space<vmem>>) target(%dma_start3A_118 : memref<10112x128xf32, #tpu.memory_space<vmem_shared>>) offsets(%dma_start3A_115 : memref<128xi32, #tpu.memory_space<vmem>>) semaphore(%arg13 : memref<!tpu.dma_semaphore, #tpu.memory_space<semaphore_mem>>) {add = true}
      %dma_wait3A_119 = arith.constant 0 : i32
      %dma_wait3A_120 = tpu.memref_slice %arg8[%add3A_98, %dma_wait3A_119] : memref<40x128xi32, #tpu.memory_space<vmem>> -> memref<1x128xi32, #tpu.memory_space<vmem>>
      %dma_wait3A_121 = tpu.memref_squeeze %dma_wait3A_120 : memref<1x128xi32, #tpu.memory_space<vmem>> -> memref<128xi32, #tpu.memory_space<vmem>>
      %dma_wait3A_122 = arith.constant 0 : i32
      %dma_wait3A_123 = arith.constant 0 : i32
      %dma_wait3A_124 = tpu.memref_slice %arg11[%dma_wait3A_122, %dma_wait3A_123] : memref<10112x128xf32, #tpu.memory_space<vmem_shared>> -> memref<10112x128xf32, #tpu.memory_space<vmem_shared>>
      tpu.wait_indirect_dma semaphore(%arg13 : memref<!tpu.dma_semaphore, #tpu.memory_space<semaphore_mem>>) src(%arg9 : memref<128x128xf32, #tpu.memory_space<vmem>>) dst(%dma_wait3A_124 : memref<10112x128xf32, #tpu.memory_space<vmem_shared>>)
      %dma_wait3A_125 = arith.constant 0 : i32
      %dma_wait3A_126 = tpu.memref_slice %arg8[%add3A_112, %dma_wait3A_125] : memref<40x128xi32, #tpu.memory_space<vmem>> -> memref<1x128xi32, #tpu.memory_space<vmem>>
      %dma_wait3A_127 = tpu.memref_squeeze %dma_wait3A_126 : memref<1x128xi32, #tpu.memory_space<vmem>> -> memref<128xi32, #tpu.memory_space<vmem>>
      %dma_wait3A_128 = arith.constant 0 : i32
      %dma_wait3A_129 = arith.constant 0 : i32
      %dma_wait3A_130 = tpu.memref_slice %arg11[%dma_wait3A_128, %dma_wait3A_129] : memref<10112x128xf32, #tpu.memory_space<vmem_shared>> -> memref<10112x128xf32, #tpu.memory_space<vmem_shared>>
      tpu.wait_indirect_dma semaphore(%arg13 : memref<!tpu.dma_semaphore, #tpu.memory_space<semaphore_mem>>) src(%arg10 : memref<128x128xf32, #tpu.memory_space<vmem>>) dst(%dma_wait3A_130 : memref<10112x128xf32, #tpu.memory_space<vmem_shared>>)
    }
    %scan3A_62 = arith.constant 20 : i32
    %barrier3A_63 = arith.constant 0 : index
    tpu.barrier barrier_id(%barrier3A_63)
    %mul3A_64 = arith.constant 632 : i32
    %mul3A_65 = arith.muli %arg1, %mul3A_64 : i32
    %mul3A_66 = arith.constant 632 : i32
    %mul3A_67 = arith.muli %arg1, %mul3A_66 : i32
    "tpu.region"() ({
      %run_scoped3A = tpu.sem_alloc : memref<!tpu.dma_semaphore, #tpu.memory_space<semaphore_mem>>
      %dma_start3A_68 = arith.constant 0 : i32
      %dma_start3A_69 = tpu.memref_slice %arg5[%arg0, %mul3A_67, %dma_start3A_68] : memref<2x10112x128xf32, #tpu.memory_space<hbm>> -> memref<1x632x128xf32, #tpu.memory_space<hbm>>
      %dma_start3A_70 = tpu.memref_squeeze %dma_start3A_69 : memref<1x632x128xf32, #tpu.memory_space<hbm>> -> memref<632x128xf32, #tpu.memory_space<hbm>>
      %dma_start3A_71 = arith.constant 0 : i32
      %dma_start3A_72 = tpu.memref_slice %arg11[%mul3A_65, %dma_start3A_71] : memref<10112x128xf32, #tpu.memory_space<vmem_shared>> -> memref<632x128xf32, #tpu.memory_space<vmem_shared>>
      tpu.enqueue_dma source(%dma_start3A_72 : memref<632x128xf32, #tpu.memory_space<vmem_shared>>) target(%dma_start3A_70 : memref<632x128xf32, #tpu.memory_space<hbm>>) target_semaphore(%run_scoped3A : memref<!tpu.dma_semaphore, #tpu.memory_space<semaphore_mem>>)
      %dma_wait3A_73 = arith.constant 0 : i32
      %dma_wait3A_74 = tpu.memref_slice %arg5[%arg0, %mul3A_67, %dma_wait3A_73] : memref<2x10112x128xf32, #tpu.memory_space<hbm>> -> memref<1x632x128xf32, #tpu.memory_space<hbm>>
      %dma_wait3A_75 = tpu.memref_squeeze %dma_wait3A_74 : memref<1x632x128xf32, #tpu.memory_space<hbm>> -> memref<632x128xf32, #tpu.memory_space<hbm>>
      %dma_wait3A_76 = arith.constant 0 : i32
      %dma_wait3A_77 = tpu.memref_slice %arg11[%mul3A_65, %dma_wait3A_76] : memref<10112x128xf32, #tpu.memory_space<vmem_shared>> -> memref<632x128xf32, #tpu.memory_space<vmem_shared>>
      tpu.wait_dma2 semaphore(%run_scoped3A : memref<!tpu.dma_semaphore, #tpu.memory_space<semaphore_mem>>) src(%dma_wait3A_77 : memref<632x128xf32, #tpu.memory_space<vmem_shared>>) dst(%dma_wait3A_75 : memref<632x128xf32, #tpu.memory_space<hbm>>)
      tpu.yield
    }) : () -> ()
    return
  }
}

#map = affine_map<(d0, d1) -> (0, 0)>
#map1 = affine_map<(d0, d1) -> (0, 0, 0)>
module attributes {stable_mosaic.version = 14 : i64} {
  func.func @k(%arg0: i32, %arg1: i32, %arg2: memref<20000x128xf32, #tpu.memory_space<hbm>>, %arg3: memref<2560x128xi32, #tpu.memory_space<hbm>>, %arg4: memref<2560x128xi32, #tpu.memory_space<hbm>>, %arg5: memref<2x10112x128xf32, #tpu.memory_space<hbm>>, %arg6: memref<80x128xi32, #tpu.memory_space<vmem>>, %arg7: memref<80xi32, #tpu.memory_space<vmem>>, %arg8: memref<40x128xi32, #tpu.memory_space<vmem>>, %arg9: memref<128x128xf32, #tpu.memory_space<vmem>>, %arg10: memref<128x128xf32, #tpu.memory_space<vmem>>, %arg11: memref<10112x128xf32, #tpu.memory_space<vmem_shared>>, %arg12: memref<!tpu.dma_semaphore, #tpu.memory_space<semaphore_mem>>, %arg13: memref<!tpu.dma_semaphore, #tpu.memory_space<semaphore_mem>>) attributes {dimension_semantics = [#tpu.dimension_semantics<core_parallel>, #tpu.dimension_semantics<subcore_parallel>], iteration_bounds = array<i64: 2, 16>, scalar_prefetch = 0 : i64, scratch_operands = 8 : i64, tpu.core_type = #tpu.core_type<sc_vector_subcore>, window_params = [{transform_indices = #map}, {transform_indices = #map}, {transform_indices = #map}, {transform_indices = #map1}]} {
    %mul3A = arith.constant 2 : i32
    %mul3A_0 = arith.muli %arg1, %mul3A : i32
    %add3A = arith.addi %mul3A_0, %arg0 : i32
    %iota3A = tpu.iota {dimensions = array<i32: 0>} : vector<16xi32>
    %mul3A_1 = arith.constant 80 : i32
    %mul3A_2 = arith.muli %add3A, %mul3A_1 : i32
    %scan3A = arith.constant 0 : i32
    %scan3A_3 = arith.constant 0 : i32
    %scan3A_4 = arith.constant 5 : i32
    %scan3A_5 = arith.addi %scan3A_3, %scan3A_4 : i32
    %scan3A_6 = arith.constant 1 : i32
    scf.for %scan3A_68 = %scan3A_3 to %scan3A_5 step %scan3A_6  : i32 {
      %mul3A_69 = arith.constant 16 : i32
      %mul3A_70 = arith.muli %scan3A_68, %mul3A_69 : i32
      %add3A_71 = arith.addi %mul3A_2, %mul3A_70 : i32
      %add3A_72 = vector.broadcast %add3A_71 : i32 to vector<16xi32>
      %add3A_73 = arith.addi %iota3A, %add3A_72 : vector<16xi32>
      %mul3A_74 = arith.constant 16 : i32
      %mul3A_75 = arith.muli %scan3A_68, %mul3A_74 : i32
      %swap3A = arith.index_cast %mul3A_75 : i32 to index
      %swap3A_76 = tpu.vector_load %arg7[%swap3A] {strides = array<i32>} : memref<80xi32, #tpu.memory_space<vmem>>, vector<16xi32>,
      %swap3A_77 = vector.shape_cast %swap3A_76 : vector<16xi32> to vector<16xi32>
      %swap3A_78 = vector.shape_cast %add3A_73 : vector<16xi32> to vector<16xi32>
      tpu.vector_store %arg7[%swap3A], %swap3A_78 {strides = array<i32>} : memref<80xi32, #tpu.memory_space<vmem>>, vector<16xi32>,
    }
    %scan3A_7 = arith.constant 5 : i32
    %dma_start3A = arith.constant 0 : i32
    %dma_start3A_8 = arith.constant 0 : i32
    %dma_start3A_9 = tpu.memref_slice %arg3[%dma_start3A, %dma_start3A_8] : memref<2560x128xi32, #tpu.memory_space<hbm>> -> memref<2560x128xi32, #tpu.memory_space<hbm>>
    tpu.enqueue_indirect_dma source(%dma_start3A_9 : memref<2560x128xi32, #tpu.memory_space<hbm>>) target(%arg6 : memref<80x128xi32, #tpu.memory_space<vmem>>) offsets(%arg7 : memref<80xi32, #tpu.memory_space<vmem>>) semaphore(%arg12 : memref<!tpu.dma_semaphore, #tpu.memory_space<semaphore_mem>>)
    %dma_wait3A = arith.constant 0 : i32
    %dma_wait3A_10 = arith.constant 0 : i32
    %dma_wait3A_11 = tpu.memref_slice %arg3[%dma_wait3A, %dma_wait3A_10] : memref<2560x128xi32, #tpu.memory_space<hbm>> -> memref<2560x128xi32, #tpu.memory_space<hbm>>
    tpu.wait_indirect_dma semaphore(%arg12 : memref<!tpu.dma_semaphore, #tpu.memory_space<semaphore_mem>>) src(%dma_wait3A_11 : memref<2560x128xi32, #tpu.memory_space<hbm>>) dst(%arg6 : memref<80x128xi32, #tpu.memory_space<vmem>>)
    %broadcast_in_dim3A = arith.constant 0.000000e+00 : f32
    %broadcast_in_dim3A_12 = vector.broadcast %broadcast_in_dim3A : f32 to vector<16xf32>
    %scan3A_13 = arith.constant 0 : i32
    %scan3A_14 = arith.constant 0 : i32
    %scan3A_15 = arith.constant 128 : i32
    %scan3A_16 = arith.addi %scan3A_14, %scan3A_15 : i32
    %scan3A_17 = arith.constant 1 : i32
    scf.for %scan3A_68 = %scan3A_14 to %scan3A_16 step %scan3A_17  : i32 {
      %swap3A = arith.index_cast %scan3A_68 : i32 to index
      %swap3A_69 = arith.constant 0 : index
      %swap3A_70 = tpu.vector_load %arg9[%swap3A, %swap3A_69] {strides = array<i32>} : memref<128x128xf32, #tpu.memory_space<vmem>>, vector<1x16xf32>,
      %swap3A_71 = vector.shape_cast %swap3A_70 : vector<1x16xf32> to vector<16xf32>
      %swap3A_72 = vector.shape_cast %broadcast_in_dim3A_12 : vector<16xf32> to vector<1x16xf32>
      tpu.vector_store %arg9[%swap3A, %swap3A_69], %swap3A_72 {strides = array<i32>} : memref<128x128xf32, #tpu.memory_space<vmem>>, vector<1x16xf32>,
      %swap3A_73 = arith.index_cast %scan3A_68 : i32 to index
      %swap3A_74 = arith.constant 16 : index
      %swap3A_75 = tpu.vector_load %arg9[%swap3A_73, %swap3A_74] {strides = array<i32>} : memref<128x128xf32, #tpu.memory_space<vmem>>, vector<1x16xf32>,
      %swap3A_76 = vector.shape_cast %swap3A_75 : vector<1x16xf32> to vector<16xf32>
      %swap3A_77 = vector.shape_cast %broadcast_in_dim3A_12 : vector<16xf32> to vector<1x16xf32>
      tpu.vector_store %arg9[%swap3A_73, %swap3A_74], %swap3A_77 {strides = array<i32>} : memref<128x128xf32, #tpu.memory_space<vmem>>, vector<1x16xf32>,
      %swap3A_78 = arith.index_cast %scan3A_68 : i32 to index
      %swap3A_79 = arith.constant 32 : index
      %swap3A_80 = tpu.vector_load %arg9[%swap3A_78, %swap3A_79] {strides = array<i32>} : memref<128x128xf32, #tpu.memory_space<vmem>>, vector<1x16xf32>,
      %swap3A_81 = vector.shape_cast %swap3A_80 : vector<1x16xf32> to vector<16xf32>
      %swap3A_82 = vector.shape_cast %broadcast_in_dim3A_12 : vector<16xf32> to vector<1x16xf32>
      tpu.vector_store %arg9[%swap3A_78, %swap3A_79], %swap3A_82 {strides = array<i32>} : memref<128x128xf32, #tpu.memory_space<vmem>>, vector<1x16xf32>,
      %swap3A_83 = arith.index_cast %scan3A_68 : i32 to index
      %swap3A_84 = arith.constant 48 : index
      %swap3A_85 = tpu.vector_load %arg9[%swap3A_83, %swap3A_84] {strides = array<i32>} : memref<128x128xf32, #tpu.memory_space<vmem>>, vector<1x16xf32>,
      %swap3A_86 = vector.shape_cast %swap3A_85 : vector<1x16xf32> to vector<16xf32>
      %swap3A_87 = vector.shape_cast %broadcast_in_dim3A_12 : vector<16xf32> to vector<1x16xf32>
      tpu.vector_store %arg9[%swap3A_83, %swap3A_84], %swap3A_87 {strides = array<i32>} : memref<128x128xf32, #tpu.memory_space<vmem>>, vector<1x16xf32>,
      %swap3A_88 = arith.index_cast %scan3A_68 : i32 to index
      %swap3A_89 = arith.constant 64 : index
      %swap3A_90 = tpu.vector_load %arg9[%swap3A_88, %swap3A_89] {strides = array<i32>} : memref<128x128xf32, #tpu.memory_space<vmem>>, vector<1x16xf32>,
      %swap3A_91 = vector.shape_cast %swap3A_90 : vector<1x16xf32> to vector<16xf32>
      %swap3A_92 = vector.shape_cast %broadcast_in_dim3A_12 : vector<16xf32> to vector<1x16xf32>
      tpu.vector_store %arg9[%swap3A_88, %swap3A_89], %swap3A_92 {strides = array<i32>} : memref<128x128xf32, #tpu.memory_space<vmem>>, vector<1x16xf32>,
      %swap3A_93 = arith.index_cast %scan3A_68 : i32 to index
      %swap3A_94 = arith.constant 80 : index
      %swap3A_95 = tpu.vector_load %arg9[%swap3A_93, %swap3A_94] {strides = array<i32>} : memref<128x128xf32, #tpu.memory_space<vmem>>, vector<1x16xf32>,
      %swap3A_96 = vector.shape_cast %swap3A_95 : vector<1x16xf32> to vector<16xf32>
      %swap3A_97 = vector.shape_cast %broadcast_in_dim3A_12 : vector<16xf32> to vector<1x16xf32>
      tpu.vector_store %arg9[%swap3A_93, %swap3A_94], %swap3A_97 {strides = array<i32>} : memref<128x128xf32, #tpu.memory_space<vmem>>, vector<1x16xf32>,
      %swap3A_98 = arith.index_cast %scan3A_68 : i32 to index
      %swap3A_99 = arith.constant 96 : index
      %swap3A_100 = tpu.vector_load %arg9[%swap3A_98, %swap3A_99] {strides = array<i32>} : memref<128x128xf32, #tpu.memory_space<vmem>>, vector<1x16xf32>,
      %swap3A_101 = vector.shape_cast %swap3A_100 : vector<1x16xf32> to vector<16xf32>
      %swap3A_102 = vector.shape_cast %broadcast_in_dim3A_12 : vector<16xf32> to vector<1x16xf32>
      tpu.vector_store %arg9[%swap3A_98, %swap3A_99], %swap3A_102 {strides = array<i32>} : memref<128x128xf32, #tpu.memory_space<vmem>>, vector<1x16xf32>,
      %swap3A_103 = arith.index_cast %scan3A_68 : i32 to index
      %swap3A_104 = arith.constant 112 : index
      %swap3A_105 = tpu.vector_load %arg9[%swap3A_103, %swap3A_104] {strides = array<i32>} : memref<128x128xf32, #tpu.memory_space<vmem>>, vector<1x16xf32>,
      %swap3A_106 = vector.shape_cast %swap3A_105 : vector<1x16xf32> to vector<16xf32>
      %swap3A_107 = vector.shape_cast %broadcast_in_dim3A_12 : vector<16xf32> to vector<1x16xf32>
      tpu.vector_store %arg9[%swap3A_103, %swap3A_104], %swap3A_107 {strides = array<i32>} : memref<128x128xf32, #tpu.memory_space<vmem>>, vector<1x16xf32>,
    }
    %scan3A_18 = arith.constant 128 : i32
    %mul3A_19 = arith.constant 632 : i32
    %mul3A_20 = arith.muli %arg1, %mul3A_19 : i32
    %add3A_21 = arith.constant 0 : i32
    %add3A_22 = arith.addi %mul3A_20, %add3A_21 : i32
    "tpu.region"() ({
      %run_scoped3A = tpu.sem_alloc : memref<!tpu.dma_semaphore, #tpu.memory_space<semaphore_mem>>
      %dma_start3A_68 = arith.constant 0 : i32
      %dma_start3A_69 = tpu.memref_slice %arg11[%add3A_22, %dma_start3A_68] : memref<10112x128xf32, #tpu.memory_space<vmem_shared>> -> memref<128x128xf32, #tpu.memory_space<vmem_shared>>
      %dma_start3A_70 = arith.constant 0 : i32
      %dma_start3A_71 = tpu.memref_slice %arg11[%add3A_22, %dma_start3A_70] : memref<10112x128xf32, #tpu.memory_space<vmem_shared>> -> memref<128x128xf32, #tpu.memory_space<vmem_shared>>
      tpu.enqueue_dma source(%arg9 : memref<128x128xf32, #tpu.memory_space<vmem>>) target(%dma_start3A_71 : memref<128x128xf32, #tpu.memory_space<vmem_shared>>) target_semaphore(%run_scoped3A : memref<!tpu.dma_semaphore, #tpu.memory_space<semaphore_mem>>)
      %dma_wait3A_72 = arith.constant 0 : i32
      %dma_wait3A_73 = tpu.memref_slice %arg11[%add3A_22, %dma_wait3A_72] : memref<10112x128xf32, #tpu.memory_space<vmem_shared>> -> memref<128x128xf32, #tpu.memory_space<vmem_shared>>
      %dma_wait3A_74 = arith.constant 0 : i32
      %dma_wait3A_75 = tpu.memref_slice %arg11[%add3A_22, %dma_wait3A_74] : memref<10112x128xf32, #tpu.memory_space<vmem_shared>> -> memref<128x128xf32, #tpu.memory_space<vmem_shared>>
      tpu.wait_dma2 semaphore(%run_scoped3A : memref<!tpu.dma_semaphore, #tpu.memory_space<semaphore_mem>>) src(%arg9 : memref<128x128xf32, #tpu.memory_space<vmem>>) dst(%dma_wait3A_75 : memref<128x128xf32, #tpu.memory_space<vmem_shared>>)
      tpu.yield
    }) : () -> ()
    %add3A_23 = arith.constant 128 : i32
    %add3A_24 = arith.addi %mul3A_20, %add3A_23 : i32
    "tpu.region"() ({
      %run_scoped3A = tpu.sem_alloc : memref<!tpu.dma_semaphore, #tpu.memory_space<semaphore_mem>>
      %dma_start3A_68 = arith.constant 0 : i32
      %dma_start3A_69 = tpu.memref_slice %arg11[%add3A_24, %dma_start3A_68] : memref<10112x128xf32, #tpu.memory_space<vmem_shared>> -> memref<128x128xf32, #tpu.memory_space<vmem_shared>>
      %dma_start3A_70 = arith.constant 0 : i32
      %dma_start3A_71 = tpu.memref_slice %arg11[%add3A_24, %dma_start3A_70] : memref<10112x128xf32, #tpu.memory_space<vmem_shared>> -> memref<128x128xf32, #tpu.memory_space<vmem_shared>>
      tpu.enqueue_dma source(%arg9 : memref<128x128xf32, #tpu.memory_space<vmem>>) target(%dma_start3A_71 : memref<128x128xf32, #tpu.memory_space<vmem_shared>>) target_semaphore(%run_scoped3A : memref<!tpu.dma_semaphore, #tpu.memory_space<semaphore_mem>>)
      %dma_wait3A_72 = arith.constant 0 : i32
      %dma_wait3A_73 = tpu.memref_slice %arg11[%add3A_24, %dma_wait3A_72] : memref<10112x128xf32, #tpu.memory_space<vmem_shared>> -> memref<128x128xf32, #tpu.memory_space<vmem_shared>>
      %dma_wait3A_74 = arith.constant 0 : i32
      %dma_wait3A_75 = tpu.memref_slice %arg11[%add3A_24, %dma_wait3A_74] : memref<10112x128xf32, #tpu.memory_space<vmem_shared>> -> memref<128x128xf32, #tpu.memory_space<vmem_shared>>
      tpu.wait_dma2 semaphore(%run_scoped3A : memref<!tpu.dma_semaphore, #tpu.memory_space<semaphore_mem>>) src(%arg9 : memref<128x128xf32, #tpu.memory_space<vmem>>) dst(%dma_wait3A_75 : memref<128x128xf32, #tpu.memory_space<vmem_shared>>)
      tpu.yield
    }) : () -> ()
    %add3A_25 = arith.constant 256 : i32
    %add3A_26 = arith.addi %mul3A_20, %add3A_25 : i32
    "tpu.region"() ({
      %run_scoped3A = tpu.sem_alloc : memref<!tpu.dma_semaphore, #tpu.memory_space<semaphore_mem>>
      %dma_start3A_68 = arith.constant 0 : i32
      %dma_start3A_69 = tpu.memref_slice %arg11[%add3A_26, %dma_start3A_68] : memref<10112x128xf32, #tpu.memory_space<vmem_shared>> -> memref<128x128xf32, #tpu.memory_space<vmem_shared>>
      %dma_start3A_70 = arith.constant 0 : i32
      %dma_start3A_71 = tpu.memref_slice %arg11[%add3A_26, %dma_start3A_70] : memref<10112x128xf32, #tpu.memory_space<vmem_shared>> -> memref<128x128xf32, #tpu.memory_space<vmem_shared>>
      tpu.enqueue_dma source(%arg9 : memref<128x128xf32, #tpu.memory_space<vmem>>) target(%dma_start3A_71 : memref<128x128xf32, #tpu.memory_space<vmem_shared>>) target_semaphore(%run_scoped3A : memref<!tpu.dma_semaphore, #tpu.memory_space<semaphore_mem>>)
      %dma_wait3A_72 = arith.constant 0 : i32
      %dma_wait3A_73 = tpu.memref_slice %arg11[%add3A_26, %dma_wait3A_72] : memref<10112x128xf32, #tpu.memory_space<vmem_shared>> -> memref<128x128xf32, #tpu.memory_space<vmem_shared>>
      %dma_wait3A_74 = arith.constant 0 : i32
      %dma_wait3A_75 = tpu.memref_slice %arg11[%add3A_26, %dma_wait3A_74] : memref<10112x128xf32, #tpu.memory_space<vmem_shared>> -> memref<128x128xf32, #tpu.memory_space<vmem_shared>>
      tpu.wait_dma2 semaphore(%run_scoped3A : memref<!tpu.dma_semaphore, #tpu.memory_space<semaphore_mem>>) src(%arg9 : memref<128x128xf32, #tpu.memory_space<vmem>>) dst(%dma_wait3A_75 : memref<128x128xf32, #tpu.memory_space<vmem_shared>>)
      tpu.yield
    }) : () -> ()
    %add3A_27 = arith.constant 384 : i32
    %add3A_28 = arith.addi %mul3A_20, %add3A_27 : i32
    "tpu.region"() ({
      %run_scoped3A = tpu.sem_alloc : memref<!tpu.dma_semaphore, #tpu.memory_space<semaphore_mem>>
      %dma_start3A_68 = arith.constant 0 : i32
      %dma_start3A_69 = tpu.memref_slice %arg11[%add3A_28, %dma_start3A_68] : memref<10112x128xf32, #tpu.memory_space<vmem_shared>> -> memref<128x128xf32, #tpu.memory_space<vmem_shared>>
      %dma_start3A_70 = arith.constant 0 : i32
      %dma_start3A_71 = tpu.memref_slice %arg11[%add3A_28, %dma_start3A_70] : memref<10112x128xf32, #tpu.memory_space<vmem_shared>> -> memref<128x128xf32, #tpu.memory_space<vmem_shared>>
      tpu.enqueue_dma source(%arg9 : memref<128x128xf32, #tpu.memory_space<vmem>>) target(%dma_start3A_71 : memref<128x128xf32, #tpu.memory_space<vmem_shared>>) target_semaphore(%run_scoped3A : memref<!tpu.dma_semaphore, #tpu.memory_space<semaphore_mem>>)
      %dma_wait3A_72 = arith.constant 0 : i32
      %dma_wait3A_73 = tpu.memref_slice %arg11[%add3A_28, %dma_wait3A_72] : memref<10112x128xf32, #tpu.memory_space<vmem_shared>> -> memref<128x128xf32, #tpu.memory_space<vmem_shared>>
      %dma_wait3A_74 = arith.constant 0 : i32
      %dma_wait3A_75 = tpu.memref_slice %arg11[%add3A_28, %dma_wait3A_74] : memref<10112x128xf32, #tpu.memory_space<vmem_shared>> -> memref<128x128xf32, #tpu.memory_space<vmem_shared>>
      tpu.wait_dma2 semaphore(%run_scoped3A : memref<!tpu.dma_semaphore, #tpu.memory_space<semaphore_mem>>) src(%arg9 : memref<128x128xf32, #tpu.memory_space<vmem>>) dst(%dma_wait3A_75 : memref<128x128xf32, #tpu.memory_space<vmem_shared>>)
      tpu.yield
    }) : () -> ()
    %add3A_29 = arith.constant 512 : i32
    %add3A_30 = arith.addi %mul3A_20, %add3A_29 : i32
    "tpu.region"() ({
      %run_scoped3A = tpu.sem_alloc : memref<!tpu.dma_semaphore, #tpu.memory_space<semaphore_mem>>
      %dma_start3A_68 = arith.constant 0 : i32
      %dma_start3A_69 = arith.constant 0 : i32
      %dma_start3A_70 = tpu.memref_slice %arg9[%dma_start3A_68, %dma_start3A_69] : memref<128x128xf32, #tpu.memory_space<vmem>> -> memref<120x128xf32, #tpu.memory_space<vmem>>
      %dma_start3A_71 = arith.constant 0 : i32
      %dma_start3A_72 = tpu.memref_slice %arg11[%add3A_30, %dma_start3A_71] : memref<10112x128xf32, #tpu.memory_space<vmem_shared>> -> memref<120x128xf32, #tpu.memory_space<vmem_shared>>
      %dma_start3A_73 = arith.constant 0 : i32
      %dma_start3A_74 = tpu.memref_slice %arg11[%add3A_30, %dma_start3A_73] : memref<10112x128xf32, #tpu.memory_space<vmem_shared>> -> memref<120x128xf32, #tpu.memory_space<vmem_shared>>
      %dma_start3A_75 = arith.constant 0 : i32
      %dma_start3A_76 = arith.constant 0 : i32
      %dma_start3A_77 = tpu.memref_slice %arg9[%dma_start3A_75, %dma_start3A_76] : memref<128x128xf32, #tpu.memory_space<vmem>> -> memref<120x128xf32, #tpu.memory_space<vmem>>
      tpu.enqueue_dma source(%dma_start3A_77 : memref<120x128xf32, #tpu.memory_space<vmem>>) target(%dma_start3A_74 : memref<120x128xf32, #tpu.memory_space<vmem_shared>>) target_semaphore(%run_scoped3A : memref<!tpu.dma_semaphore, #tpu.memory_space<semaphore_mem>>)
      %dma_wait3A_78 = arith.constant 0 : i32
      %dma_wait3A_79 = arith.constant 0 : i32
      %dma_wait3A_80 = tpu.memref_slice %arg9[%dma_wait3A_78, %dma_wait3A_79] : memref<128x128xf32, #tpu.memory_space<vmem>> -> memref<120x128xf32, #tpu.memory_space<vmem>>
      %dma_wait3A_81 = arith.constant 0 : i32
      %dma_wait3A_82 = tpu.memref_slice %arg11[%add3A_30, %dma_wait3A_81] : memref<10112x128xf32, #tpu.memory_space<vmem_shared>> -> memref<120x128xf32, #tpu.memory_space<vmem_shared>>
      %dma_wait3A_83 = arith.constant 0 : i32
      %dma_wait3A_84 = tpu.memref_slice %arg11[%add3A_30, %dma_wait3A_83] : memref<10112x128xf32, #tpu.memory_space<vmem_shared>> -> memref<120x128xf32, #tpu.memory_space<vmem_shared>>
      %dma_wait3A_85 = arith.constant 0 : i32
      %dma_wait3A_86 = arith.constant 0 : i32
      %dma_wait3A_87 = tpu.memref_slice %arg9[%dma_wait3A_85, %dma_wait3A_86] : memref<128x128xf32, #tpu.memory_space<vmem>> -> memref<120x128xf32, #tpu.memory_space<vmem>>
      tpu.wait_dma2 semaphore(%run_scoped3A : memref<!tpu.dma_semaphore, #tpu.memory_space<semaphore_mem>>) src(%dma_wait3A_87 : memref<120x128xf32, #tpu.memory_space<vmem>>) dst(%dma_wait3A_84 : memref<120x128xf32, #tpu.memory_space<vmem_shared>>)
      tpu.yield
    }) : () -> ()
    %barrier3A = arith.constant 0 : index
    tpu.barrier barrier_id(%barrier3A)
    %dma_start3A_31 = arith.constant 0 : i32
    %dma_start3A_32 = tpu.memref_slice %arg7[%dma_start3A_31] : memref<80xi32, #tpu.memory_space<vmem>> -> memref<40xi32, #tpu.memory_space<vmem>>
    %dma_start3A_33 = arith.constant 0 : i32
    %dma_start3A_34 = arith.constant 0 : i32
    %dma_start3A_35 = tpu.memref_slice %arg4[%dma_start3A_33, %dma_start3A_34] : memref<2560x128xi32, #tpu.memory_space<hbm>> -> memref<2560x128xi32, #tpu.memory_space<hbm>>
    tpu.enqueue_indirect_dma source(%dma_start3A_35 : memref<2560x128xi32, #tpu.memory_space<hbm>>) target(%arg8 : memref<40x128xi32, #tpu.memory_space<vmem>>) offsets(%dma_start3A_32 : memref<40xi32, #tpu.memory_space<vmem>>) semaphore(%arg12 : memref<!tpu.dma_semaphore, #tpu.memory_space<semaphore_mem>>)
    %dma_wait3A_36 = arith.constant 0 : i32
    %dma_wait3A_37 = tpu.memref_slice %arg7[%dma_wait3A_36] : memref<80xi32, #tpu.memory_space<vmem>> -> memref<40xi32, #tpu.memory_space<vmem>>
    %dma_wait3A_38 = arith.constant 0 : i32
    %dma_wait3A_39 = arith.constant 0 : i32
    %dma_wait3A_40 = tpu.memref_slice %arg4[%dma_wait3A_38, %dma_wait3A_39] : memref<2560x128xi32, #tpu.memory_space<hbm>> -> memref<2560x128xi32, #tpu.memory_space<hbm>>
    tpu.wait_indirect_dma semaphore(%arg12 : memref<!tpu.dma_semaphore, #tpu.memory_space<semaphore_mem>>) src(%dma_wait3A_40 : memref<2560x128xi32, #tpu.memory_space<hbm>>) dst(%arg8 : memref<40x128xi32, #tpu.memory_space<vmem>>)
    %scan3A_41 = arith.constant 0 : i32
    %scan3A_42 = arith.constant 0 : i32
    %scan3A_43 = arith.constant 20 : i32
    %scan3A_44 = arith.addi %scan3A_42, %scan3A_43 : i32
    %scan3A_45 = arith.constant 1 : i32
    scf.for %scan3A_68 = %scan3A_42 to %scan3A_44 step %scan3A_45  : i32 {
      %mul3A_69 = arith.constant 2 : i32
      %mul3A_70 = arith.muli %scan3A_68, %mul3A_69 : i32
      %add3A_71 = arith.constant 0 : i32
      %add3A_72 = arith.addi %add3A_71, %mul3A_70 : i32
      %mul3A_73 = arith.constant 2 : i32
      %mul3A_74 = arith.muli %scan3A_68, %mul3A_73 : i32
      %add3A_75 = arith.constant 0 : i32
      %add3A_76 = arith.addi %add3A_72, %add3A_75 : i32
      %dma_start3A_77 = arith.constant 0 : i32
      %dma_start3A_78 = tpu.memref_slice %arg6[%add3A_76, %dma_start3A_77] : memref<80x128xi32, #tpu.memory_space<vmem>> -> memref<1x128xi32, #tpu.memory_space<vmem>>
      %dma_start3A_79 = tpu.memref_squeeze %dma_start3A_78 : memref<1x128xi32, #tpu.memory_space<vmem>> -> memref<128xi32, #tpu.memory_space<vmem>>
      %dma_start3A_80 = arith.constant 0 : i32
      %dma_start3A_81 = arith.constant 0 : i32
      %dma_start3A_82 = tpu.memref_slice %arg2[%dma_start3A_80, %dma_start3A_81] : memref<20000x128xf32, #tpu.memory_space<hbm>> -> memref<20000x128xf32, #tpu.memory_space<hbm>>
      tpu.enqueue_indirect_dma source(%dma_start3A_82 : memref<20000x128xf32, #tpu.memory_space<hbm>>) target(%arg9 : memref<128x128xf32, #tpu.memory_space<vmem>>) offsets(%dma_start3A_79 : memref<128xi32, #tpu.memory_space<vmem>>) semaphore(%arg12 : memref<!tpu.dma_semaphore, #tpu.memory_space<semaphore_mem>>)
      %add3A_83 = arith.constant 1 : i32
      %add3A_84 = arith.addi %add3A_72, %add3A_83 : i32
      %dma_start3A_85 = arith.constant 0 : i32
      %dma_start3A_86 = tpu.memref_slice %arg6[%add3A_84, %dma_start3A_85] : memref<80x128xi32, #tpu.memory_space<vmem>> -> memref<1x128xi32, #tpu.memory_space<vmem>>
      %dma_start3A_87 = tpu.memref_squeeze %dma_start3A_86 : memref<1x128xi32, #tpu.memory_space<vmem>> -> memref<128xi32, #tpu.memory_space<vmem>>
      %dma_start3A_88 = arith.constant 0 : i32
      %dma_start3A_89 = arith.constant 0 : i32
      %dma_start3A_90 = tpu.memref_slice %arg2[%dma_start3A_88, %dma_start3A_89] : memref<20000x128xf32, #tpu.memory_space<hbm>> -> memref<20000x128xf32, #tpu.memory_space<hbm>>
      tpu.enqueue_indirect_dma source(%dma_start3A_90 : memref<20000x128xf32, #tpu.memory_space<hbm>>) target(%arg10 : memref<128x128xf32, #tpu.memory_space<vmem>>) offsets(%dma_start3A_87 : memref<128xi32, #tpu.memory_space<vmem>>) semaphore(%arg12 : memref<!tpu.dma_semaphore, #tpu.memory_space<semaphore_mem>>)
      %dma_wait3A_91 = arith.constant 0 : i32
      %dma_wait3A_92 = tpu.memref_slice %arg6[%add3A_76, %dma_wait3A_91] : memref<80x128xi32, #tpu.memory_space<vmem>> -> memref<1x128xi32, #tpu.memory_space<vmem>>
      %dma_wait3A_93 = tpu.memref_squeeze %dma_wait3A_92 : memref<1x128xi32, #tpu.memory_space<vmem>> -> memref<128xi32, #tpu.memory_space<vmem>>
      %dma_wait3A_94 = arith.constant 0 : i32
      %dma_wait3A_95 = arith.constant 0 : i32
      %dma_wait3A_96 = tpu.memref_slice %arg2[%dma_wait3A_94, %dma_wait3A_95] : memref<20000x128xf32, #tpu.memory_space<hbm>> -> memref<20000x128xf32, #tpu.memory_space<hbm>>
      tpu.wait_indirect_dma semaphore(%arg12 : memref<!tpu.dma_semaphore, #tpu.memory_space<semaphore_mem>>) src(%dma_wait3A_96 : memref<20000x128xf32, #tpu.memory_space<hbm>>) dst(%arg9 : memref<128x128xf32, #tpu.memory_space<vmem>>)
      %add3A_97 = arith.constant 0 : i32
      %add3A_98 = arith.addi %mul3A_74, %add3A_97 : i32
      %dma_start3A_99 = arith.constant 0 : i32
      %dma_start3A_100 = tpu.memref_slice %arg8[%add3A_98, %dma_start3A_99] : memref<40x128xi32, #tpu.memory_space<vmem>> -> memref<1x128xi32, #tpu.memory_space<vmem>>
      %dma_start3A_101 = tpu.memref_squeeze %dma_start3A_100 : memref<1x128xi32, #tpu.memory_space<vmem>> -> memref<128xi32, #tpu.memory_space<vmem>>
      %dma_start3A_102 = arith.constant 0 : i32
      %dma_start3A_103 = arith.constant 0 : i32
      %dma_start3A_104 = tpu.memref_slice %arg11[%dma_start3A_102, %dma_start3A_103] : memref<10112x128xf32, #tpu.memory_space<vmem_shared>> -> memref<10112x128xf32, #tpu.memory_space<vmem_shared>>
      tpu.enqueue_indirect_dma source(%arg9 : memref<128x128xf32, #tpu.memory_space<vmem>>) target(%dma_start3A_104 : memref<10112x128xf32, #tpu.memory_space<vmem_shared>>) offsets(%dma_start3A_101 : memref<128xi32, #tpu.memory_space<vmem>>) semaphore(%arg13 : memref<!tpu.dma_semaphore, #tpu.memory_space<semaphore_mem>>) {add = true}
      %dma_wait3A_105 = arith.constant 0 : i32
      %dma_wait3A_106 = tpu.memref_slice %arg6[%add3A_84, %dma_wait3A_105] : memref<80x128xi32, #tpu.memory_space<vmem>> -> memref<1x128xi32, #tpu.memory_space<vmem>>
      %dma_wait3A_107 = tpu.memref_squeeze %dma_wait3A_106 : memref<1x128xi32, #tpu.memory_space<vmem>> -> memref<128xi32, #tpu.memory_space<vmem>>
      %dma_wait3A_108 = arith.constant 0 : i32
      %dma_wait3A_109 = arith.constant 0 : i32
      %dma_wait3A_110 = tpu.memref_slice %arg2[%dma_wait3A_108, %dma_wait3A_109] : memref<20000x128xf32, #tpu.memory_space<hbm>> -> memref<20000x128xf32, #tpu.memory_space<hbm>>
      tpu.wait_indirect_dma semaphore(%arg12 : memref<!tpu.dma_semaphore, #tpu.memory_space<semaphore_mem>>) src(%dma_wait3A_110 : memref<20000x128xf32, #tpu.memory_space<hbm>>) dst(%arg10 : memref<128x128xf32, #tpu.memory_space<vmem>>)
      %add3A_111 = arith.constant 1 : i32
      %add3A_112 = arith.addi %mul3A_74, %add3A_111 : i32
      %dma_start3A_113 = arith.constant 0 : i32
      %dma_start3A_114 = tpu.memref_slice %arg8[%add3A_112, %dma_start3A_113] : memref<40x128xi32, #tpu.memory_space<vmem>> -> memref<1x128xi32, #tpu.memory_space<vmem>>
      %dma_start3A_115 = tpu.memref_squeeze %dma_start3A_114 : memref<1x128xi32, #tpu.memory_space<vmem>> -> memref<128xi32, #tpu.memory_space<vmem>>
      %dma_start3A_116 = arith.constant 0 : i32
      %dma_start3A_117 = arith.constant 0 : i32
      %dma_start3A_118 = tpu.memref_slice %arg11[%dma_start3A_116, %dma_start3A_117] : memref<10112x128xf32, #tpu.memory_space<vmem_shared>> -> memref<10112x128xf32, #tpu.memory_space<vmem_shared>>
      tpu.enqueue_indirect_dma source(%arg10 : memref<128x128xf32, #tpu.memory_space<vmem>>) target(%dma_start3A_118 : memref<10112x128xf32, #tpu.memory_space<vmem_shared>>) offsets(%dma_start3A_115 : memref<128xi32, #tpu.memory_space<vmem>>) semaphore(%arg13 : memref<!tpu.dma_semaphore, #tpu.memory_space<semaphore_mem>>) {add = true}
      %dma_wait3A_119 = arith.constant 0 : i32
      %dma_wait3A_120 = tpu.memref_slice %arg8[%add3A_98, %dma_wait3A_119] : memref<40x128xi32, #tpu.memory_space<vmem>> -> memref<1x128xi32, #tpu.memory_space<vmem>>
      %dma_wait3A_121 = tpu.memref_squeeze %dma_wait3A_120 : memref<1x128xi32, #tpu.memory_space<vmem>> -> memref<128xi32, #tpu.memory_space<vmem>>
      %dma_wait3A_122 = arith.constant 0 : i32
      %dma_wait3A_123 = arith.constant 0 : i32
      %dma_wait3A_124 = tpu.memref_slice %arg11[%dma_wait3A_122, %dma_wait3A_123] : memref<10112x128xf32, #tpu.memory_space<vmem_shared>> -> memref<10112x128xf32, #tpu.memory_space<vmem_shared>>
      tpu.wait_indirect_dma semaphore(%arg13 : memref<!tpu.dma_semaphore, #tpu.memory_space<semaphore_mem>>) src(%arg9 : memref<128x128xf32, #tpu.memory_space<vmem>>) dst(%dma_wait3A_124 : memref<10112x128xf32, #tpu.memory_space<vmem_shared>>)
      %dma_wait3A_125 = arith.constant 0 : i32
      %dma_wait3A_126 = tpu.memref_slice %arg8[%add3A_112, %dma_wait3A_125] : memref<40x128xi32, #tpu.memory_space<vmem>> -> memref<1x128xi32, #tpu.memory_space<vmem>>
      %dma_wait3A_127 = tpu.memref_squeeze %dma_wait3A_126 : memref<1x128xi32, #tpu.memory_space<vmem>> -> memref<128xi32, #tpu.memory_space<vmem>>
      %dma_wait3A_128 = arith.constant 0 : i32
      %dma_wait3A_129 = arith.constant 0 : i32
      %dma_wait3A_130 = tpu.memref_slice %arg11[%dma_wait3A_128, %dma_wait3A_129] : memref<10112x128xf32, #tpu.memory_space<vmem_shared>> -> memref<10112x128xf32, #tpu.memory_space<vmem_shared>>
      tpu.wait_indirect_dma semaphore(%arg13 : memref<!tpu.dma_semaphore, #tpu.memory_space<semaphore_mem>>) src(%arg10 : memref<128x128xf32, #tpu.memory_space<vmem>>) dst(%dma_wait3A_130 : memref<10112x128xf32, #tpu.memory_space<vmem_shared>>)
    }
    %scan3A_46 = arith.constant 20 : i32
    %dma_start3A_47 = arith.constant 40 : i32
    %dma_start3A_48 = tpu.memref_slice %arg7[%dma_start3A_47] : memref<80xi32, #tpu.memory_space<vmem>> -> memref<40xi32, #tpu.memory_space<vmem>>
    %dma_start3A_49 = arith.constant 0 : i32
    %dma_start3A_50 = arith.constant 0 : i32
    %dma_start3A_51 = tpu.memref_slice %arg4[%dma_start3A_49, %dma_start3A_50] : memref<2560x128xi32, #tpu.memory_space<hbm>> -> memref<2560x128xi32, #tpu.memory_space<hbm>>
    tpu.enqueue_indirect_dma source(%dma_start3A_51 : memref<2560x128xi32, #tpu.memory_space<hbm>>) target(%arg8 : memref<40x128xi32, #tpu.memory_space<vmem>>) offsets(%dma_start3A_48 : memref<40xi32, #tpu.memory_space<vmem>>) semaphore(%arg12 : memref<!tpu.dma_semaphore, #tpu.memory_space<semaphore_mem>>)
    %dma_wait3A_52 = arith.constant 40 : i32
    %dma_wait3A_53 = tpu.memref_slice %arg7[%dma_wait3A_52] : memref<80xi32, #tpu.memory_space<vmem>> -> memref<40xi32, #tpu.memory_space<vmem>>
    %dma_wait3A_54 = arith.constant 0 : i32
    %dma_wait3A_55 = arith.constant 0 : i32
    %dma_wait3A_56 = tpu.memref_slice %arg4[%dma_wait3A_54, %dma_wait3A_55] : memref<2560x128xi32, #tpu.memory_space<hbm>> -> memref<2560x128xi32, #tpu.memory_space<hbm>>
    tpu.wait_indirect_dma semaphore(%arg12 : memref<!tpu.dma_semaphore, #tpu.memory_space<semaphore_mem>>) src(%dma_wait3A_56 : memref<2560x128xi32, #tpu.memory_space<hbm>>) dst(%arg8 : memref<40x128xi32, #tpu.memory_space<vmem>>)
    %scan3A_57 = arith.constant 0 : i32
    %scan3A_58 = arith.constant 0 : i32
    %scan3A_59 = arith.constant 20 : i32
    %scan3A_60 = arith.addi %scan3A_58, %scan3A_59 : i32
    %scan3A_61 = arith.constant 1 : i32
    scf.for %scan3A_68 = %scan3A_58 to %scan3A_60 step %scan3A_61  : i32 {
      %mul3A_69 = arith.constant 2 : i32
      %mul3A_70 = arith.muli %scan3A_68, %mul3A_69 : i32
      %add3A_71 = arith.constant 40 : i32
      %add3A_72 = arith.addi %add3A_71, %mul3A_70 : i32
      %mul3A_73 = arith.constant 2 : i32
      %mul3A_74 = arith.muli %scan3A_68, %mul3A_73 : i32
      %add3A_75 = arith.constant 0 : i32
      %add3A_76 = arith.addi %add3A_72, %add3A_75 : i32
      %dma_start3A_77 = arith.constant 0 : i32
      %dma_start3A_78 = tpu.memref_slice %arg6[%add3A_76, %dma_start3A_77] : memref<80x128xi32, #tpu.memory_space<vmem>> -> memref<1x128xi32, #tpu.memory_space<vmem>>
      %dma_start3A_79 = tpu.memref_squeeze %dma_start3A_78 : memref<1x128xi32, #tpu.memory_space<vmem>> -> memref<128xi32, #tpu.memory_space<vmem>>
      %dma_start3A_80 = arith.constant 0 : i32
      %dma_start3A_81 = arith.constant 0 : i32
      %dma_start3A_82 = tpu.memref_slice %arg2[%dma_start3A_80, %dma_start3A_81] : memref<20000x128xf32, #tpu.memory_space<hbm>> -> memref<20000x128xf32, #tpu.memory_space<hbm>>
      tpu.enqueue_indirect_dma source(%dma_start3A_82 : memref<20000x128xf32, #tpu.memory_space<hbm>>) target(%arg9 : memref<128x128xf32, #tpu.memory_space<vmem>>) offsets(%dma_start3A_79 : memref<128xi32, #tpu.memory_space<vmem>>) semaphore(%arg12 : memref<!tpu.dma_semaphore, #tpu.memory_space<semaphore_mem>>)
      %add3A_83 = arith.constant 1 : i32
      %add3A_84 = arith.addi %add3A_72, %add3A_83 : i32
      %dma_start3A_85 = arith.constant 0 : i32
      %dma_start3A_86 = tpu.memref_slice %arg6[%add3A_84, %dma_start3A_85] : memref<80x128xi32, #tpu.memory_space<vmem>> -> memref<1x128xi32, #tpu.memory_space<vmem>>
      %dma_start3A_87 = tpu.memref_squeeze %dma_start3A_86 : memref<1x128xi32, #tpu.memory_space<vmem>> -> memref<128xi32, #tpu.memory_space<vmem>>
      %dma_start3A_88 = arith.constant 0 : i32
      %dma_start3A_89 = arith.constant 0 : i32
      %dma_start3A_90 = tpu.memref_slice %arg2[%dma_start3A_88, %dma_start3A_89] : memref<20000x128xf32, #tpu.memory_space<hbm>> -> memref<20000x128xf32, #tpu.memory_space<hbm>>
      tpu.enqueue_indirect_dma source(%dma_start3A_90 : memref<20000x128xf32, #tpu.memory_space<hbm>>) target(%arg10 : memref<128x128xf32, #tpu.memory_space<vmem>>) offsets(%dma_start3A_87 : memref<128xi32, #tpu.memory_space<vmem>>) semaphore(%arg12 : memref<!tpu.dma_semaphore, #tpu.memory_space<semaphore_mem>>)
      %dma_wait3A_91 = arith.constant 0 : i32
      %dma_wait3A_92 = tpu.memref_slice %arg6[%add3A_76, %dma_wait3A_91] : memref<80x128xi32, #tpu.memory_space<vmem>> -> memref<1x128xi32, #tpu.memory_space<vmem>>
      %dma_wait3A_93 = tpu.memref_squeeze %dma_wait3A_92 : memref<1x128xi32, #tpu.memory_space<vmem>> -> memref<128xi32, #tpu.memory_space<vmem>>
      %dma_wait3A_94 = arith.constant 0 : i32
      %dma_wait3A_95 = arith.constant 0 : i32
      %dma_wait3A_96 = tpu.memref_slice %arg2[%dma_wait3A_94, %dma_wait3A_95] : memref<20000x128xf32, #tpu.memory_space<hbm>> -> memref<20000x128xf32, #tpu.memory_space<hbm>>
      tpu.wait_indirect_dma semaphore(%arg12 : memref<!tpu.dma_semaphore, #tpu.memory_space<semaphore_mem>>) src(%dma_wait3A_96 : memref<20000x128xf32, #tpu.memory_space<hbm>>) dst(%arg9 : memref<128x128xf32, #tpu.memory_space<vmem>>)
      %add3A_97 = arith.constant 0 : i32
      %add3A_98 = arith.addi %mul3A_74, %add3A_97 : i32
      %dma_start3A_99 = arith.constant 0 : i32
      %dma_start3A_100 = tpu.memref_slice %arg8[%add3A_98, %dma_start3A_99] : memref<40x128xi32, #tpu.memory_space<vmem>> -> memref<1x128xi32, #tpu.memory_space<vmem>>
      %dma_start3A_101 = tpu.memref_squeeze %dma_start3A_100 : memref<1x128xi32, #tpu.memory_space<vmem>> -> memref<128xi32, #tpu.memory_space<vmem>>
      %dma_start3A_102 = arith.constant 0 : i32
      %dma_start3A_103 = arith.constant 0 : i32
      %dma_start3A_104 = tpu.memref_slice %arg11[%dma_start3A_102, %dma_start3A_103] : memref<10112x128xf32, #tpu.memory_space<vmem_shared>> -> memref<10112x128xf32, #tpu.memory_space<vmem_shared>>
      tpu.enqueue_indirect_dma source(%arg9 : memref<128x128xf32, #tpu.memory_space<vmem>>) target(%dma_start3A_104 : memref<10112x128xf32, #tpu.memory_space<vmem_shared>>) offsets(%dma_start3A_101 : memref<128xi32, #tpu.memory_space<vmem>>) semaphore(%arg13 : memref<!tpu.dma_semaphore, #tpu.memory_space<semaphore_mem>>) {add = true}
      %dma_wait3A_105 = arith.constant 0 : i32
      %dma_wait3A_106 = tpu.memref_slice %arg6[%add3A_84, %dma_wait3A_105] : memref<80x128xi32, #tpu.memory_space<vmem>> -> memref<1x128xi32, #tpu.memory_space<vmem>>
      %dma_wait3A_107 = tpu.memref_squeeze %dma_wait3A_106 : memref<1x128xi32, #tpu.memory_space<vmem>> -> memref<128xi32, #tpu.memory_space<vmem>>
      %dma_wait3A_108 = arith.constant 0 : i32
      %dma_wait3A_109 = arith.constant 0 : i32
      %dma_wait3A_110 = tpu.memref_slice %arg2[%dma_wait3A_108, %dma_wait3A_109] : memref<20000x128xf32, #tpu.memory_space<hbm>> -> memref<20000x128xf32, #tpu.memory_space<hbm>>
      tpu.wait_indirect_dma semaphore(%arg12 : memref<!tpu.dma_semaphore, #tpu.memory_space<semaphore_mem>>) src(%dma_wait3A_110 : memref<20000x128xf32, #tpu.memory_space<hbm>>) dst(%arg10 : memref<128x128xf32, #tpu.memory_space<vmem>>)
      %add3A_111 = arith.constant 1 : i32
      %add3A_112 = arith.addi %mul3A_74, %add3A_111 : i32
      %dma_start3A_113 = arith.constant 0 : i32
      %dma_start3A_114 = tpu.memref_slice %arg8[%add3A_112, %dma_start3A_113] : memref<40x128xi32, #tpu.memory_space<vmem>> -> memref<1x128xi32, #tpu.memory_space<vmem>>
      %dma_start3A_115 = tpu.memref_squeeze %dma_start3A_114 : memref<1x128xi32, #tpu.memory_space<vmem>> -> memref<128xi32, #tpu.memory_space<vmem>>
      %dma_start3A_116 = arith.constant 0 : i32
      %dma_start3A_117 = arith.constant 0 : i32
      %dma_start3A_118 = tpu.memref_slice %arg11[%dma_start3A_116, %dma_start3A_117] : memref<10112x128xf32, #tpu.memory_space<vmem_shared>> -> memref<10112x128xf32, #tpu.memory_space<vmem_shared>>
      tpu.enqueue_indirect_dma source(%arg10 : memref<128x128xf32, #tpu.memory_space<vmem>>) target(%dma_start3A_118 : memref<10112x128xf32, #tpu.memory_space<vmem_shared>>) offsets(%dma_start3A_115 : memref<128xi32, #tpu.memory_space<vmem>>) semaphore(%arg13 : memref<!tpu.dma_semaphore, #tpu.memory_space<semaphore_mem>>) {add = true}
      %dma_wait3A_119 = arith.constant 0 : i32
      %dma_wait3A_120 = tpu.memref_slice %arg8[%add3A_98, %dma_wait3A_119] : memref<40x128xi32, #tpu.memory_space<vmem>> -> memref<1x128xi32, #tpu.memory_space<vmem>>
      %dma_wait3A_121 = tpu.memref_squeeze %dma_wait3A_120 : memref<1x128xi32, #tpu.memory_space<vmem>> -> memref<128xi32, #tpu.memory_space<vmem>>
      %dma_wait3A_122 = arith.constant 0 : i32
      %dma_wait3A_123 = arith.constant 0 : i32
      %dma_wait3A_124 = tpu.memref_slice %arg11[%dma_wait3A_122, %dma_wait3A_123] : memref<10112x128xf32, #tpu.memory_space<vmem_shared>> -> memref<10112x128xf32, #tpu.memory_space<vmem_shared>>
      tpu.wait_indirect_dma semaphore(%arg13 : memref<!tpu.dma_semaphore, #tpu.memory_space<semaphore_mem>>) src(%arg9 : memref<128x128xf32, #tpu.memory_space<vmem>>) dst(%dma_wait3A_124 : memref<10112x128xf32, #tpu.memory_space<vmem_shared>>)
      %dma_wait3A_125 = arith.constant 0 : i32
      %dma_wait3A_126 = tpu.memref_slice %arg8[%add3A_112, %dma_wait3A_125] : memref<40x128xi32, #tpu.memory_space<vmem>> -> memref<1x128xi32, #tpu.memory_space<vmem>>
      %dma_wait3A_127 = tpu.memref_squeeze %dma_wait3A_126 : memref<1x128xi32, #tpu.memory_space<vmem>> -> memref<128xi32, #tpu.memory_space<vmem>>
      %dma_wait3A_128 = arith.constant 0 : i32
      %dma_wait3A_129 = arith.constant 0 : i32
      %dma_wait3A_130 = tpu.memref_slice %arg11[%dma_wait3A_128, %dma_wait3A_129] : memref<10112x128xf32, #tpu.memory_space<vmem_shared>> -> memref<10112x128xf32, #tpu.memory_space<vmem_shared>>
      tpu.wait_indirect_dma semaphore(%arg13 : memref<!tpu.dma_semaphore, #tpu.memory_space<semaphore_mem>>) src(%arg10 : memref<128x128xf32, #tpu.memory_space<vmem>>) dst(%dma_wait3A_130 : memref<10112x128xf32, #tpu.memory_space<vmem_shared>>)
    }
    %scan3A_62 = arith.constant 20 : i32
    %barrier3A_63 = arith.constant 0 : index
    tpu.barrier barrier_id(%barrier3A_63)
    %mul3A_64 = arith.constant 632 : i32
    %mul3A_65 = arith.muli %arg1, %mul3A_64 : i32
    %mul3A_66 = arith.constant 632 : i32
    %mul3A_67 = arith.muli %arg1, %mul3A_66 : i32
    "tpu.region"() ({
      %run_scoped3A = tpu.sem_alloc : memref<!tpu.dma_semaphore, #tpu.memory_space<semaphore_mem>>
      %dma_start3A_68 = arith.constant 0 : i32
      %dma_start3A_69 = tpu.memref_slice %arg5[%arg0, %mul3A_67, %dma_start3A_68] : memref<2x10112x128xf32, #tpu.memory_space<hbm>> -> memref<1x632x128xf32, #tpu.memory_space<hbm>>
      %dma_start3A_70 = tpu.memref_squeeze %dma_start3A_69 : memref<1x632x128xf32, #tpu.memory_space<hbm>> -> memref<632x128xf32, #tpu.memory_space<hbm>>
      %dma_start3A_71 = arith.constant 0 : i32
      %dma_start3A_72 = tpu.memref_slice %arg11[%mul3A_65, %dma_start3A_71] : memref<10112x128xf32, #tpu.memory_space<vmem_shared>> -> memref<632x128xf32, #tpu.memory_space<vmem_shared>>
      tpu.enqueue_dma source(%dma_start3A_72 : memref<632x128xf32, #tpu.memory_space<vmem_shared>>) target(%dma_start3A_70 : memref<632x128xf32, #tpu.memory_space<hbm>>) target_semaphore(%run_scoped3A : memref<!tpu.dma_semaphore, #tpu.memory_space<semaphore_mem>>)
      %dma_wait3A_73 = arith.constant 0 : i32
      %dma_wait3A_74 = tpu.memref_slice %arg5[%arg0, %mul3A_67, %dma_wait3A_73] : memref<2x10112x128xf32, #tpu.memory_space<hbm>> -> memref<1x632x128xf32, #tpu.memory_space<hbm>>
      %dma_wait3A_75 = tpu.memref_squeeze %dma_wait3A_74 : memref<1x632x128xf32, #tpu.memory_space<hbm>> -> memref<632x128xf32, #tpu.memory_space<hbm>>
      %dma_wait3A_76 = arith.constant 0 : i32
      %dma_wait3A_77 = tpu.memref_slice %arg11[%mul3A_65, %dma_wait3A_76] : memref<10112x128xf32, #tpu.memory_space<vmem_shared>> -> memref<632x128xf32, #tpu.memory_space<vmem_shared>>
      tpu.wait_dma2 semaphore(%run_scoped3A : memref<!tpu.dma_semaphore, #tpu.memory_space<semaphore_mem>>) src(%dma_wait3A_77 : memref<632x128xf32, #tpu.memory_space<vmem_shared>>) dst(%dma_wait3A_75 : memref<632x128xf32, #tpu.memory_space<hbm>>)
      tpu.yield
    }) : () -> ()
    return
  }
}

#map = affine_map<(d0, d1) -> (0, 0)>
#map1 = affine_map<(d0, d1) -> (0, 0, 0)>
module attributes {stable_mosaic.version = 14 : i64} {
  func.func @k(%arg0: i32, %arg1: i32, %arg2: memref<2560x128xi32, #tpu.memory_space<hbm>>, %arg3: memref<2x10112x128xf32, #tpu.memory_space<hbm>>, %arg4: memref<80x128xi32, #tpu.memory_space<vmem>>, %arg5: memref<80xi32, #tpu.memory_space<vmem>>, %arg6: memref<40x128xi32, #tpu.memory_space<vmem>>, %arg7: memref<128x128xf32, #tpu.memory_space<vmem>>, %arg8: memref<128x128xf32, #tpu.memory_space<vmem>>, %arg9: memref<10112x128xf32, #tpu.memory_space<vmem_shared>>, %arg10: memref<!tpu.dma_semaphore, #tpu.memory_space<semaphore_mem>>, %arg11: memref<!tpu.dma_semaphore, #tpu.memory_space<semaphore_mem>>) attributes {dimension_semantics = [#tpu.dimension_semantics<core_parallel>, #tpu.dimension_semantics<subcore_parallel>], iteration_bounds = array<i64: 2, 16>, scalar_prefetch = 0 : i64, scratch_operands = 8 : i64, tpu.core_type = #tpu.core_type<sc_vector_subcore>, window_params = [{transform_indices = #map}, {transform_indices = #map1}]} {
    %mul3A = arith.constant 2 : i32
    %mul3A_0 = arith.muli %arg1, %mul3A : i32
    %add3A = arith.addi %mul3A_0, %arg0 : i32
    %iota3A = tpu.iota {dimensions = array<i32: 0>} : vector<16xi32>
    %mul3A_1 = arith.constant 80 : i32
    %mul3A_2 = arith.muli %add3A, %mul3A_1 : i32
    %scan3A = arith.constant 0 : i32
    %scan3A_3 = arith.constant 0 : i32
    %scan3A_4 = arith.constant 5 : i32
    %scan3A_5 = arith.addi %scan3A_3, %scan3A_4 : i32
    %scan3A_6 = arith.constant 1 : i32
    scf.for %scan3A_70 = %scan3A_3 to %scan3A_5 step %scan3A_6  : i32 {
      %mul3A_71 = arith.constant 16 : i32
      %mul3A_72 = arith.muli %scan3A_70, %mul3A_71 : i32
      %add3A_73 = arith.addi %mul3A_2, %mul3A_72 : i32
      %add3A_74 = vector.broadcast %add3A_73 : i32 to vector<16xi32>
      %add3A_75 = arith.addi %iota3A, %add3A_74 : vector<16xi32>
      %mul3A_76 = arith.constant 16 : i32
      %mul3A_77 = arith.muli %scan3A_70, %mul3A_76 : i32
      %swap3A = arith.index_cast %mul3A_77 : i32 to index
      %swap3A_78 = tpu.vector_load %arg5[%swap3A] {strides = array<i32>} : memref<80xi32, #tpu.memory_space<vmem>>, vector<16xi32>,
      %swap3A_79 = vector.shape_cast %swap3A_78 : vector<16xi32> to vector<16xi32>
      %swap3A_80 = vector.shape_cast %add3A_75 : vector<16xi32> to vector<16xi32>
      tpu.vector_store %arg5[%swap3A], %swap3A_80 {strides = array<i32>} : memref<80xi32, #tpu.memory_space<vmem>>, vector<16xi32>,
    }
    %scan3A_7 = arith.constant 5 : i32
    %broadcast_in_dim3A = arith.constant 0.000000e+00 : f32
    %broadcast_in_dim3A_8 = vector.broadcast %broadcast_in_dim3A : f32 to vector<16xf32>
    %scan3A_9 = arith.constant 0 : i32
    %scan3A_10 = arith.constant 0 : i32
    %scan3A_11 = arith.constant 128 : i32
    %scan3A_12 = arith.addi %scan3A_10, %scan3A_11 : i32
    %scan3A_13 = arith.constant 1 : i32
    scf.for %scan3A_70 = %scan3A_10 to %scan3A_12 step %scan3A_13  : i32 {
      %swap3A = arith.index_cast %scan3A_70 : i32 to index
      %swap3A_71 = arith.constant 0 : index
      %swap3A_72 = tpu.vector_load %arg7[%swap3A, %swap3A_71] {strides = array<i32>} : memref<128x128xf32, #tpu.memory_space<vmem>>, vector<1x16xf32>,
      %swap3A_73 = vector.shape_cast %swap3A_72 : vector<1x16xf32> to vector<16xf32>
      %swap3A_74 = vector.shape_cast %broadcast_in_dim3A_8 : vector<16xf32> to vector<1x16xf32>
      tpu.vector_store %arg7[%swap3A, %swap3A_71], %swap3A_74 {strides = array<i32>} : memref<128x128xf32, #tpu.memory_space<vmem>>, vector<1x16xf32>,
      %swap3A_75 = arith.index_cast %scan3A_70 : i32 to index
      %swap3A_76 = arith.constant 16 : index
      %swap3A_77 = tpu.vector_load %arg7[%swap3A_75, %swap3A_76] {strides = array<i32>} : memref<128x128xf32, #tpu.memory_space<vmem>>, vector<1x16xf32>,
      %swap3A_78 = vector.shape_cast %swap3A_77 : vector<1x16xf32> to vector<16xf32>
      %swap3A_79 = vector.shape_cast %broadcast_in_dim3A_8 : vector<16xf32> to vector<1x16xf32>
      tpu.vector_store %arg7[%swap3A_75, %swap3A_76], %swap3A_79 {strides = array<i32>} : memref<128x128xf32, #tpu.memory_space<vmem>>, vector<1x16xf32>,
      %swap3A_80 = arith.index_cast %scan3A_70 : i32 to index
      %swap3A_81 = arith.constant 32 : index
      %swap3A_82 = tpu.vector_load %arg7[%swap3A_80, %swap3A_81] {strides = array<i32>} : memref<128x128xf32, #tpu.memory_space<vmem>>, vector<1x16xf32>,
      %swap3A_83 = vector.shape_cast %swap3A_82 : vector<1x16xf32> to vector<16xf32>
      %swap3A_84 = vector.shape_cast %broadcast_in_dim3A_8 : vector<16xf32> to vector<1x16xf32>
      tpu.vector_store %arg7[%swap3A_80, %swap3A_81], %swap3A_84 {strides = array<i32>} : memref<128x128xf32, #tpu.memory_space<vmem>>, vector<1x16xf32>,
      %swap3A_85 = arith.index_cast %scan3A_70 : i32 to index
      %swap3A_86 = arith.constant 48 : index
      %swap3A_87 = tpu.vector_load %arg7[%swap3A_85, %swap3A_86] {strides = array<i32>} : memref<128x128xf32, #tpu.memory_space<vmem>>, vector<1x16xf32>,
      %swap3A_88 = vector.shape_cast %swap3A_87 : vector<1x16xf32> to vector<16xf32>
      %swap3A_89 = vector.shape_cast %broadcast_in_dim3A_8 : vector<16xf32> to vector<1x16xf32>
      tpu.vector_store %arg7[%swap3A_85, %swap3A_86], %swap3A_89 {strides = array<i32>} : memref<128x128xf32, #tpu.memory_space<vmem>>, vector<1x16xf32>,
      %swap3A_90 = arith.index_cast %scan3A_70 : i32 to index
      %swap3A_91 = arith.constant 64 : index
      %swap3A_92 = tpu.vector_load %arg7[%swap3A_90, %swap3A_91] {strides = array<i32>} : memref<128x128xf32, #tpu.memory_space<vmem>>, vector<1x16xf32>,
      %swap3A_93 = vector.shape_cast %swap3A_92 : vector<1x16xf32> to vector<16xf32>
      %swap3A_94 = vector.shape_cast %broadcast_in_dim3A_8 : vector<16xf32> to vector<1x16xf32>
      tpu.vector_store %arg7[%swap3A_90, %swap3A_91], %swap3A_94 {strides = array<i32>} : memref<128x128xf32, #tpu.memory_space<vmem>>, vector<1x16xf32>,
      %swap3A_95 = arith.index_cast %scan3A_70 : i32 to index
      %swap3A_96 = arith.constant 80 : index
      %swap3A_97 = tpu.vector_load %arg7[%swap3A_95, %swap3A_96] {strides = array<i32>} : memref<128x128xf32, #tpu.memory_space<vmem>>, vector<1x16xf32>,
      %swap3A_98 = vector.shape_cast %swap3A_97 : vector<1x16xf32> to vector<16xf32>
      %swap3A_99 = vector.shape_cast %broadcast_in_dim3A_8 : vector<16xf32> to vector<1x16xf32>
      tpu.vector_store %arg7[%swap3A_95, %swap3A_96], %swap3A_99 {strides = array<i32>} : memref<128x128xf32, #tpu.memory_space<vmem>>, vector<1x16xf32>,
      %swap3A_100 = arith.index_cast %scan3A_70 : i32 to index
      %swap3A_101 = arith.constant 96 : index
      %swap3A_102 = tpu.vector_load %arg7[%swap3A_100, %swap3A_101] {strides = array<i32>} : memref<128x128xf32, #tpu.memory_space<vmem>>, vector<1x16xf32>,
      %swap3A_103 = vector.shape_cast %swap3A_102 : vector<1x16xf32> to vector<16xf32>
      %swap3A_104 = vector.shape_cast %broadcast_in_dim3A_8 : vector<16xf32> to vector<1x16xf32>
      tpu.vector_store %arg7[%swap3A_100, %swap3A_101], %swap3A_104 {strides = array<i32>} : memref<128x128xf32, #tpu.memory_space<vmem>>, vector<1x16xf32>,
      %swap3A_105 = arith.index_cast %scan3A_70 : i32 to index
      %swap3A_106 = arith.constant 112 : index
      %swap3A_107 = tpu.vector_load %arg7[%swap3A_105, %swap3A_106] {strides = array<i32>} : memref<128x128xf32, #tpu.memory_space<vmem>>, vector<1x16xf32>,
      %swap3A_108 = vector.shape_cast %swap3A_107 : vector<1x16xf32> to vector<16xf32>
      %swap3A_109 = vector.shape_cast %broadcast_in_dim3A_8 : vector<16xf32> to vector<1x16xf32>
      tpu.vector_store %arg7[%swap3A_105, %swap3A_106], %swap3A_109 {strides = array<i32>} : memref<128x128xf32, #tpu.memory_space<vmem>>, vector<1x16xf32>,
    }
    %scan3A_14 = arith.constant 128 : i32
    %mul3A_15 = arith.constant 632 : i32
    %mul3A_16 = arith.muli %arg1, %mul3A_15 : i32
    %add3A_17 = arith.constant 0 : i32
    %add3A_18 = arith.addi %mul3A_16, %add3A_17 : i32
    "tpu.region"() ({
      %run_scoped3A = tpu.sem_alloc : memref<!tpu.dma_semaphore, #tpu.memory_space<semaphore_mem>>
      %dma_start3A_70 = arith.constant 0 : i32
      %dma_start3A_71 = tpu.memref_slice %arg9[%add3A_18, %dma_start3A_70] : memref<10112x128xf32, #tpu.memory_space<vmem_shared>> -> memref<128x128xf32, #tpu.memory_space<vmem_shared>>
      %dma_start3A_72 = arith.constant 0 : i32
      %dma_start3A_73 = tpu.memref_slice %arg9[%add3A_18, %dma_start3A_72] : memref<10112x128xf32, #tpu.memory_space<vmem_shared>> -> memref<128x128xf32, #tpu.memory_space<vmem_shared>>
      tpu.enqueue_dma source(%arg7 : memref<128x128xf32, #tpu.memory_space<vmem>>) target(%dma_start3A_73 : memref<128x128xf32, #tpu.memory_space<vmem_shared>>) target_semaphore(%run_scoped3A : memref<!tpu.dma_semaphore, #tpu.memory_space<semaphore_mem>>)
      %dma_wait3A_74 = arith.constant 0 : i32
      %dma_wait3A_75 = tpu.memref_slice %arg9[%add3A_18, %dma_wait3A_74] : memref<10112x128xf32, #tpu.memory_space<vmem_shared>> -> memref<128x128xf32, #tpu.memory_space<vmem_shared>>
      %dma_wait3A_76 = arith.constant 0 : i32
      %dma_wait3A_77 = tpu.memref_slice %arg9[%add3A_18, %dma_wait3A_76] : memref<10112x128xf32, #tpu.memory_space<vmem_shared>> -> memref<128x128xf32, #tpu.memory_space<vmem_shared>>
      tpu.wait_dma2 semaphore(%run_scoped3A : memref<!tpu.dma_semaphore, #tpu.memory_space<semaphore_mem>>) src(%arg7 : memref<128x128xf32, #tpu.memory_space<vmem>>) dst(%dma_wait3A_77 : memref<128x128xf32, #tpu.memory_space<vmem_shared>>)
      tpu.yield
    }) : () -> ()
    %add3A_19 = arith.constant 128 : i32
    %add3A_20 = arith.addi %mul3A_16, %add3A_19 : i32
    "tpu.region"() ({
      %run_scoped3A = tpu.sem_alloc : memref<!tpu.dma_semaphore, #tpu.memory_space<semaphore_mem>>
      %dma_start3A_70 = arith.constant 0 : i32
      %dma_start3A_71 = tpu.memref_slice %arg9[%add3A_20, %dma_start3A_70] : memref<10112x128xf32, #tpu.memory_space<vmem_shared>> -> memref<128x128xf32, #tpu.memory_space<vmem_shared>>
      %dma_start3A_72 = arith.constant 0 : i32
      %dma_start3A_73 = tpu.memref_slice %arg9[%add3A_20, %dma_start3A_72] : memref<10112x128xf32, #tpu.memory_space<vmem_shared>> -> memref<128x128xf32, #tpu.memory_space<vmem_shared>>
      tpu.enqueue_dma source(%arg7 : memref<128x128xf32, #tpu.memory_space<vmem>>) target(%dma_start3A_73 : memref<128x128xf32, #tpu.memory_space<vmem_shared>>) target_semaphore(%run_scoped3A : memref<!tpu.dma_semaphore, #tpu.memory_space<semaphore_mem>>)
      %dma_wait3A_74 = arith.constant 0 : i32
      %dma_wait3A_75 = tpu.memref_slice %arg9[%add3A_20, %dma_wait3A_74] : memref<10112x128xf32, #tpu.memory_space<vmem_shared>> -> memref<128x128xf32, #tpu.memory_space<vmem_shared>>
      %dma_wait3A_76 = arith.constant 0 : i32
      %dma_wait3A_77 = tpu.memref_slice %arg9[%add3A_20, %dma_wait3A_76] : memref<10112x128xf32, #tpu.memory_space<vmem_shared>> -> memref<128x128xf32, #tpu.memory_space<vmem_shared>>
      tpu.wait_dma2 semaphore(%run_scoped3A : memref<!tpu.dma_semaphore, #tpu.memory_space<semaphore_mem>>) src(%arg7 : memref<128x128xf32, #tpu.memory_space<vmem>>) dst(%dma_wait3A_77 : memref<128x128xf32, #tpu.memory_space<vmem_shared>>)
      tpu.yield
    }) : () -> ()
    %add3A_21 = arith.constant 256 : i32
    %add3A_22 = arith.addi %mul3A_16, %add3A_21 : i32
    "tpu.region"() ({
      %run_scoped3A = tpu.sem_alloc : memref<!tpu.dma_semaphore, #tpu.memory_space<semaphore_mem>>
      %dma_start3A_70 = arith.constant 0 : i32
      %dma_start3A_71 = tpu.memref_slice %arg9[%add3A_22, %dma_start3A_70] : memref<10112x128xf32, #tpu.memory_space<vmem_shared>> -> memref<128x128xf32, #tpu.memory_space<vmem_shared>>
      %dma_start3A_72 = arith.constant 0 : i32
      %dma_start3A_73 = tpu.memref_slice %arg9[%add3A_22, %dma_start3A_72] : memref<10112x128xf32, #tpu.memory_space<vmem_shared>> -> memref<128x128xf32, #tpu.memory_space<vmem_shared>>
      tpu.enqueue_dma source(%arg7 : memref<128x128xf32, #tpu.memory_space<vmem>>) target(%dma_start3A_73 : memref<128x128xf32, #tpu.memory_space<vmem_shared>>) target_semaphore(%run_scoped3A : memref<!tpu.dma_semaphore, #tpu.memory_space<semaphore_mem>>)
      %dma_wait3A_74 = arith.constant 0 : i32
      %dma_wait3A_75 = tpu.memref_slice %arg9[%add3A_22, %dma_wait3A_74] : memref<10112x128xf32, #tpu.memory_space<vmem_shared>> -> memref<128x128xf32, #tpu.memory_space<vmem_shared>>
      %dma_wait3A_76 = arith.constant 0 : i32
      %dma_wait3A_77 = tpu.memref_slice %arg9[%add3A_22, %dma_wait3A_76] : memref<10112x128xf32, #tpu.memory_space<vmem_shared>> -> memref<128x128xf32, #tpu.memory_space<vmem_shared>>
      tpu.wait_dma2 semaphore(%run_scoped3A : memref<!tpu.dma_semaphore, #tpu.memory_space<semaphore_mem>>) src(%arg7 : memref<128x128xf32, #tpu.memory_space<vmem>>) dst(%dma_wait3A_77 : memref<128x128xf32, #tpu.memory_space<vmem_shared>>)
      tpu.yield
    }) : () -> ()
    %add3A_23 = arith.constant 384 : i32
    %add3A_24 = arith.addi %mul3A_16, %add3A_23 : i32
    "tpu.region"() ({
      %run_scoped3A = tpu.sem_alloc : memref<!tpu.dma_semaphore, #tpu.memory_space<semaphore_mem>>
      %dma_start3A_70 = arith.constant 0 : i32
      %dma_start3A_71 = tpu.memref_slice %arg9[%add3A_24, %dma_start3A_70] : memref<10112x128xf32, #tpu.memory_space<vmem_shared>> -> memref<128x128xf32, #tpu.memory_space<vmem_shared>>
      %dma_start3A_72 = arith.constant 0 : i32
      %dma_start3A_73 = tpu.memref_slice %arg9[%add3A_24, %dma_start3A_72] : memref<10112x128xf32, #tpu.memory_space<vmem_shared>> -> memref<128x128xf32, #tpu.memory_space<vmem_shared>>
      tpu.enqueue_dma source(%arg7 : memref<128x128xf32, #tpu.memory_space<vmem>>) target(%dma_start3A_73 : memref<128x128xf32, #tpu.memory_space<vmem_shared>>) target_semaphore(%run_scoped3A : memref<!tpu.dma_semaphore, #tpu.memory_space<semaphore_mem>>)
      %dma_wait3A_74 = arith.constant 0 : i32
      %dma_wait3A_75 = tpu.memref_slice %arg9[%add3A_24, %dma_wait3A_74] : memref<10112x128xf32, #tpu.memory_space<vmem_shared>> -> memref<128x128xf32, #tpu.memory_space<vmem_shared>>
      %dma_wait3A_76 = arith.constant 0 : i32
      %dma_wait3A_77 = tpu.memref_slice %arg9[%add3A_24, %dma_wait3A_76] : memref<10112x128xf32, #tpu.memory_space<vmem_shared>> -> memref<128x128xf32, #tpu.memory_space<vmem_shared>>
      tpu.wait_dma2 semaphore(%run_scoped3A : memref<!tpu.dma_semaphore, #tpu.memory_space<semaphore_mem>>) src(%arg7 : memref<128x128xf32, #tpu.memory_space<vmem>>) dst(%dma_wait3A_77 : memref<128x128xf32, #tpu.memory_space<vmem_shared>>)
      tpu.yield
    }) : () -> ()
    %add3A_25 = arith.constant 512 : i32
    %add3A_26 = arith.addi %mul3A_16, %add3A_25 : i32
    "tpu.region"() ({
      %run_scoped3A = tpu.sem_alloc : memref<!tpu.dma_semaphore, #tpu.memory_space<semaphore_mem>>
      %dma_start3A_70 = arith.constant 0 : i32
      %dma_start3A_71 = arith.constant 0 : i32
      %dma_start3A_72 = tpu.memref_slice %arg7[%dma_start3A_70, %dma_start3A_71] : memref<128x128xf32, #tpu.memory_space<vmem>> -> memref<120x128xf32, #tpu.memory_space<vmem>>
      %dma_start3A_73 = arith.constant 0 : i32
      %dma_start3A_74 = tpu.memref_slice %arg9[%add3A_26, %dma_start3A_73] : memref<10112x128xf32, #tpu.memory_space<vmem_shared>> -> memref<120x128xf32, #tpu.memory_space<vmem_shared>>
      %dma_start3A_75 = arith.constant 0 : i32
      %dma_start3A_76 = tpu.memref_slice %arg9[%add3A_26, %dma_start3A_75] : memref<10112x128xf32, #tpu.memory_space<vmem_shared>> -> memref<120x128xf32, #tpu.memory_space<vmem_shared>>
      %dma_start3A_77 = arith.constant 0 : i32
      %dma_start3A_78 = arith.constant 0 : i32
      %dma_start3A_79 = tpu.memref_slice %arg7[%dma_start3A_77, %dma_start3A_78] : memref<128x128xf32, #tpu.memory_space<vmem>> -> memref<120x128xf32, #tpu.memory_space<vmem>>
      tpu.enqueue_dma source(%dma_start3A_79 : memref<120x128xf32, #tpu.memory_space<vmem>>) target(%dma_start3A_76 : memref<120x128xf32, #tpu.memory_space<vmem_shared>>) target_semaphore(%run_scoped3A : memref<!tpu.dma_semaphore, #tpu.memory_space<semaphore_mem>>)
      %dma_wait3A_80 = arith.constant 0 : i32
      %dma_wait3A_81 = arith.constant 0 : i32
      %dma_wait3A_82 = tpu.memref_slice %arg7[%dma_wait3A_80, %dma_wait3A_81] : memref<128x128xf32, #tpu.memory_space<vmem>> -> memref<120x128xf32, #tpu.memory_space<vmem>>
      %dma_wait3A_83 = arith.constant 0 : i32
      %dma_wait3A_84 = tpu.memref_slice %arg9[%add3A_26, %dma_wait3A_83] : memref<10112x128xf32, #tpu.memory_space<vmem_shared>> -> memref<120x128xf32, #tpu.memory_space<vmem_shared>>
      %dma_wait3A_85 = arith.constant 0 : i32
      %dma_wait3A_86 = tpu.memref_slice %arg9[%add3A_26, %dma_wait3A_85] : memref<10112x128xf32, #tpu.memory_space<vmem_shared>> -> memref<120x128xf32, #tpu.memory_space<vmem_shared>>
      %dma_wait3A_87 = arith.constant 0 : i32
      %dma_wait3A_88 = arith.constant 0 : i32
      %dma_wait3A_89 = tpu.memref_slice %arg7[%dma_wait3A_87, %dma_wait3A_88] : memref<128x128xf32, #tpu.memory_space<vmem>> -> memref<120x128xf32, #tpu.memory_space<vmem>>
      tpu.wait_dma2 semaphore(%run_scoped3A : memref<!tpu.dma_semaphore, #tpu.memory_space<semaphore_mem>>) src(%dma_wait3A_89 : memref<120x128xf32, #tpu.memory_space<vmem>>) dst(%dma_wait3A_86 : memref<120x128xf32, #tpu.memory_space<vmem_shared>>)
      tpu.yield
    }) : () -> ()
    %broadcast_in_dim3A_27 = arith.constant 1.000000e+00 : f32
    %broadcast_in_dim3A_28 = vector.broadcast %broadcast_in_dim3A_27 : f32 to vector<16xf32>
    %scan3A_29 = arith.constant 0 : i32
    %scan3A_30 = arith.constant 0 : i32
    %scan3A_31 = arith.constant 128 : i32
    %scan3A_32 = arith.addi %scan3A_30, %scan3A_31 : i32
    %scan3A_33 = arith.constant 1 : i32
    scf.for %scan3A_70 = %scan3A_30 to %scan3A_32 step %scan3A_33  : i32 {
      %swap3A = arith.index_cast %scan3A_70 : i32 to index
      %swap3A_71 = arith.constant 0 : index
      %swap3A_72 = tpu.vector_load %arg7[%swap3A, %swap3A_71] {strides = array<i32>} : memref<128x128xf32, #tpu.memory_space<vmem>>, vector<1x16xf32>,
      %swap3A_73 = vector.shape_cast %swap3A_72 : vector<1x16xf32> to vector<16xf32>
      %swap3A_74 = vector.shape_cast %broadcast_in_dim3A_28 : vector<16xf32> to vector<1x16xf32>
      tpu.vector_store %arg7[%swap3A, %swap3A_71], %swap3A_74 {strides = array<i32>} : memref<128x128xf32, #tpu.memory_space<vmem>>, vector<1x16xf32>,
      %swap3A_75 = arith.index_cast %scan3A_70 : i32 to index
      %swap3A_76 = arith.constant 16 : index
      %swap3A_77 = tpu.vector_load %arg7[%swap3A_75, %swap3A_76] {strides = array<i32>} : memref<128x128xf32, #tpu.memory_space<vmem>>, vector<1x16xf32>,
      %swap3A_78 = vector.shape_cast %swap3A_77 : vector<1x16xf32> to vector<16xf32>
      %swap3A_79 = vector.shape_cast %broadcast_in_dim3A_28 : vector<16xf32> to vector<1x16xf32>
      tpu.vector_store %arg7[%swap3A_75, %swap3A_76], %swap3A_79 {strides = array<i32>} : memref<128x128xf32, #tpu.memory_space<vmem>>, vector<1x16xf32>,
      %swap3A_80 = arith.index_cast %scan3A_70 : i32 to index
      %swap3A_81 = arith.constant 32 : index
      %swap3A_82 = tpu.vector_load %arg7[%swap3A_80, %swap3A_81] {strides = array<i32>} : memref<128x128xf32, #tpu.memory_space<vmem>>, vector<1x16xf32>,
      %swap3A_83 = vector.shape_cast %swap3A_82 : vector<1x16xf32> to vector<16xf32>
      %swap3A_84 = vector.shape_cast %broadcast_in_dim3A_28 : vector<16xf32> to vector<1x16xf32>
      tpu.vector_store %arg7[%swap3A_80, %swap3A_81], %swap3A_84 {strides = array<i32>} : memref<128x128xf32, #tpu.memory_space<vmem>>, vector<1x16xf32>,
      %swap3A_85 = arith.index_cast %scan3A_70 : i32 to index
      %swap3A_86 = arith.constant 48 : index
      %swap3A_87 = tpu.vector_load %arg7[%swap3A_85, %swap3A_86] {strides = array<i32>} : memref<128x128xf32, #tpu.memory_space<vmem>>, vector<1x16xf32>,
      %swap3A_88 = vector.shape_cast %swap3A_87 : vector<1x16xf32> to vector<16xf32>
      %swap3A_89 = vector.shape_cast %broadcast_in_dim3A_28 : vector<16xf32> to vector<1x16xf32>
      tpu.vector_store %arg7[%swap3A_85, %swap3A_86], %swap3A_89 {strides = array<i32>} : memref<128x128xf32, #tpu.memory_space<vmem>>, vector<1x16xf32>,
      %swap3A_90 = arith.index_cast %scan3A_70 : i32 to index
      %swap3A_91 = arith.constant 64 : index
      %swap3A_92 = tpu.vector_load %arg7[%swap3A_90, %swap3A_91] {strides = array<i32>} : memref<128x128xf32, #tpu.memory_space<vmem>>, vector<1x16xf32>,
      %swap3A_93 = vector.shape_cast %swap3A_92 : vector<1x16xf32> to vector<16xf32>
      %swap3A_94 = vector.shape_cast %broadcast_in_dim3A_28 : vector<16xf32> to vector<1x16xf32>
      tpu.vector_store %arg7[%swap3A_90, %swap3A_91], %swap3A_94 {strides = array<i32>} : memref<128x128xf32, #tpu.memory_space<vmem>>, vector<1x16xf32>,
      %swap3A_95 = arith.index_cast %scan3A_70 : i32 to index
      %swap3A_96 = arith.constant 80 : index
      %swap3A_97 = tpu.vector_load %arg7[%swap3A_95, %swap3A_96] {strides = array<i32>} : memref<128x128xf32, #tpu.memory_space<vmem>>, vector<1x16xf32>,
      %swap3A_98 = vector.shape_cast %swap3A_97 : vector<1x16xf32> to vector<16xf32>
      %swap3A_99 = vector.shape_cast %broadcast_in_dim3A_28 : vector<16xf32> to vector<1x16xf32>
      tpu.vector_store %arg7[%swap3A_95, %swap3A_96], %swap3A_99 {strides = array<i32>} : memref<128x128xf32, #tpu.memory_space<vmem>>, vector<1x16xf32>,
      %swap3A_100 = arith.index_cast %scan3A_70 : i32 to index
      %swap3A_101 = arith.constant 96 : index
      %swap3A_102 = tpu.vector_load %arg7[%swap3A_100, %swap3A_101] {strides = array<i32>} : memref<128x128xf32, #tpu.memory_space<vmem>>, vector<1x16xf32>,
      %swap3A_103 = vector.shape_cast %swap3A_102 : vector<1x16xf32> to vector<16xf32>
      %swap3A_104 = vector.shape_cast %broadcast_in_dim3A_28 : vector<16xf32> to vector<1x16xf32>
      tpu.vector_store %arg7[%swap3A_100, %swap3A_101], %swap3A_104 {strides = array<i32>} : memref<128x128xf32, #tpu.memory_space<vmem>>, vector<1x16xf32>,
      %swap3A_105 = arith.index_cast %scan3A_70 : i32 to index
      %swap3A_106 = arith.constant 112 : index
      %swap3A_107 = tpu.vector_load %arg7[%swap3A_105, %swap3A_106] {strides = array<i32>} : memref<128x128xf32, #tpu.memory_space<vmem>>, vector<1x16xf32>,
      %swap3A_108 = vector.shape_cast %swap3A_107 : vector<1x16xf32> to vector<16xf32>
      %swap3A_109 = vector.shape_cast %broadcast_in_dim3A_28 : vector<16xf32> to vector<1x16xf32>
      tpu.vector_store %arg7[%swap3A_105, %swap3A_106], %swap3A_109 {strides = array<i32>} : memref<128x128xf32, #tpu.memory_space<vmem>>, vector<1x16xf32>,
    }
    %scan3A_34 = arith.constant 128 : i32
    %barrier3A = arith.constant 0 : index
    tpu.barrier barrier_id(%barrier3A)
    %dma_start3A = arith.constant 0 : i32
    %dma_start3A_35 = tpu.memref_slice %arg5[%dma_start3A] : memref<80xi32, #tpu.memory_space<vmem>> -> memref<40xi32, #tpu.memory_space<vmem>>
    %dma_start3A_36 = arith.constant 0 : i32
    %dma_start3A_37 = arith.constant 0 : i32
    %dma_start3A_38 = tpu.memref_slice %arg2[%dma_start3A_36, %dma_start3A_37] : memref<2560x128xi32, #tpu.memory_space<hbm>> -> memref<2560x128xi32, #tpu.memory_space<hbm>>
    tpu.enqueue_indirect_dma source(%dma_start3A_38 : memref<2560x128xi32, #tpu.memory_space<hbm>>) target(%arg6 : memref<40x128xi32, #tpu.memory_space<vmem>>) offsets(%dma_start3A_35 : memref<40xi32, #tpu.memory_space<vmem>>) semaphore(%arg10 : memref<!tpu.dma_semaphore, #tpu.memory_space<semaphore_mem>>)
    %dma_wait3A = arith.constant 0 : i32
    %dma_wait3A_39 = tpu.memref_slice %arg5[%dma_wait3A] : memref<80xi32, #tpu.memory_space<vmem>> -> memref<40xi32, #tpu.memory_space<vmem>>
    %dma_wait3A_40 = arith.constant 0 : i32
    %dma_wait3A_41 = arith.constant 0 : i32
    %dma_wait3A_42 = tpu.memref_slice %arg2[%dma_wait3A_40, %dma_wait3A_41] : memref<2560x128xi32, #tpu.memory_space<hbm>> -> memref<2560x128xi32, #tpu.memory_space<hbm>>
    tpu.wait_indirect_dma semaphore(%arg10 : memref<!tpu.dma_semaphore, #tpu.memory_space<semaphore_mem>>) src(%dma_wait3A_42 : memref<2560x128xi32, #tpu.memory_space<hbm>>) dst(%arg6 : memref<40x128xi32, #tpu.memory_space<vmem>>)
    %scan3A_43 = arith.constant 0 : i32
    %scan3A_44 = arith.constant 0 : i32
    %scan3A_45 = arith.constant 20 : i32
    %scan3A_46 = arith.addi %scan3A_44, %scan3A_45 : i32
    %scan3A_47 = arith.constant 1 : i32
    scf.for %scan3A_70 = %scan3A_44 to %scan3A_46 step %scan3A_47  : i32 {
      %mul3A_71 = arith.constant 2 : i32
      %mul3A_72 = arith.muli %scan3A_70, %mul3A_71 : i32
      %add3A_73 = arith.constant 0 : i32
      %add3A_74 = arith.addi %add3A_73, %mul3A_72 : i32
      %mul3A_75 = arith.constant 2 : i32
      %mul3A_76 = arith.muli %scan3A_70, %mul3A_75 : i32
      %add3A_77 = arith.constant 0 : i32
      %add3A_78 = arith.addi %mul3A_76, %add3A_77 : i32
      %dma_start3A_79 = arith.constant 0 : i32
      %dma_start3A_80 = tpu.memref_slice %arg6[%add3A_78, %dma_start3A_79] : memref<40x128xi32, #tpu.memory_space<vmem>> -> memref<1x128xi32, #tpu.memory_space<vmem>>
      %dma_start3A_81 = tpu.memref_squeeze %dma_start3A_80 : memref<1x128xi32, #tpu.memory_space<vmem>> -> memref<128xi32, #tpu.memory_space<vmem>>
      %dma_start3A_82 = arith.constant 0 : i32
      %dma_start3A_83 = arith.constant 0 : i32
      %dma_start3A_84 = tpu.memref_slice %arg9[%dma_start3A_82, %dma_start3A_83] : memref<10112x128xf32, #tpu.memory_space<vmem_shared>> -> memref<10112x128xf32, #tpu.memory_space<vmem_shared>>
      tpu.enqueue_indirect_dma source(%arg7 : memref<128x128xf32, #tpu.memory_space<vmem>>) target(%dma_start3A_84 : memref<10112x128xf32, #tpu.memory_space<vmem_shared>>) offsets(%dma_start3A_81 : memref<128xi32, #tpu.memory_space<vmem>>) semaphore(%arg11 : memref<!tpu.dma_semaphore, #tpu.memory_space<semaphore_mem>>) {add = true}
      %add3A_85 = arith.constant 1 : i32
      %add3A_86 = arith.addi %mul3A_76, %add3A_85 : i32
      %dma_start3A_87 = arith.constant 0 : i32
      %dma_start3A_88 = tpu.memref_slice %arg6[%add3A_86, %dma_start3A_87] : memref<40x128xi32, #tpu.memory_space<vmem>> -> memref<1x128xi32, #tpu.memory_space<vmem>>
      %dma_start3A_89 = tpu.memref_squeeze %dma_start3A_88 : memref<1x128xi32, #tpu.memory_space<vmem>> -> memref<128xi32, #tpu.memory_space<vmem>>
      %dma_start3A_90 = arith.constant 0 : i32
      %dma_start3A_91 = arith.constant 0 : i32
      %dma_start3A_92 = tpu.memref_slice %arg9[%dma_start3A_90, %dma_start3A_91] : memref<10112x128xf32, #tpu.memory_space<vmem_shared>> -> memref<10112x128xf32, #tpu.memory_space<vmem_shared>>
      tpu.enqueue_indirect_dma source(%arg7 : memref<128x128xf32, #tpu.memory_space<vmem>>) target(%dma_start3A_92 : memref<10112x128xf32, #tpu.memory_space<vmem_shared>>) offsets(%dma_start3A_89 : memref<128xi32, #tpu.memory_space<vmem>>) semaphore(%arg11 : memref<!tpu.dma_semaphore, #tpu.memory_space<semaphore_mem>>) {add = true}
      %dma_wait3A_93 = arith.constant 0 : i32
      %dma_wait3A_94 = tpu.memref_slice %arg6[%add3A_78, %dma_wait3A_93] : memref<40x128xi32, #tpu.memory_space<vmem>> -> memref<1x128xi32, #tpu.memory_space<vmem>>
      %dma_wait3A_95 = tpu.memref_squeeze %dma_wait3A_94 : memref<1x128xi32, #tpu.memory_space<vmem>> -> memref<128xi32, #tpu.memory_space<vmem>>
      %dma_wait3A_96 = arith.constant 0 : i32
      %dma_wait3A_97 = arith.constant 0 : i32
      %dma_wait3A_98 = tpu.memref_slice %arg9[%dma_wait3A_96, %dma_wait3A_97] : memref<10112x128xf32, #tpu.memory_space<vmem_shared>> -> memref<10112x128xf32, #tpu.memory_space<vmem_shared>>
      tpu.wait_indirect_dma semaphore(%arg11 : memref<!tpu.dma_semaphore, #tpu.memory_space<semaphore_mem>>) src(%arg7 : memref<128x128xf32, #tpu.memory_space<vmem>>) dst(%dma_wait3A_98 : memref<10112x128xf32, #tpu.memory_space<vmem_shared>>)
      %dma_wait3A_99 = arith.constant 0 : i32
      %dma_wait3A_100 = tpu.memref_slice %arg6[%add3A_86, %dma_wait3A_99] : memref<40x128xi32, #tpu.memory_space<vmem>> -> memref<1x128xi32, #tpu.memory_space<vmem>>
      %dma_wait3A_101 = tpu.memref_squeeze %dma_wait3A_100 : memref<1x128xi32, #tpu.memory_space<vmem>> -> memref<128xi32, #tpu.memory_space<vmem>>
      %dma_wait3A_102 = arith.constant 0 : i32
      %dma_wait3A_103 = arith.constant 0 : i32
      %dma_wait3A_104 = tpu.memref_slice %arg9[%dma_wait3A_102, %dma_wait3A_103] : memref<10112x128xf32, #tpu.memory_space<vmem_shared>> -> memref<10112x128xf32, #tpu.memory_space<vmem_shared>>
      tpu.wait_indirect_dma semaphore(%arg11 : memref<!tpu.dma_semaphore, #tpu.memory_space<semaphore_mem>>) src(%arg7 : memref<128x128xf32, #tpu.memory_space<vmem>>) dst(%dma_wait3A_104 : memref<10112x128xf32, #tpu.memory_space<vmem_shared>>)
    }
    %scan3A_48 = arith.constant 20 : i32
    %dma_start3A_49 = arith.constant 40 : i32
    %dma_start3A_50 = tpu.memref_slice %arg5[%dma_start3A_49] : memref<80xi32, #tpu.memory_space<vmem>> -> memref<40xi32, #tpu.memory_space<vmem>>
    %dma_start3A_51 = arith.constant 0 : i32
    %dma_start3A_52 = arith.constant 0 : i32
    %dma_start3A_53 = tpu.memref_slice %arg2[%dma_start3A_51, %dma_start3A_52] : memref<2560x128xi32, #tpu.memory_space<hbm>> -> memref<2560x128xi32, #tpu.memory_space<hbm>>
    tpu.enqueue_indirect_dma source(%dma_start3A_53 : memref<2560x128xi32, #tpu.memory_space<hbm>>) target(%arg6 : memref<40x128xi32, #tpu.memory_space<vmem>>) offsets(%dma_start3A_50 : memref<40xi32, #tpu.memory_space<vmem>>) semaphore(%arg10 : memref<!tpu.dma_semaphore, #tpu.memory_space<semaphore_mem>>)
    %dma_wait3A_54 = arith.constant 40 : i32
    %dma_wait3A_55 = tpu.memref_slice %arg5[%dma_wait3A_54] : memref<80xi32, #tpu.memory_space<vmem>> -> memref<40xi32, #tpu.memory_space<vmem>>
    %dma_wait3A_56 = arith.constant 0 : i32
    %dma_wait3A_57 = arith.constant 0 : i32
    %dma_wait3A_58 = tpu.memref_slice %arg2[%dma_wait3A_56, %dma_wait3A_57] : memref<2560x128xi32, #tpu.memory_space<hbm>> -> memref<2560x128xi32, #tpu.memory_space<hbm>>
    tpu.wait_indirect_dma semaphore(%arg10 : memref<!tpu.dma_semaphore, #tpu.memory_space<semaphore_mem>>) src(%dma_wait3A_58 : memref<2560x128xi32, #tpu.memory_space<hbm>>) dst(%arg6 : memref<40x128xi32, #tpu.memory_space<vmem>>)
    %scan3A_59 = arith.constant 0 : i32
    %scan3A_60 = arith.constant 0 : i32
    %scan3A_61 = arith.constant 20 : i32
    %scan3A_62 = arith.addi %scan3A_60, %scan3A_61 : i32
    %scan3A_63 = arith.constant 1 : i32
    scf.for %scan3A_70 = %scan3A_60 to %scan3A_62 step %scan3A_63  : i32 {
      %mul3A_71 = arith.constant 2 : i32
      %mul3A_72 = arith.muli %scan3A_70, %mul3A_71 : i32
      %add3A_73 = arith.constant 40 : i32
      %add3A_74 = arith.addi %add3A_73, %mul3A_72 : i32
      %mul3A_75 = arith.constant 2 : i32
      %mul3A_76 = arith.muli %scan3A_70, %mul3A_75 : i32
      %add3A_77 = arith.constant 0 : i32
      %add3A_78 = arith.addi %mul3A_76, %add3A_77 : i32
      %dma_start3A_79 = arith.constant 0 : i32
      %dma_start3A_80 = tpu.memref_slice %arg6[%add3A_78, %dma_start3A_79] : memref<40x128xi32, #tpu.memory_space<vmem>> -> memref<1x128xi32, #tpu.memory_space<vmem>>
      %dma_start3A_81 = tpu.memref_squeeze %dma_start3A_80 : memref<1x128xi32, #tpu.memory_space<vmem>> -> memref<128xi32, #tpu.memory_space<vmem>>
      %dma_start3A_82 = arith.constant 0 : i32
      %dma_start3A_83 = arith.constant 0 : i32
      %dma_start3A_84 = tpu.memref_slice %arg9[%dma_start3A_82, %dma_start3A_83] : memref<10112x128xf32, #tpu.memory_space<vmem_shared>> -> memref<10112x128xf32, #tpu.memory_space<vmem_shared>>
      tpu.enqueue_indirect_dma source(%arg7 : memref<128x128xf32, #tpu.memory_space<vmem>>) target(%dma_start3A_84 : memref<10112x128xf32, #tpu.memory_space<vmem_shared>>) offsets(%dma_start3A_81 : memref<128xi32, #tpu.memory_space<vmem>>) semaphore(%arg11 : memref<!tpu.dma_semaphore, #tpu.memory_space<semaphore_mem>>) {add = true}
      %add3A_85 = arith.constant 1 : i32
      %add3A_86 = arith.addi %mul3A_76, %add3A_85 : i32
      %dma_start3A_87 = arith.constant 0 : i32
      %dma_start3A_88 = tpu.memref_slice %arg6[%add3A_86, %dma_start3A_87] : memref<40x128xi32, #tpu.memory_space<vmem>> -> memref<1x128xi32, #tpu.memory_space<vmem>>
      %dma_start3A_89 = tpu.memref_squeeze %dma_start3A_88 : memref<1x128xi32, #tpu.memory_space<vmem>> -> memref<128xi32, #tpu.memory_space<vmem>>
      %dma_start3A_90 = arith.constant 0 : i32
      %dma_start3A_91 = arith.constant 0 : i32
      %dma_start3A_92 = tpu.memref_slice %arg9[%dma_start3A_90, %dma_start3A_91] : memref<10112x128xf32, #tpu.memory_space<vmem_shared>> -> memref<10112x128xf32, #tpu.memory_space<vmem_shared>>
      tpu.enqueue_indirect_dma source(%arg7 : memref<128x128xf32, #tpu.memory_space<vmem>>) target(%dma_start3A_92 : memref<10112x128xf32, #tpu.memory_space<vmem_shared>>) offsets(%dma_start3A_89 : memref<128xi32, #tpu.memory_space<vmem>>) semaphore(%arg11 : memref<!tpu.dma_semaphore, #tpu.memory_space<semaphore_mem>>) {add = true}
      %dma_wait3A_93 = arith.constant 0 : i32
      %dma_wait3A_94 = tpu.memref_slice %arg6[%add3A_78, %dma_wait3A_93] : memref<40x128xi32, #tpu.memory_space<vmem>> -> memref<1x128xi32, #tpu.memory_space<vmem>>
      %dma_wait3A_95 = tpu.memref_squeeze %dma_wait3A_94 : memref<1x128xi32, #tpu.memory_space<vmem>> -> memref<128xi32, #tpu.memory_space<vmem>>
      %dma_wait3A_96 = arith.constant 0 : i32
      %dma_wait3A_97 = arith.constant 0 : i32
      %dma_wait3A_98 = tpu.memref_slice %arg9[%dma_wait3A_96, %dma_wait3A_97] : memref<10112x128xf32, #tpu.memory_space<vmem_shared>> -> memref<10112x128xf32, #tpu.memory_space<vmem_shared>>
      tpu.wait_indirect_dma semaphore(%arg11 : memref<!tpu.dma_semaphore, #tpu.memory_space<semaphore_mem>>) src(%arg7 : memref<128x128xf32, #tpu.memory_space<vmem>>) dst(%dma_wait3A_98 : memref<10112x128xf32, #tpu.memory_space<vmem_shared>>)
      %dma_wait3A_99 = arith.constant 0 : i32
      %dma_wait3A_100 = tpu.memref_slice %arg6[%add3A_86, %dma_wait3A_99] : memref<40x128xi32, #tpu.memory_space<vmem>> -> memref<1x128xi32, #tpu.memory_space<vmem>>
      %dma_wait3A_101 = tpu.memref_squeeze %dma_wait3A_100 : memref<1x128xi32, #tpu.memory_space<vmem>> -> memref<128xi32, #tpu.memory_space<vmem>>
      %dma_wait3A_102 = arith.constant 0 : i32
      %dma_wait3A_103 = arith.constant 0 : i32
      %dma_wait3A_104 = tpu.memref_slice %arg9[%dma_wait3A_102, %dma_wait3A_103] : memref<10112x128xf32, #tpu.memory_space<vmem_shared>> -> memref<10112x128xf32, #tpu.memory_space<vmem_shared>>
      tpu.wait_indirect_dma semaphore(%arg11 : memref<!tpu.dma_semaphore, #tpu.memory_space<semaphore_mem>>) src(%arg7 : memref<128x128xf32, #tpu.memory_space<vmem>>) dst(%dma_wait3A_104 : memref<10112x128xf32, #tpu.memory_space<vmem_shared>>)
    }
    %scan3A_64 = arith.constant 20 : i32
    %barrier3A_65 = arith.constant 0 : index
    tpu.barrier barrier_id(%barrier3A_65)
    %mul3A_66 = arith.constant 632 : i32
    %mul3A_67 = arith.muli %arg1, %mul3A_66 : i32
    %mul3A_68 = arith.constant 632 : i32
    %mul3A_69 = arith.muli %arg1, %mul3A_68 : i32
    "tpu.region"() ({
      %run_scoped3A = tpu.sem_alloc : memref<!tpu.dma_semaphore, #tpu.memory_space<semaphore_mem>>
      %dma_start3A_70 = arith.constant 0 : i32
      %dma_start3A_71 = tpu.memref_slice %arg3[%arg0, %mul3A_69, %dma_start3A_70] : memref<2x10112x128xf32, #tpu.memory_space<hbm>> -> memref<1x632x128xf32, #tpu.memory_space<hbm>>
      %dma_start3A_72 = tpu.memref_squeeze %dma_start3A_71 : memref<1x632x128xf32, #tpu.memory_space<hbm>> -> memref<632x128xf32, #tpu.memory_space<hbm>>
      %dma_start3A_73 = arith.constant 0 : i32
      %dma_start3A_74 = tpu.memref_slice %arg9[%mul3A_67, %dma_start3A_73] : memref<10112x128xf32, #tpu.memory_space<vmem_shared>> -> memref<632x128xf32, #tpu.memory_space<vmem_shared>>
      tpu.enqueue_dma source(%dma_start3A_74 : memref<632x128xf32, #tpu.memory_space<vmem_shared>>) target(%dma_start3A_72 : memref<632x128xf32, #tpu.memory_space<hbm>>) target_semaphore(%run_scoped3A : memref<!tpu.dma_semaphore, #tpu.memory_space<semaphore_mem>>)
      %dma_wait3A_75 = arith.constant 0 : i32
      %dma_wait3A_76 = tpu.memref_slice %arg3[%arg0, %mul3A_69, %dma_wait3A_75] : memref<2x10112x128xf32, #tpu.memory_space<hbm>> -> memref<1x632x128xf32, #tpu.memory_space<hbm>>
      %dma_wait3A_77 = tpu.memref_squeeze %dma_wait3A_76 : memref<1x632x128xf32, #tpu.memory_space<hbm>> -> memref<632x128xf32, #tpu.memory_space<hbm>>
      %dma_wait3A_78 = arith.constant 0 : i32
      %dma_wait3A_79 = tpu.memref_slice %arg9[%mul3A_67, %dma_wait3A_78] : memref<10112x128xf32, #tpu.memory_space<vmem_shared>> -> memref<632x128xf32, #tpu.memory_space<vmem_shared>>
      tpu.wait_dma2 semaphore(%run_scoped3A : memref<!tpu.dma_semaphore, #tpu.memory_space<semaphore_mem>>) src(%dma_wait3A_79 : memref<632x128xf32, #tpu.memory_space<vmem_shared>>) dst(%dma_wait3A_77 : memref<632x128xf32, #tpu.memory_space<hbm>>)
      tpu.yield
    }) : () -> ()
    return
  }
}

module attributes {stable_mosaic.version = 14 : i64} {
  func.func @body(%arg0: i32, %arg1: memref<400x128xf32, #tpu.memory_space<vmem>>, %arg2: memref<2x400x128xf32, #tpu.memory_space<vmem>>, %arg3: memref<2x400x128xf32, #tpu.memory_space<vmem>>, %arg4: memref<128x256xf32, #tpu.memory_space<vmem>>, %arg5: memref<128x256xf32, #tpu.memory_space<vmem>>, %arg6: memref<1x256xf32, #tpu.memory_space<vmem>>, %arg7: memref<2x400x128xf32, #tpu.memory_space<vmem>>) attributes {dimension_semantics = [#tpu.dimension_semantics<arbitrary>], iteration_bounds = array<i64: 25>, scalar_prefetch = 0 : i64, scratch_operands = 0 : i64, tpu.core_type = #tpu.core_type<tc>, window_params = [{transform_indices = @transform_0, window_bounds = array<i64: 400, 128>}, {transform_indices = @transform_1, window_bounds = array<i64: 2, 400, 128>}, {transform_indices = @transform_2, window_bounds = array<i64: 2, 400, 128>}, {pipeline_mode = #tpu.pipeline_mode<synchronous>, transform_indices = @transform_3, window_bounds = array<i64: 128, 256>}, {pipeline_mode = #tpu.pipeline_mode<synchronous>, transform_indices = @transform_4, window_bounds = array<i64: 128, 256>}, {pipeline_mode = #tpu.pipeline_mode<synchronous>, transform_indices = @transform_5, window_bounds = array<i64: 1, 256>}, {transform_indices = @transform_6, window_bounds = array<i64: 2, 400, 128>}]} {
    %get3A = arith.constant 0 : index
    %get3A_0 = arith.constant 0 : index
    %get3A_1 = arith.constant 0 : index
    %get3A_2 = vector.load %arg2[%get3A, %get3A_0, %get3A_1] : memref<2x400x128xf32, #tpu.memory_space<vmem>>, vector<1x400x128xf32>
    %get3A_3 = vector.shape_cast %get3A_2 : vector<1x400x128xf32> to vector<400x128xf32>
    %get3A_4 = arith.constant 1 : index
    %get3A_5 = arith.constant 0 : index
    %get3A_6 = arith.constant 0 : index
    %get3A_7 = vector.load %arg2[%get3A_4, %get3A_5, %get3A_6] : memref<2x400x128xf32, #tpu.memory_space<vmem>>, vector<1x400x128xf32>
    %get3A_8 = vector.shape_cast %get3A_7 : vector<1x400x128xf32> to vector<400x128xf32>
    %add3A = arith.addf %get3A_3, %get3A_8 : vector<400x128xf32>
    %get3A_9 = arith.constant 0 : index
    %get3A_10 = arith.constant 0 : index
    %get3A_11 = arith.constant 0 : index
    %get3A_12 = vector.load %arg3[%get3A_9, %get3A_10, %get3A_11] : memref<2x400x128xf32, #tpu.memory_space<vmem>>, vector<1x400x1xf32>
    %get3A_13 = vector.shape_cast %get3A_12 : vector<1x400x1xf32> to vector<400x1xf32>
    %get3A_14 = arith.constant 1 : index
    %get3A_15 = arith.constant 0 : index
    %get3A_16 = arith.constant 0 : index
    %get3A_17 = vector.load %arg3[%get3A_14, %get3A_15, %get3A_16] : memref<2x400x128xf32, #tpu.memory_space<vmem>>, vector<1x400x1xf32>
    %get3A_18 = vector.shape_cast %get3A_17 : vector<1x400x1xf32> to vector<400x1xf32>
    %add3A_19 = arith.addf %get3A_13, %get3A_18 : vector<400x1xf32>
    %max3A = arith.constant 1.000000e+00 : f32
    %max3A_20 = vector.broadcast %max3A : f32 to vector<400x1xf32>
    %max3A_21 = arith.maximumf %add3A_19, %max3A_20 : vector<400x1xf32>
    %div3A = arith.constant 1.000000e+00 : f32
    %div3A_22 = vector.broadcast %div3A : f32 to vector<400x1xf32>
    %div3A_23 = arith.divf %div3A_22, %max3A_21 : vector<400x1xf32>
    %get3A_24 = arith.constant 0 : index
    %get3A_25 = arith.constant 0 : index
    %get3A_26 = vector.load %arg1[%get3A_24, %get3A_25] : memref<400x128xf32, #tpu.memory_space<vmem>>, vector<400x128xf32>
    %get3A_27 = arith.constant 0 : index
    %get3A_28 = arith.constant 0 : index
    %get3A_29 = vector.load %arg4[%get3A_27, %get3A_28] : memref<128x256xf32, #tpu.memory_space<vmem>>, vector<128x256xf32>
    %dot_general3A = arith.constant dense<0.000000e+00> : vector<400x256xf32>
    %dot_general3A_30 = tpu.matmul %get3A_26, %get3A_29, %dot_general3A {dimension_numbers = #tpu.dot_dimension_numbers<[1], [0], [0], [1], [0, 0, 1, 1], [], []>, precision = #tpu.contract_precision<fp32>, transpose_lhs_hint = false} : vector<400x128xf32>, vector<128x256xf32>, vector<400x256xf32> -> vector<400x256xf32>
    %get3A_31 = arith.constant 0 : index
    %get3A_32 = arith.constant 0 : index
    %get3A_33 = vector.load %arg5[%get3A_31, %get3A_32] : memref<128x256xf32, #tpu.memory_space<vmem>>, vector<128x256xf32>
    %dot_general3A_34 = arith.constant dense<0.000000e+00> : vector<400x256xf32>
    %dot_general3A_35 = tpu.matmul %add3A, %get3A_33, %dot_general3A_34 {dimension_numbers = #tpu.dot_dimension_numbers<[1], [0], [0], [1], [0, 0, 1, 1], [], []>, precision = #tpu.contract_precision<fp32>, transpose_lhs_hint = false} : vector<400x128xf32>, vector<128x256xf32>, vector<400x256xf32> -> vector<400x256xf32>
    %mul3A = vector.broadcast %div3A_23 : vector<400x1xf32> to vector<400x256xf32>
    %mul3A_36 = arith.mulf %dot_general3A_35, %mul3A : vector<400x256xf32>
    %add3A_37 = arith.addf %dot_general3A_30, %mul3A_36 : vector<400x256xf32>
    %get3A_38 = arith.constant 0 : index
    %get3A_39 = arith.constant 0 : index
    %get3A_40 = vector.load %arg6[%get3A_38, %get3A_39] : memref<1x256xf32, #tpu.memory_space<vmem>>, vector<1x256xf32>
    %add3A_41 = vector.broadcast %get3A_40 : vector<1x256xf32> to vector<400x256xf32>
    %add3A_42 = arith.addf %add3A_37, %add3A_41 : vector<400x256xf32>
    %max3A_43 = arith.constant 0.000000e+00 : f32
    %max3A_44 = vector.broadcast %max3A_43 : f32 to vector<400x256xf32>
    %max3A_45 = arith.maximumf %add3A_42, %max3A_44 : vector<400x256xf32>
    %slice3A = vector.extract_strided_slice %max3A_45 {offsets = [0, 0], sizes = [400, 128], strides = [1, 1]} : vector<400x256xf32> to vector<400x128xf32>
    %swap3A = arith.constant 0 : index
    %swap3A_46 = arith.constant 0 : index
    %swap3A_47 = arith.constant 0 : index
    %swap3A_48 = vector.load %arg7[%swap3A, %swap3A_46, %swap3A_47] : memref<2x400x128xf32, #tpu.memory_space<vmem>>, vector<1x400x128xf32>
    %swap3A_49 = vector.shape_cast %swap3A_48 : vector<1x400x128xf32> to vector<400x128xf32>
    %swap3A_50 = vector.shape_cast %slice3A : vector<400x128xf32> to vector<1x400x128xf32>
    tpu.vector_store %arg7[%swap3A, %swap3A_46, %swap3A_47], %swap3A_50 {strides = array<i32>} : memref<2x400x128xf32, #tpu.memory_space<vmem>>, vector<1x400x128xf32>,
    %slice3A_51 = vector.extract_strided_slice %max3A_45 {offsets = [0, 128], sizes = [400, 128], strides = [1, 1]} : vector<400x256xf32> to vector<400x128xf32>
    %swap3A_52 = arith.constant 1 : index
    %swap3A_53 = arith.constant 0 : index
    %swap3A_54 = arith.constant 0 : index
    %swap3A_55 = vector.load %arg7[%swap3A_52, %swap3A_53, %swap3A_54] : memref<2x400x128xf32, #tpu.memory_space<vmem>>, vector<1x400x128xf32>
    %swap3A_56 = vector.shape_cast %swap3A_55 : vector<1x400x128xf32> to vector<400x128xf32>
    %swap3A_57 = vector.shape_cast %slice3A_51 : vector<400x128xf32> to vector<1x400x128xf32>
    tpu.vector_store %arg7[%swap3A_52, %swap3A_53, %swap3A_54], %swap3A_57 {strides = array<i32>} : memref<2x400x128xf32, #tpu.memory_space<vmem>>, vector<1x400x128xf32>,
    return
  }
  func.func @transform_0(%arg0: i32) -> (i32, i32) {
    %c0_i32 = arith.constant 0 : i32
    %c0_i32_0 = arith.constant 0 : i32
    return %arg0, %c0_i32 : i32, i32
  }
  func.func @transform_1(%arg0: i32) -> (i32, i32, i32) {
    %c0_i32 = arith.constant 0 : i32
    %c0_i32_0 = arith.constant 0 : i32
    %c0_i32_1 = arith.constant 0 : i32
    return %c0_i32, %arg0, %c0_i32_0 : i32, i32, i32
  }
  func.func @transform_2(%arg0: i32) -> (i32, i32, i32) {
    %c0_i32 = arith.constant 0 : i32
    %c0_i32_0 = arith.constant 0 : i32
    %c0_i32_1 = arith.constant 0 : i32
    return %c0_i32, %arg0, %c0_i32_0 : i32, i32, i32
  }
  func.func @transform_3(%arg0: i32) -> (i32, i32) {
    %c0_i32 = arith.constant 0 : i32
    %c0_i32_0 = arith.constant 0 : i32
    %c0_i32_1 = arith.constant 0 : i32
    return %c0_i32, %c0_i32_0 : i32, i32
  }
  func.func @transform_4(%arg0: i32) -> (i32, i32) {
    %c0_i32 = arith.constant 0 : i32
    %c0_i32_0 = arith.constant 0 : i32
    %c0_i32_1 = arith.constant 0 : i32
    return %c0_i32, %c0_i32_0 : i32, i32
  }
  func.func @transform_5(%arg0: i32) -> (i32, i32) {
    %c0_i32 = arith.constant 0 : i32
    %c0_i32_0 = arith.constant 0 : i32
    %c0_i32_1 = arith.constant 0 : i32
    return %c0_i32, %c0_i32_0 : i32, i32
  }
  func.func @transform_6(%arg0: i32) -> (i32, i32, i32) {
    %c0_i32 = arith.constant 0 : i32
    %c0_i32_0 = arith.constant 0 : i32
    %c0_i32_1 = arith.constant 0 : i32
    return %c0_i32, %arg0, %c0_i32_0 : i32, i32, i32
  }
}

module attributes {stable_mosaic.version = 14 : i64} {
  func.func @body(%arg0: i32, %arg1: memref<2x400x128xf32, #tpu.memory_space<vmem>>, %arg2: memref<2x400x128xf32, #tpu.memory_space<vmem>>, %arg3: memref<2x400x128xf32, #tpu.memory_space<vmem>>, %arg4: memref<2x400x128xf32, #tpu.memory_space<vmem>>, %arg5: memref<128x256xf32, #tpu.memory_space<vmem>>, %arg6: memref<128x256xf32, #tpu.memory_space<vmem>>, %arg7: memref<128x256xf32, #tpu.memory_space<vmem>>, %arg8: memref<128x256xf32, #tpu.memory_space<vmem>>, %arg9: memref<1x256xf32, #tpu.memory_space<vmem>>, %arg10: memref<400x256xf32, #tpu.memory_space<vmem>>) attributes {dimension_semantics = [#tpu.dimension_semantics<arbitrary>], iteration_bounds = array<i64: 25>, scalar_prefetch = 0 : i64, scratch_operands = 0 : i64, tpu.core_type = #tpu.core_type<tc>, window_params = [{transform_indices = @transform_0, window_bounds = array<i64: 2, 400, 128>}, {transform_indices = @transform_1, window_bounds = array<i64: 2, 400, 128>}, {transform_indices = @transform_2, window_bounds = array<i64: 2, 400, 128>}, {transform_indices = @transform_3, window_bounds = array<i64: 2, 400, 128>}, {pipeline_mode = #tpu.pipeline_mode<synchronous>, transform_indices = @transform_4, window_bounds = array<i64: 128, 256>}, {pipeline_mode = #tpu.pipeline_mode<synchronous>, transform_indices = @transform_5, window_bounds = array<i64: 128, 256>}, {pipeline_mode = #tpu.pipeline_mode<synchronous>, transform_indices = @transform_6, window_bounds = array<i64: 128, 256>}, {pipeline_mode = #tpu.pipeline_mode<synchronous>, transform_indices = @transform_7, window_bounds = array<i64: 128, 256>}, {pipeline_mode = #tpu.pipeline_mode<synchronous>, transform_indices = @transform_8, window_bounds = array<i64: 1, 256>}, {transform_indices = @transform_9, window_bounds = array<i64: 400, 256>}]} {
    %get3A = arith.constant 0 : index
    %get3A_0 = arith.constant 0 : index
    %get3A_1 = arith.constant 0 : index
    %get3A_2 = vector.load %arg4[%get3A, %get3A_0, %get3A_1] : memref<2x400x128xf32, #tpu.memory_space<vmem>>, vector<1x400x1xf32>
    %get3A_3 = vector.shape_cast %get3A_2 : vector<1x400x1xf32> to vector<400x1xf32>
    %get3A_4 = arith.constant 1 : index
    %get3A_5 = arith.constant 0 : index
    %get3A_6 = arith.constant 0 : index
    %get3A_7 = vector.load %arg4[%get3A_4, %get3A_5, %get3A_6] : memref<2x400x128xf32, #tpu.memory_space<vmem>>, vector<1x400x1xf32>
    %get3A_8 = vector.shape_cast %get3A_7 : vector<1x400x1xf32> to vector<400x1xf32>
    %add3A = arith.addf %get3A_3, %get3A_8 : vector<400x1xf32>
    %max3A = arith.constant 1.000000e+00 : f32
    %max3A_9 = vector.broadcast %max3A : f32 to vector<400x1xf32>
    %max3A_10 = arith.maximumf %add3A, %max3A_9 : vector<400x1xf32>
    %div3A = arith.constant 1.000000e+00 : f32
    %div3A_11 = vector.broadcast %div3A : f32 to vector<400x1xf32>
    %div3A_12 = arith.divf %div3A_11, %max3A_10 : vector<400x1xf32>
    %get3A_13 = arith.constant 0 : index
    %get3A_14 = arith.constant 0 : index
    %get3A_15 = arith.constant 0 : index
    %get3A_16 = vector.load %arg1[%get3A_13, %get3A_14, %get3A_15] : memref<2x400x128xf32, #tpu.memory_space<vmem>>, vector<1x400x128xf32>
    %get3A_17 = vector.shape_cast %get3A_16 : vector<1x400x128xf32> to vector<400x128xf32>
    %get3A_18 = arith.constant 0 : index
    %get3A_19 = arith.constant 0 : index
    %get3A_20 = vector.load %arg5[%get3A_18, %get3A_19] : memref<128x256xf32, #tpu.memory_space<vmem>>, vector<128x256xf32>
    %dot_general3A = arith.constant dense<0.000000e+00> : vector<400x256xf32>
    %dot_general3A_21 = tpu.matmul %get3A_17, %get3A_20, %dot_general3A {dimension_numbers = #tpu.dot_dimension_numbers<[1], [0], [0], [1], [0, 0, 1, 1], [], []>, precision = #tpu.contract_precision<fp32>, transpose_lhs_hint = false} : vector<400x128xf32>, vector<128x256xf32>, vector<400x256xf32> -> vector<400x256xf32>
    %get3A_22 = arith.constant 1 : index
    %get3A_23 = arith.constant 0 : index
    %get3A_24 = arith.constant 0 : index
    %get3A_25 = vector.load %arg1[%get3A_22, %get3A_23, %get3A_24] : memref<2x400x128xf32, #tpu.memory_space<vmem>>, vector<1x400x128xf32>
    %get3A_26 = vector.shape_cast %get3A_25 : vector<1x400x128xf32> to vector<400x128xf32>
    %get3A_27 = arith.constant 0 : index
    %get3A_28 = arith.constant 0 : index
    %get3A_29 = vector.load %arg6[%get3A_27, %get3A_28] : memref<128x256xf32, #tpu.memory_space<vmem>>, vector<128x256xf32>
    %dot_general3A_30 = arith.constant dense<0.000000e+00> : vector<400x256xf32>
    %dot_general3A_31 = tpu.matmul %get3A_26, %get3A_29, %dot_general3A_30 {dimension_numbers = #tpu.dot_dimension_numbers<[1], [0], [0], [1], [0, 0, 1, 1], [], []>, precision = #tpu.contract_precision<fp32>, transpose_lhs_hint = false} : vector<400x128xf32>, vector<128x256xf32>, vector<400x256xf32> -> vector<400x256xf32>
    %add3A_32 = arith.addf %dot_general3A_21, %dot_general3A_31 : vector<400x256xf32>
    %get3A_33 = arith.constant 0 : index
    %get3A_34 = arith.constant 0 : index
    %get3A_35 = arith.constant 0 : index
    %get3A_36 = vector.load %arg2[%get3A_33, %get3A_34, %get3A_35] : memref<2x400x128xf32, #tpu.memory_space<vmem>>, vector<1x400x128xf32>
    %get3A_37 = vector.shape_cast %get3A_36 : vector<1x400x128xf32> to vector<400x128xf32>
    %get3A_38 = arith.constant 1 : index
    %get3A_39 = arith.constant 0 : index
    %get3A_40 = arith.constant 0 : index
    %get3A_41 = vector.load %arg2[%get3A_38, %get3A_39, %get3A_40] : memref<2x400x128xf32, #tpu.memory_space<vmem>>, vector<1x400x128xf32>
    %get3A_42 = vector.shape_cast %get3A_41 : vector<1x400x128xf32> to vector<400x128xf32>
    %add3A_43 = arith.addf %get3A_37, %get3A_42 : vector<400x128xf32>
    %get3A_44 = arith.constant 0 : index
    %get3A_45 = arith.constant 0 : index
    %get3A_46 = arith.constant 0 : index
    %get3A_47 = vector.load %arg3[%get3A_44, %get3A_45, %get3A_46] : memref<2x400x128xf32, #tpu.memory_space<vmem>>, vector<1x400x128xf32>
    %get3A_48 = vector.shape_cast %get3A_47 : vector<1x400x128xf32> to vector<400x128xf32>
    %get3A_49 = arith.constant 1 : index
    %get3A_50 = arith.constant 0 : index
    %get3A_51 = arith.constant 0 : index
    %get3A_52 = vector.load %arg3[%get3A_49, %get3A_50, %get3A_51] : memref<2x400x128xf32, #tpu.memory_space<vmem>>, vector<1x400x128xf32>
    %get3A_53 = vector.shape_cast %get3A_52 : vector<1x400x128xf32> to vector<400x128xf32>
    %add3A_54 = arith.addf %get3A_48, %get3A_53 : vector<400x128xf32>
    %get3A_55 = arith.constant 0 : index
    %get3A_56 = arith.constant 0 : index
    %get3A_57 = vector.load %arg7[%get3A_55, %get3A_56] : memref<128x256xf32, #tpu.memory_space<vmem>>, vector<128x256xf32>
    %dot_general3A_58 = arith.constant dense<0.000000e+00> : vector<400x256xf32>
    %dot_general3A_59 = tpu.matmul %add3A_43, %get3A_57, %dot_general3A_58 {dimension_numbers = #tpu.dot_dimension_numbers<[1], [0], [0], [1], [0, 0, 1, 1], [], []>, precision = #tpu.contract_precision<fp32>, transpose_lhs_hint = false} : vector<400x128xf32>, vector<128x256xf32>, vector<400x256xf32> -> vector<400x256xf32>
    %get3A_60 = arith.constant 0 : index
    %get3A_61 = arith.constant 0 : index
    %get3A_62 = vector.load %arg8[%get3A_60, %get3A_61] : memref<128x256xf32, #tpu.memory_space<vmem>>, vector<128x256xf32>
    %dot_general3A_63 = arith.constant dense<0.000000e+00> : vector<400x256xf32>
    %dot_general3A_64 = tpu.matmul %add3A_54, %get3A_62, %dot_general3A_63 {dimension_numbers = #tpu.dot_dimension_numbers<[1], [0], [0], [1], [0, 0, 1, 1], [], []>, precision = #tpu.contract_precision<fp32>, transpose_lhs_hint = false} : vector<400x128xf32>, vector<128x256xf32>, vector<400x256xf32> -> vector<400x256xf32>
    %add3A_65 = arith.addf %dot_general3A_59, %dot_general3A_64 : vector<400x256xf32>
    %mul3A = vector.broadcast %div3A_12 : vector<400x1xf32> to vector<400x256xf32>
    %mul3A_66 = arith.mulf %add3A_65, %mul3A : vector<400x256xf32>
    %add3A_67 = arith.addf %add3A_32, %mul3A_66 : vector<400x256xf32>
    %get3A_68 = arith.constant 0 : index
    %get3A_69 = arith.constant 0 : index
    %get3A_70 = vector.load %arg9[%get3A_68, %get3A_69] : memref<1x256xf32, #tpu.memory_space<vmem>>, vector<1x256xf32>
    %add3A_71 = vector.broadcast %get3A_70 : vector<1x256xf32> to vector<400x256xf32>
    %add3A_72 = arith.addf %add3A_67, %add3A_71 : vector<400x256xf32>
    %swap3A = arith.constant 0 : index
    %swap3A_73 = arith.constant 0 : index
    %swap3A_74 = vector.load %arg10[%swap3A, %swap3A_73] : memref<400x256xf32, #tpu.memory_space<vmem>>, vector<400x256xf32>
    tpu.vector_store %arg10[%swap3A, %swap3A_73], %add3A_72 {strides = array<i32>} : memref<400x256xf32, #tpu.memory_space<vmem>>, vector<400x256xf32>,
    return
  }
  func.func @transform_0(%arg0: i32) -> (i32, i32, i32) {
    %c0_i32 = arith.constant 0 : i32
    %c0_i32_0 = arith.constant 0 : i32
    %c0_i32_1 = arith.constant 0 : i32
    return %c0_i32, %arg0, %c0_i32_0 : i32, i32, i32
  }
  func.func @transform_1(%arg0: i32) -> (i32, i32, i32) {
    %c0_i32 = arith.constant 0 : i32
    %c0_i32_0 = arith.constant 0 : i32
    %c0_i32_1 = arith.constant 0 : i32
    return %c0_i32, %arg0, %c0_i32_0 : i32, i32, i32
  }
  func.func @transform_2(%arg0: i32) -> (i32, i32, i32) {
    %c0_i32 = arith.constant 0 : i32
    %c0_i32_0 = arith.constant 0 : i32
    %c0_i32_1 = arith.constant 0 : i32
    return %c0_i32, %arg0, %c0_i32_0 : i32, i32, i32
  }
  func.func @transform_3(%arg0: i32) -> (i32, i32, i32) {
    %c0_i32 = arith.constant 0 : i32
    %c0_i32_0 = arith.constant 0 : i32
    %c0_i32_1 = arith.constant 0 : i32
    return %c0_i32, %arg0, %c0_i32_0 : i32, i32, i32
  }
  func.func @transform_4(%arg0: i32) -> (i32, i32) {
    %c0_i32 = arith.constant 0 : i32
    %c0_i32_0 = arith.constant 0 : i32
    %c0_i32_1 = arith.constant 0 : i32
    return %c0_i32, %c0_i32_0 : i32, i32
  }
  func.func @transform_5(%arg0: i32) -> (i32, i32) {
    %c0_i32 = arith.constant 0 : i32
    %c0_i32_0 = arith.constant 0 : i32
    %c0_i32_1 = arith.constant 0 : i32
    return %c0_i32, %c0_i32_0 : i32, i32
  }
  func.func @transform_6(%arg0: i32) -> (i32, i32) {
    %c0_i32 = arith.constant 0 : i32
    %c0_i32_0 = arith.constant 0 : i32
    %c0_i32_1 = arith.constant 0 : i32
    return %c0_i32, %c0_i32_0 : i32, i32
  }
  func.func @transform_7(%arg0: i32) -> (i32, i32) {
    %c0_i32 = arith.constant 0 : i32
    %c0_i32_0 = arith.constant 0 : i32
    %c0_i32_1 = arith.constant 0 : i32
    return %c0_i32, %c0_i32_0 : i32, i32
  }
  func.func @transform_8(%arg0: i32) -> (i32, i32) {
    %c0_i32 = arith.constant 0 : i32
    %c0_i32_0 = arith.constant 0 : i32
    %c0_i32_1 = arith.constant 0 : i32
    return %c0_i32, %c0_i32_0 : i32, i32
  }
  func.func @transform_9(%arg0: i32) -> (i32, i32) {
    %c0_i32 = arith.constant 0 : i32
    %c0_i32_0 = arith.constant 0 : i32
    return %arg0, %c0_i32 : i32, i32
  }
}

</mosaic_0001>

<sc_bundles>
// kernel: kernel.11.cloned.1.call-start
scs
__scs_entry_jumppad:
0x0: {  	(pc) =	sbr.rel $0x88, $3  }
0x1: {  	(tag) =	ssettag $0x0;
	lr =	simm.s32 $0x1  }
0x2: {  	[smem:$0x3F99] =	sst lr;
	_ =	strace $0xD0000000  }
0x3: {  	_ = 	snop  }
0x4: {  	_ = 	snop  }
0x5: {  	_ = 	snop  }
0x6: {  	_ = 	snop  }
0x7: {  	_ = 	snop  }
__scs_overlays_trampoline_lowered:
0x8: {  	[smem:$0x3FA8] =	sst s0  }
0x9: {  	[smem:$0x3FA9] =	sst s1  }
0xa: {  	[smem:$0x3FAA] =	sst s2  }
0xb: {  	[smem:$0x3FAB] =	sst s3  }
0xc: {  	[smem:$0x3FAC] =	sst s4  }
0xd: {  	[smem:$0x3FAD] =	sst s5  }
0xe: {  	[smem:$0x3FAE] =	sst s6  }
0xf: {  	[smem:$0x3FAF] =	sst s7  }
0x10: {  	[smem:$0x3FB0] =	sst s8  }
0x11: {  	[smem:$0x3FB1] =	sst s9;
	s0 =	simm.s32 @!p0 $0x0  }
0x12: {  	s1 =	sld [smem:$0x3F97];
	s0 =	simm.s32 @p0 $0x1  }
0x13: {  	[smem:$0x3FB2] =	sst s0;
	s0 =	simm.s32 @!p1 $0x0  }
0x14: {  	s2 =	sld [smem:$0x3F96];
	s0 =	simm.s32 @p1 $0x1  }
0x15: {  	[smem:$0x3FB3] =	sst s0;
	s0 =	simm.s32 @!p2 $0x0  }
0x16: {  	s3 =	sld [smem:$0x3FDB];
	s0 =	simm.s32 @p2 $0x1  }
0x17: {  	s4 =	simm.s32 $0x1BF5;
	[smem:$0x3FB5] =	sst s0  }
0x18: {  	s0 =	sld [smem:$0x3F98];
	_ =	swait.ge [sflag:s4], $0x0  }
0x19: {  	s7 =	sld [smem:$0x3F99]  }
0x1a: {  	s8 =	sadd.s32 $0xFFFFE003, lr  }
0x1b: {  	s9 =	sadd.s32 $0xFFFFFEF7, lr;
	s5 =	simm.s32 $0xFFFFFFFF;
	p2 =	slt.u32 s8, $0xFFFFF086  }
0x1c: {  	p1 =	slt.u32 s9, $0xF7A;
	s5 =	simm.s32 @!p2 $0x0  }
0x1d: {  	s5 =	simm.s32 @p1 $0x1;
	p0 =	seq.s32 s7, s2  }
0x1e: {  	s7 =	smul.u32 @!p0 $0xF7A, s2;
	p2 =	seq.s32 @!p0 s5, $0x0  }
0x1f: {  	s9 =	smul.u32 $0xF7A, s1;
	s8 =	simm.s32 @!p0 $0x1BF5;
	p2 =	por !p2, p0  }
0x20: {  	[sflag:s8] =	ssyncset.s32 @!p0 $0xFFFFF086;
	s6 =	sadd.s32 @!p0 s3, s7;
	s7 =	simm.s32 @!p0 $0x108  }
0x21: {  	s3 =	sadd.s32 s3, s9;
	s6 =	sadd.s32 @!p0 $0x88, s6;
	s7 =	simm.s32 @p2 $0x1082  }
0x22: {  	[simem:s7], [sflag:s8] =	dma.local @!p0 [hbm:s6], $0xF7A  }
0x23: {  	s9 =	sor.u32 $0xD0000000, s2;
	s6 =	simm.s32 $0x108;
	_ =	swait.ge @!p0 [sflag:s8], $0x0  }
0x24: {  	s3 =	sadd.s32 $0x88, s3;
	s6 =	simm.s32 @!p1 $0x1082;
	[sflag:s4] =	ssyncset.s32 $0xFFFFF086  }
0x25: {  	[simem:s6], [sflag:s4] =	dma.local [hbm:s3], $0xF7A  }
0x26: {  	[smem:$0x3F99] =	sst s1;
	(tag) =	ssettag s2;
	_ =	strace s9  }
0x27: {  	s1 =	sld [smem:$0x3FA9]  }
0x28: {  	s2 =	sld [smem:$0x3FAA]  }
0x29: {  	s4 =	sld [smem:$0x3FAC]  }
0x2a: {  	p0 =	seq.s32 s5, $0x0;
	s5 =	sld [smem:$0x3FAD]  }
0x2b: {  	s6 =	sld [smem:$0x3FAE]  }
0x2c: {  	s7 =	sld [smem:$0x3FAF]  }
0x2d: {  	s3 =	simm.s32 $0x108;
	s8 =	sld [smem:$0x3FB0]  }
0x2e: {  	s3 =	simm.s32 @!p0 $0x1082;
	s9 =	sld [smem:$0x3FB1]  }
0x2f: {  	lr =	sadd.s32 s0, s3;
	s0 =	sld [smem:$0x3FA8]  }
0x30: {  	s3 =	sld [smem:$0x3FAB]  }
0x31: {  	[smem:$0x3FB4] =	sst s10  }
0x32: {  	s10 =	sld [smem:$0x3FB2];
	_ =	sdelay $0x3  }
0x33: {  	p0 =	seq.s32 s10, $0x1;
	s10 =	sld [smem:$0x3FB4];
	_ =	sdelay $0x3  }
0x34: {  	[smem:$0x3FB4] =	sst s10  }
0x35: {  	s10 =	sld [smem:$0x3FB3];
	_ =	sdelay $0x3  }
0x36: {  	p1 =	seq.s32 s10, $0x1;
	s10 =	sld [smem:$0x3FB4];
	_ =	sdelay $0x3  }
0x37: {  	[smem:$0x3FB4] =	sst s10  }
0x38: {  	s10 =	sld [smem:$0x3FB5]  }
0x39: {  	_ = 	snop;
	(pc) =	sbr.ind lr, $3  }
0x3a: {  	_ = 	snop  }
0x3b: {  	_ = 	snop  }
0x3c: {  	p2 =	seq.s32 s10, $0x1;
	s10 =	sld [smem:$0x3FB4]  }
0x3d: {  	_ =	shalt  }
0x3e: {  	_ =	shalt  }
0x3f: {  	_ =	shalt  }
0x40: {  	_ =	shalt  }
0x41: {  	_ =	shalt  }
0x42: {  	_ =	shalt  }
0x43: {  	_ =	shalt  }
0x44: {  	_ =	shalt  }
0x45: {  	_ =	shalt  }
0x46: {  	_ =	shalt  }
0x47: {  	_ =	shalt  }
0x48: {  	_ =	shalt  }
0x49: {  	_ =	shalt  }
0x4a: {  	_ =	shalt  }
0x4b: {  	_ =	shalt  }
0x4c: {  	_ =	shalt  }
0x4d: {  	_ =	shalt  }
0x4e: {  	_ =	shalt  }
0x4f: {  	_ =	shalt  }
0x50: {  	_ =	shalt  }
0x51: {  	_ =	shalt  }
0x52: {  	_ =	shalt  }
0x53: {  	_ =	shalt  }
0x54: {  	_ =	shalt  }
0x55: {  	_ =	shalt  }
0x56: {  	_ =	shalt  }
0x57: {  	_ =	shalt  }
0x58: {  	_ =	shalt  }
0x59: {  	_ =	shalt  }
0x5a: {  	_ =	shalt  }
0x5b: {  	_ =	shalt  }
0x5c: {  	_ =	shalt  }
0x5d: {  	_ =	shalt  }
0x5e: {  	_ =	shalt  }
0x5f: {  	_ =	shalt  }
0x60: {  	_ =	shalt  }
0x61: {  	_ =	shalt  }
0x62: {  	_ =	shalt  }
0x63: {  	_ =	shalt  }
0x64: {  	_ =	shalt  }
0x65: {  	_ =	shalt  }
0x66: {  	_ =	shalt  }
0x67: {  	_ =	shalt  }
0x68: {  	_ =	shalt  }
0x69: {  	_ =	shalt  }
0x6a: {  	_ =	shalt  }
0x6b: {  	_ =	shalt  }
0x6c: {  	_ =	shalt  }
0x6d: {  	_ =	shalt  }
0x6e: {  	_ =	shalt  }
0x6f: {  	_ =	shalt  }
0x70: {  	_ =	shalt  }
0x71: {  	_ =	shalt  }
0x72: {  	_ =	shalt  }
0x73: {  	_ =	shalt  }
0x74: {  	_ =	shalt  }
0x75: {  	_ =	shalt  }
0x76: {  	_ =	shalt  }
0x77: {  	_ =	shalt  }
0x78: {  	_ =	shalt  }
0x79: {  	_ =	shalt  }
0x7a: {  	_ =	shalt  }
0x7b: {  	_ =	shalt  }
0x7c: {  	_ =	shalt  }
0x7d: {  	_ =	shalt  }
0x7e: {  	_ =	shalt  }
0x7f: {  	_ =	shalt  }
0x80: {  	_ =	shalt  }
0x81: {  	_ =	shalt  }
0x82: {  	_ =	shalt  }
0x83: {  	_ =	shalt  }
0x84: {  	_ =	shalt  }
0x85: {  	_ =	shalt  }
0x86: {  	_ =	shalt  }
0x87: {  	_ =	shalt  }
.Lfunc_end0:
.L_simem_size_0:
called_computation.1_lowered:
.L_overlay_start_0:
0x88: {  	s2 =	sld [smem:$0x3FD9]  }
0x89: {  	s3 =	sld [smem:$0x3FFE];
	_ =	sdelay $0x1  }
0x8a: {  	s1 =	srdreg.scid  }
0x8b: {  	s0 =	sand.u32 $0x1, s1  }
0x8c: {  	s17 =	sshll.u32 s0, $0xA;
	s2 =	sadd.s32 s3, s2  }
0x8d: {  	s2 =	sadd.s32 s2, s17  }
0x8e: {  	[smem:$0x3FC0] =	sst s2  }
0x8f: {  	_ = 	snop  }
0x90: {  	s2 =	sld [smem:$0x3FC9];
	(tm) =	ssettm $0x1  }
0x91: {  	s18 =	sld [smem:$0x3FFB];
	_ =	sdelay $0x3  }
0x92: {  	_ =	strace s18  }
0x93: {  	s3 =	sld [smem:$0x3FFC];
	_ =	sdelay $0x3  }
0x94: {  	_ =	strace s3  }
0x95: {  	s3 =	sld [smem:$0x3FFD];
	_ =	sdelay $0x3  }
0x96: {  	_ =	strace s3  }
0x97: {  	_ =	strace $0x8FFFFFFF  }
0x98: {  	s19 =	sld [smem:$0x3FDB];
	_ =	sdelay $0x1  }
0x99: {  	s4 =	simm.s32 $_scs_section_size  }
0x9a: {  	s5 =	simm.s32 $_size__tile_overlayer_lowered;
	s6 =	simm.s32 $_tile_overlayer_lowered  }
0x9b: {  	s22 =	simm.s32 $0x1BFF;
	s21 =	sshll.u32 s6, $0x1;
	s3 =	sadd.s32 s4, s19  }
0x9c: {  	s7 =	simm.s32 $0x0;
	s20 =	sshll.u32 s5, $0x1;
	s5 =	sadd.s32 s21, s3  }
0x9d: {  	[timem:s7], [sflag:s22] =	dma.local [hbm:s5], s20  }
0x9e: {  	_ =	swait.ge [sflag:s22], s20  }
0x9f: {  	s4 =	ssub.s32 $0x0, s20;
	[sflag:s22] =	ssyncset.done $0x0  }
0xa0: {  	[sflag:s22] =	ssyncadd.s32 s4;
	_ =	sdelay $0x1  }
0xa1: {  	s23 =	simm.s32 $0x1B8B  }
0xa2: {  	_ =	swait.ge [sflag:s23], $0x1  }
0xa3: {  	[sflag:s23] =	ssyncset.done $0x0  }
0xa4: {  	s25 =	simm.s32 $0x1B8E;
	s24 =	sld [smem:$0x3FFE];
	[sflag:s23] =	ssyncadd.s32 $0xFFFFFFFF  }
0xa5: {  	s26 =	simm.s32 $execute0_lowered;
	[smem:$0x3FD2] =	sst s25  }
0xa6: {  	s5 =	sshll.u32 s26, $0x1;
	_ =	strace $0x80000046;
	[dreg:$0x1] =	wrdreg $0xFFFFFFFF  }
0xa7: {  	s28 =	simm.s32 $_size_execute0_lowered;
	s3 =	sadd.s32 s3, s5;
	[dreg:$0x0] =	wrdreg $0x0  }
0xa8: {  	s5 =	sshll.u32 s28, $0x1;
	[dreg:$0x2] =	wrdreg s3  }
0xa9: {  	[dreg:$0x3] =	wrdreg s5  }
0xaa: {  	[dreg:$0x4] =	wrdreg $0xC0  }
0xab: {  	_ =	task [dreg:s7], $0x5FFFF  }
0xac: {  	[dreg:$0x1] =	wrdreg $0xFFFFFFFF  }
0xad: {  	[dreg:$0x0] =	wrdreg $0x60  }
0xae: {  	[dreg:$0x2] =	wrdreg s2  }
0xaf: {  	[dreg:$0x3] =	wrdreg s24  }
0xb0: {  	[dreg:$0x4] =	wrdreg $0xBC800  }
0xb1: {  	[dreg:$0x5] =	wrdreg $0xA  }
0xb2: {  	_ =	task.clear_ibuf [dreg:s7], $0x6FFFF;
	_ =	strace $0x90000046  }
0xb3: {  	s29 =	simm.s32 $0xA;
	_ =	strace $0x80000048  }
0xb4: {  	_ =	swait.ge [sflag:s29], $0x1  }
0xb5: {  	[sflag:s29] =	ssyncadd.s32 $0xFFFFFFFF  }
0xb6: {  	_ =	strace $0x90000048  }
0xb7: {  	_ =	sfence  }
0xb8: {  	s30 =	sld [smem:$0x0];
	_ =	sdelay $0x2  }
0xb9: {  	s31 =	sshll.u32 s1, $0xD;
	s1 =	sshrl.u32 s1, $0x2  }
0xba: {  	s3 =	sand.u32 $0x4000, s31;
	s1 =	sadd.s32 s1, s30  }
0xbb: {  	s0 =	sor.u32 s3, s0;
	s1 =	sshll.u32 s1, $0x11  }
0xbc: {  	s0 =	sor.u32 s1, s0  }
0xbd: {  	s0 =	sadd.s32 $0x8F2B, s0  }
0xbe: {  	[sflag:s0] =	ssyncadd.remote.s32 $0x1  }
0xbf: {  	_ =	sfence.sel $0xFFFF  }
0xc0: {  	[dreg:$0x0] =	wrdreg $0xFFFFFFFF;
	(pc) =	sbr.abs _section_cstart, $3  }
0xc1: {  	[dreg:$0x1] =	wrdreg $0xFFFFFFFF  }
0xc2: {  	_ =	task.clear_ibuf [dreg:s7], $0x2FFFF;
	_ =	strace $0x9FFFFFFF  }
0xc3: {  	(tm) =	ssettm $0x7FFFFFFF  }
tec
execute0_lowered:
.L_overlay_start_1:
0x0: {  	(tag) =	ssettag $0x1  }
0x1: {  	s1 =	rddreg [dreg:$0x0]  }
0x2: {  	s7 =	rddreg [dreg:$0x1]  }
0x3: {  	s3 =	rddreg [dreg:$0x2]  }
0x4: {  	s0 =	srdreg.scid;
	s2 =	rddreg [dreg:$0x3];
	s4 =	simm.s32 $0x0  }
0x5: {  	s14 =	simm.s32 $0x50;
	s15 =	simm.s32 $0x2800;
	s16 =	simm.s32 $0x1  }
0x6: {  	s17 =	simm.s32 $0x3C80;
	s18 =	simm.s32 $0x3;
	s8 =	sand.u32 $0x1, s0  }
0x7: {  	s19 =	simm.s32 $0x28;
	s0 =	stileid.u32;
	s5 =	smul.u32 $0x13C000, s8  }
0x8: {  	s25 =	simm.s32 $0x0;
	[smem:$0x7FF] =	sst s4;
	s6 =	smul.u32 $0x13C00, s0  }
0x9: {  	s10 =	smul.u32 $0x4F000, s0;
	s30 =	ssub.s32 $0x2, s8;
	s31 =	sshll.u32 s0, $0x1  }
0xa: {  	_ =	strace $0x80000047;
	s11 =	sshrl.u32 s30, $0x1;
	s8 =	sor.u32 s8, s31  }
0xb: {  	s5 =	sadd.s32 s6, s5;
	s6 =	sadd.s32 $0x3000, s7;
	s10 =	sshrl.u32 s10, $0x2  }
0xc: {  	s13 =	ssub.s32 s30, s11;
	s20 =	smul.u32 $0x50, s8;
	s9 =	sshrl.u32 s5, $0x3  }
0xd: {  	s5 =	sadd.s32 $0xD000, s7;
	s13 =	smax.u32 s13, $0x1;
	s12 =	sadd.s32 s9, s7  }
0xe: {  	v4 =	vlaneseq.u32;
	s7 =	sadd.s32 s10, s3;
	s21 =	sadd.s32 $0x10, s20;
	s22 =	sadd.s32 $0x20, s20  }
0xf: {  	s23 =	sadd.s32 $0x30, s20;
	s24 =	sadd.s32 $0x40, s20;
	v0 =	vor.u32 s20, v4;
	s20 =	simm.s32 $0x2880  }
0x10: {  	s8 =	sadd.s32 $0x4000, s7;
	s9 =	sadd.s32 $0x8000, s7;
	s10 =	sadd.s32 $0xC000, s7  }
0x11: {  	v5 =	vimm.f32 $0.0e+00;
	s11 =	sadd.s32 $0x10000, s7;
	s12 =	sadd.s32 $0x17000, s12;
	v1 =	vor.u32 s21, v4;
	s21 =	simm.s32 $0x80  }
0x12: {  	v2 =	vor.u32 s22, v4;
	s22 =	simm.s32 $0x7C80;
	v3 =	vor.u32 s23, v4;
	v4 =	vor.u32 s24, v4;
	s23 =	simm.s32 $0x2;
	s24 =	simm.s32 $0x2828  }
.LBB2_1:
0x13: {  	[tilespmem:$0x2800] =	vst v0  }
0x14: {  	[tilespmem:$0x2810] =	vst v1  }
0x15: {  	[tilespmem:$0x2820] =	vst v2  }
0x16: {  	[tilespmem:$0x2830] =	vst v3  }
0x17: {  	[tilespmem:$0x2840] =	vst v4  }
0x18: {  	[tilespmem:s4], [sflag:$0x1] =	stream.indirect.gather [hbm4b:s5+s14], $0x80, s15, s14, $0xb8;
	[tilespmem:$0x1F880] =	vst v63  }
0x19: {  	_ =	swait.ge [sflag:s16], $0x2800  }
0x1a: {  	[sflag:s16] =	ssyncset.done $0x0  }
0x1b: {  	s26 =	simm.s32 $0x0;
	s28 =	simm.s32 $0x200;
	[sflag:s16] =	ssyncadd.s32 $0xFFFFD800  }
.LBB2_2:
0x1c: {  	p0 =	sne.s32 s28, $0xFE00;
	[tilespmem:s26+$0x3CF0] =	vst v5  }
0x1d: {  	[tilespmem:s26+$0x3C80] =	vst v5  }
0x1e: {  	[tilespmem:s26+$0x3C90] =	vst v5  }
.Ltmp0:
0x1f: {  	[tilespmem:s26+$0x3CA0] =	vst v5;
	(pc) =	sbr.rel @p0 .LBB2_2-.Ltmp0, $4  }
0x20: {  	[tilespmem:s26+$0x3CB0] =	vst v5  }
0x21: {  	[tilespmem:s26+$0x3CC0] =	vst v5  }
0x22: {  	[tilespmem:s26+$0x3CD0] =	vst v5  }
0x23: {  	[tilespmem:s26+$0x3CE0] =	vst v5;
	s26 =	sshra.s32 s28, $0x2;
	s28 =	sadd.s32 $0x200, s28  }
0x24: {  	[tilespmem:s26+$0x3CF0] =	vst v5  }
0x25: {  	[tilespmem:s26+$0x3C80] =	vst v5  }
0x26: {  	[tilespmem:s26+$0x3C90] =	vst v5  }
0x27: {  	[tilespmem:s26+$0x3CA0] =	vst v5  }
0x28: {  	[tilespmem:s26+$0x3CB0] =	vst v5  }
0x29: {  	[tilespmem:s26+$0x3CC0] =	vst v5  }
0x2a: {  	[tilespmem:s26+$0x3CD0] =	vst v5  }
0x2b: {  	[tilespmem:s26+$0x3CE0] =	vst v5  }
0x2c: {  	[spmem:s7] =	stream.linear.scatter [tilespmem:s17], [sflag:$0x3], $0x4000, $0x38;
	[tilespmem:$0x1F880] =	vst v63  }
0x2d: {  	_ =	swait.ge [sflag:s18], $0x4000  }
0x2e: {  	[sflag:s18] =	ssyncset.done $0x0  }
0x2f: {  	[sflag:s18] =	ssyncadd.s32 $0xFFFFC000  }
0x30: {  	[spmem:s8] =	stream.linear.scatter [tilespmem:s17], [sflag:$0x3], $0x4000, $0x38;
	[tilespmem:$0x1F880] =	vst v63  }
0x31: {  	_ =	swait.ge [sflag:s18], $0x4000  }
0x32: {  	[sflag:s18] =	ssyncset.done $0x0  }
0x33: {  	[sflag:s18] =	ssyncadd.s32 $0xFFFFC000  }
0x34: {  	[spmem:s9] =	stream.linear.scatter [tilespmem:s17], [sflag:$0x3], $0x4000, $0x38;
	[tilespmem:$0x1F880] =	vst v63  }
0x35: {  	_ =	swait.ge [sflag:s18], $0x4000  }
0x36: {  	[sflag:s18] =	ssyncset.done $0x0  }
0x37: {  	[sflag:s18] =	ssyncadd.s32 $0xFFFFC000  }
0x38: {  	[spmem:s10] =	stream.linear.scatter [tilespmem:s17], [sflag:$0x3], $0x4000, $0x38;
	[tilespmem:$0x1F880] =	vst v63  }
0x39: {  	_ =	swait.ge [sflag:s18], $0x4000  }
0x3a: {  	[sflag:s18] =	ssyncset.done $0x0  }
0x3b: {  	[sflag:s18] =	ssyncadd.s32 $0xFFFFC000  }
0x3c: {  	[spmem:s11] =	stream.linear.scatter [tilespmem:s17], [sflag:$0x3], $0x3C00, $0x38;
	[tilespmem:$0x1F880] =	vst v63  }
0x3d: {  	_ =	swait.ge [sflag:s18], $0x3C00  }
0x3e: {  	[sflag:s18] =	ssyncset.done $0x0  }
0x3f: {  	[sflag:s18] =	ssyncadd.s32 $0xFFFFC400  }
0x40: {  	[bflag:$0x0] =	sbarrier.arrive $0xFFFF  }
0x41: {  	[tilespmem:s20], [sflag:$0x1] =	stream.indirect.gather [hbm4b:s6+s19], $0x80, s15, s19, $0xb8;
	[tilespmem:$0x1F880] =	vst v63  }
0x42: {  	_ =	swait.ge [sflag:s16], $0x1400  }
0x43: {  	[sflag:s16] =	ssyncset.done $0x0  }
0x44: {  	s31 =	simm.s32 $0x0;
	[sflag:s16] =	ssyncadd.s32 $0xFFFFEC00  }
0x45: {  	[tilespmem:s17], [sflag:$0x1] =	stream.indirect.gather [hbm4b:s1+s21], $0x80, s31, s21, $0xb8;
	[tilespmem:$0x1F880] =	vst v63  }
0x46: {  	s29 =	simm.s32 $0x80  }
0x47: {  	[tilespmem:s22], [sflag:$0x1] =	stream.indirect.gather [hbm4b:s1+s21], $0x80, s29, s21, $0xb8;
	[tilespmem:$0x1F880] =	vst v63  }
0x48: {  	_ =	swait.ge [sflag:s16], $0x4000  }
0x49: {  	[sflag:s16] =	ssyncset.done $0x0  }
0x4a: {  	s30 =	simm.s32 $0x2880;
	[sflag:s16] =	ssyncadd.s32 $0xFFFFC000  }
0x4b: {  	[spmem:s3] =	stream.indirect.scatter.add.f32 [tilespmem:s17], [sflag:$0x2], $0x80, s30, s21, $0xb8;
	[tilespmem:$0x1F880] =	vst v63  }
0x4c: {  	_ =	swait.ge [sflag:s16], $0x4000  }
0x4d: {  	[sflag:s16] =	ssyncset.done $0x0  }
0x4e: {  	s31 =	simm.s32 $0x2900;
	[sflag:s16] =	ssyncadd.s32 $0xFFFFC000  }
0x4f: {  	[spmem:s3] =	stream.indirect.scatter.add.f32 [tilespmem:s22], [sflag:$0x2], $0x80, s31, s21, $0xb8;
	[tilespmem:$0x1F880] =	vst v63  }
0x50: {  	_ =	swait.ge [sflag:s23], $0x4000  }
0x51: {  	[sflag:s23] =	ssyncset.done $0x0  }
0x52: {  	[sflag:s23] =	ssyncadd.s32 $0xFFFFC000  }
0x53: {  	_ =	swait.ge [sflag:s23], $0x4000  }
0x54: {  	s26 =	simm.s32 $0x400;
	s28 =	simm.s32 $0x800;
	[sflag:s23] =	ssyncset.done $0x0  }
.LBB2_4:
0x55: {  	s29 =	sshra.s32 s26, $0x2  }
0x56: {  	[sflag:s23] =	ssyncadd.s32 $0xFFFFC000;
	s26 =	smov.u32 s28;
	s30 =	sadd.s32 $0x400, s28  }
0x57: {  	[tilespmem:s17], [sflag:$0x1] =	stream.indirect.gather [hbm4b:s1+s21], $0x80, s29, s21, $0xb8;
	[tilespmem:$0x1F880] =	vst v63  }
0x58: {  	p0 =	sne.s32 s28, $0x4C00;
	s28 =	sadd.s32 $0x80, s29  }
0x59: {  	[tilespmem:s22], [sflag:$0x1] =	stream.indirect.gather [hbm4b:s1+s21], $0x80, s28, s21, $0xb8;
	[tilespmem:$0x1F880] =	vst v63  }
0x5a: {  	_ =	swait.ge [sflag:s16], $0x4000  }
0x5b: {  	[sflag:s16] =	ssyncset.done $0x0  }
0x5c: {  	s28 =	sadd.s32 $0x2880, s29;
	[sflag:s16] =	ssyncadd.s32 $0xFFFFC000  }
0x5d: {  	[spmem:s3] =	stream.indirect.scatter.add.f32 [tilespmem:s17], [sflag:$0x2], $0x80, s28, s21, $0xb8;
	[tilespmem:$0x1F880] =	vst v63  }
0x5e: {  	_ =	swait.ge [sflag:s16], $0x4000  }
0x5f: {  	[sflag:s16] =	ssyncset.done $0x0  }
0x60: {  	s28 =	sadd.s32 $0x2900, s29;
	[sflag:s16] =	ssyncadd.s32 $0xFFFFC000  }
0x61: {  	[spmem:s3] =	stream.indirect.scatter.add.f32 [tilespmem:s22], [sflag:$0x2], $0x80, s28, s21, $0xb8;
	[tilespmem:$0x1F880] =	vst v63  }
.Ltmp1:
0x62: {  	_ =	swait.ge [sflag:s23], $0x4000;
	(pc) =	sbr.rel @p0 .LBB2_4-.Ltmp1, $4  }
0x63: {  	[sflag:s23] =	ssyncset.done $0x0  }
0x64: {  	[sflag:s23] =	ssyncadd.s32 $0xFFFFC000  }
0x65: {  	_ =	swait.ge [sflag:s23], $0x4000  }
0x66: {  	s28 =	smov.u32 s30;
	[sflag:s23] =	ssyncset.done $0x0  }
0x67: {  	s26 =	sshra.s32 s26, $0x2;
	[sflag:s23] =	ssyncadd.s32 $0xFFFFC000  }
0x68: {  	[tilespmem:s17], [sflag:$0x1] =	stream.indirect.gather [hbm4b:s1+s21], $0x80, s26, s21, $0xb8;
	[tilespmem:$0x1F880] =	vst v63  }
0x69: {  	s28 =	sadd.s32 $0x80, s26  }
0x6a: {  	[tilespmem:s22], [sflag:$0x1] =	stream.indirect.gather [hbm4b:s1+s21], $0x80, s28, s21, $0xb8;
	[tilespmem:$0x1F880] =	vst v63  }
0x6b: {  	_ =	swait.ge [sflag:s16], $0x4000  }
0x6c: {  	[sflag:s16] =	ssyncset.done $0x0  }
0x6d: {  	s28 =	sadd.s32 $0x2880, s26;
	[sflag:s16] =	ssyncadd.s32 $0xFFFFC000  }
0x6e: {  	[spmem:s3] =	stream.indirect.scatter.add.f32 [tilespmem:s17], [sflag:$0x2], $0x80, s28, s21, $0xb8;
	[tilespmem:$0x1F880] =	vst v63  }
0x6f: {  	_ =	swait.ge [sflag:s16], $0x4000  }
0x70: {  	[sflag:s16] =	ssyncset.done $0x0  }
0x71: {  	s26 =	sadd.s32 $0x2900, s26;
	[sflag:s16] =	ssyncadd.s32 $0xFFFFC000  }
0x72: {  	[spmem:s3] =	stream.indirect.scatter.add.f32 [tilespmem:s22], [sflag:$0x2], $0x80, s26, s21, $0xb8;
	[tilespmem:$0x1F880] =	vst v63  }
0x73: {  	_ =	swait.ge [sflag:s23], $0x4000  }
0x74: {  	[sflag:s23] =	ssyncset.done $0x0  }
0x75: {  	[sflag:s23] =	ssyncadd.s32 $0xFFFFC000  }
0x76: {  	_ =	swait.ge [sflag:s23], $0x4000  }
0x77: {  	[sflag:s23] =	ssyncset.done $0x0  }
0x78: {  	[sflag:s23] =	ssyncadd.s32 $0xFFFFC000  }
0x79: {  	[tilespmem:s20], [sflag:$0x1] =	stream.indirect.gather [hbm4b:s6+s19], $0x80, s24, s19, $0xb8;
	[tilespmem:$0x1F880] =	vst v63  }
0x7a: {  	_ =	swait.ge [sflag:s16], $0x1400  }
0x7b: {  	[sflag:s16] =	ssyncset.done $0x0  }
0x7c: {  	s31 =	simm.s32 $0x1400;
	[sflag:s16] =	ssyncadd.s32 $0xFFFFEC00  }
0x7d: {  	[tilespmem:s17], [sflag:$0x1] =	stream.indirect.gather [hbm4b:s1+s21], $0x80, s31, s21, $0xb8;
	[tilespmem:$0x1F880] =	vst v63  }
0x7e: {  	s29 =	simm.s32 $0x1480  }
0x7f: {  	[tilespmem:s22], [sflag:$0x1] =	stream.indirect.gather [hbm4b:s1+s21], $0x80, s29, s21, $0xb8;
	[tilespmem:$0x1F880] =	vst v63  }
0x80: {  	_ =	swait.ge [sflag:s16], $0x4000  }
0x81: {  	[sflag:s16] =	ssyncset.done $0x0  }
0x82: {  	s30 =	simm.s32 $0x2880;
	[sflag:s16] =	ssyncadd.s32 $0xFFFFC000  }
0x83: {  	[spmem:s3] =	stream.indirect.scatter.add.f32 [tilespmem:s17], [sflag:$0x2], $0x80, s30, s21, $0xb8;
	[tilespmem:$0x1F880] =	vst v63  }
0x84: {  	_ =	swait.ge [sflag:s16], $0x4000  }
0x85: {  	[sflag:s16] =	ssyncset.done $0x0  }
0x86: {  	s31 =	simm.s32 $0x2900;
	[sflag:s16] =	ssyncadd.s32 $0xFFFFC000  }
0x87: {  	[spmem:s3] =	stream.indirect.scatter.add.f32 [tilespmem:s22], [sflag:$0x2], $0x80, s31, s21, $0xb8;
	[tilespmem:$0x1F880] =	vst v63  }
0x88: {  	_ =	swait.ge [sflag:s23], $0x4000  }
0x89: {  	[sflag:s23] =	ssyncset.done $0x0  }
0x8a: {  	[sflag:s23] =	ssyncadd.s32 $0xFFFFC000  }
0x8b: {  	_ =	swait.ge [sflag:s23], $0x4000  }
0x8c: {  	s28 =	simm.s32 $0x800;
	s26 =	simm.s32 $0x100;
	[sflag:s23] =	ssyncset.done $0x0  }
.LBB2_6:
0x8d: {  	s29 =	sadd.s32 $0x1400, s26  }
0x8e: {  	[sflag:s23] =	ssyncadd.s32 $0xFFFFC000;
	s30 =	smov.u32 s28;
	s31 =	sadd.s32 $0x400, s28  }
0x8f: {  	[tilespmem:s17], [sflag:$0x1] =	stream.indirect.gather [hbm4b:s1+s21], $0x80, s29, s21, $0xb8;
	[tilespmem:$0x1F880] =	vst v63  }
0x90: {  	p0 =	sne.s32 s28, $0x4C00;
	s28 =	sadd.s32 $0x1480, s26  }
0x91: {  	[tilespmem:s22], [sflag:$0x1] =	stream.indirect.gather [hbm4b:s1+s21], $0x80, s28, s21, $0xb8;
	[tilespmem:$0x1F880] =	vst v63  }
0x92: {  	_ =	swait.ge [sflag:s16], $0x4000  }
0x93: {  	[sflag:s16] =	ssyncset.done $0x0  }
0x94: {  	s28 =	sadd.s32 $0x2880, s26;
	[sflag:s16] =	ssyncadd.s32 $0xFFFFC000  }
0x95: {  	[spmem:s3] =	stream.indirect.scatter.add.f32 [tilespmem:s17], [sflag:$0x2], $0x80, s28, s21, $0xb8;
	[tilespmem:$0x1F880] =	vst v63  }
0x96: {  	_ =	swait.ge [sflag:s16], $0x4000  }
0x97: {  	[sflag:s16] =	ssyncset.done $0x0  }
0x98: {  	s26 =	sadd.s32 $0x2900, s26;
	[sflag:s16] =	ssyncadd.s32 $0xFFFFC000  }
0x99: {  	[spmem:s3] =	stream.indirect.scatter.add.f32 [tilespmem:s22], [sflag:$0x2], $0x80, s26, s21, $0xb8;
	[tilespmem:$0x1F880] =	vst v63  }
.Ltmp2:
0x9a: {  	_ =	swait.ge [sflag:s23], $0x4000;
	(pc) =	sbr.rel @p0 .LBB2_6-.Ltmp2, $4  }
0x9b: {  	[sflag:s23] =	ssyncset.done $0x0  }
0x9c: {  	[sflag:s23] =	ssyncadd.s32 $0xFFFFC000  }
0x9d: {  	_ =	swait.ge [sflag:s23], $0x4000  }
0x9e: {  	s28 =	smov.u32 s31;
	s26 =	sshra.s32 s30, $0x2;
	[sflag:s23] =	ssyncset.done $0x0  }
0x9f: {  	s28 =	sadd.s32 $0x1400, s26;
	[sflag:s23] =	ssyncadd.s32 $0xFFFFC000  }
0xa0: {  	[tilespmem:s17], [sflag:$0x1] =	stream.indirect.gather [hbm4b:s1+s21], $0x80, s28, s21, $0xb8;
	[tilespmem:$0x1F880] =	vst v63  }
0xa1: {  	s30 =	sadd.s32 $0x1480, s26  }
0xa2: {  	[tilespmem:s22], [sflag:$0x1] =	stream.indirect.gather [hbm4b:s1+s21], $0x80, s30, s21, $0xb8;
	[tilespmem:$0x1F880] =	vst v63  }
0xa3: {  	_ =	swait.ge [sflag:s16], $0x4000  }
0xa4: {  	[sflag:s16] =	ssyncset.done $0x0  }
0xa5: {  	s31 =	sadd.s32 $0x2880, s26;
	[sflag:s16] =	ssyncadd.s32 $0xFFFFC000  }
0xa6: {  	[spmem:s3] =	stream.indirect.scatter.add.f32 [tilespmem:s17], [sflag:$0x2], $0x80, s31, s21, $0xb8;
	[tilespmem:$0x1F880] =	vst v63  }
0xa7: {  	_ =	swait.ge [sflag:s16], $0x4000  }
0xa8: {  	[sflag:s16] =	ssyncset.done $0x0  }
0xa9: {  	s29 =	sadd.s32 $0x2900, s26;
	[sflag:s16] =	ssyncadd.s32 $0xFFFFC000  }
0xaa: {  	[spmem:s3] =	stream.indirect.scatter.add.f32 [tilespmem:s22], [sflag:$0x2], $0x80, s29, s21, $0xb8;
	[tilespmem:$0x1F880] =	vst v63  }
0xab: {  	_ =	swait.ge [sflag:s23], $0x4000  }
0xac: {  	[sflag:s23] =	ssyncset.done $0x0  }
0xad: {  	[sflag:s23] =	ssyncadd.s32 $0xFFFFC000  }
0xae: {  	_ =	swait.ge [sflag:s23], $0x4000  }
0xaf: {  	s25 =	sadd.s32 $0x1, s25;
	s30 =	sshll.u32 s0, $0x6;
	[sflag:s23] =	ssyncset.done $0x0  }
0xb0: {  	p0 =	sne.s32 s25, s13;
	s26 =	sor.u32 $0x1C03, s30;
	[sflag:s23] =	ssyncadd.s32 $0xFFFFC000  }
.Ltmp3:
0xb1: {  	s31 =	sshrl.u32 s7, $0x3;
	[bflag:$0x0] =	sbarrier.arrive $0xFFFF;
	(pc) =	sbr.rel @p0 .LBB2_1-.Ltmp3, $4  }
0xb2: {  	[hbm:s12], [sflag:s26] =	dma.local [spmem:s31], $0x2780  }
0xb3: {  	_ =	swait.ge [sflag:s18], $0x2780  }
0xb4: {  	[sflag:s18] =	ssyncset.done $0x0  }
0xb5: {  	[sflag:s18] =	ssyncadd.s32 $0xFFFFD880  }
0xb6: {  	_ =	sfence.sel $0x180000  }
0xb7: {  	[bflag:$0x0] =	sbarrier.arrive $0xFFFF  }
0xb8: {  	p0 =	sne.s32 s0, $0x0;
	_ =	strace $0x90000047  }
0xb9: {  	s0 =	sadd.s32 @!p0 $0x100000, s2;
	[bflag:$0x2] =	sbarrier.arrive $0xFFFF  }
0xba: {  	[sflag:s0] =	ssyncadd.tile.s32 @!p0 $0x1;
	_ =	shalt  }
.Lfunc_end2:
_tile_overlayer_lowered:
.L_overlay_start_2:
0xbb: {  	(tag) =	ssettag $0x2  }
0xbc: {  	s0 =	rddreg [dreg:$0x0];
	s2 =	stileid.u32  }
0xbd: {  	s1 =	rddreg [dreg:$0x1];
	p0 =	sne.s32 s2, $0x0  }
0xbe: {  	s3 =	rddreg [dreg:$0x2];
	[bflag:$0x3] =	sbarrier.arrive $0xFFFF;
	s2 =	simm.s32 @!p0 $0x1C03  }
0xbf: {  	[timem:s3], [sflag:s2] =	dma.local @!p0 [hbm:s0], s1  }
0xc0: {  	s0 =	simm.s32 @!p0 $0x3  }
0xc1: {  	_ =	swait.ge @!p0 [sflag:s0], s1  }
0xc2: {  	s1 =	ssub.s32 @!p0 $0x0, s1;
	[sflag:s0] =	ssyncset.done @!p0 $0x0  }
0xc3: {  	[sflag:s0] =	ssyncadd.s32 @!p0 s1  }
0xc4: {  	[bflag:$0x3] =	sbarrier.arrive $0xFFFF  }
0xc5: {  	_ =	shalt  }

// kernel: kernel.14.cloned.1.call-start
scs
__scs_entry_jumppad:
0x0: {  	(pc) =	sbr.rel $0x88, $3  }
0x1: {  	(tag) =	ssettag $0x0;
	lr =	simm.s32 $0x1  }
0x2: {  	[smem:$0x3F99] =	sst lr;
	_ =	strace $0xD0000000  }
0x3: {  	_ = 	snop  }
0x4: {  	_ = 	snop  }
0x5: {  	_ = 	snop  }
0x6: {  	_ = 	snop  }
0x7: {  	_ = 	snop  }
__scs_overlays_trampoline_lowered:
0x8: {  	[smem:$0x3FA8] =	sst s0  }
0x9: {  	[smem:$0x3FA9] =	sst s1  }
0xa: {  	[smem:$0x3FAA] =	sst s2  }
0xb: {  	[smem:$0x3FAB] =	sst s3  }
0xc: {  	[smem:$0x3FAC] =	sst s4  }
0xd: {  	[smem:$0x3FAD] =	sst s5  }
0xe: {  	[smem:$0x3FAE] =	sst s6  }
0xf: {  	[smem:$0x3FAF] =	sst s7  }
0x10: {  	[smem:$0x3FB0] =	sst s8  }
0x11: {  	[smem:$0x3FB1] =	sst s9;
	s0 =	simm.s32 @!p0 $0x0  }
0x12: {  	s1 =	sld [smem:$0x3F97];
	s0 =	simm.s32 @p0 $0x1  }
0x13: {  	[smem:$0x3FB2] =	sst s0;
	s0 =	simm.s32 @!p1 $0x0  }
0x14: {  	s2 =	sld [smem:$0x3F96];
	s0 =	simm.s32 @p1 $0x1  }
0x15: {  	[smem:$0x3FB3] =	sst s0;
	s0 =	simm.s32 @!p2 $0x0  }
0x16: {  	s3 =	sld [smem:$0x3FDB];
	s0 =	simm.s32 @p2 $0x1  }
0x17: {  	s4 =	simm.s32 $0x1BF5;
	[smem:$0x3FB5] =	sst s0  }
0x18: {  	s0 =	sld [smem:$0x3F98];
	_ =	swait.ge [sflag:s4], $0x0  }
0x19: {  	s7 =	sld [smem:$0x3F99]  }
0x1a: {  	s8 =	sadd.s32 $0xFFFFE003, lr  }
0x1b: {  	s9 =	sadd.s32 $0xFFFFFEF7, lr;
	s5 =	simm.s32 $0xFFFFFFFF;
	p2 =	slt.u32 s8, $0xFFFFF086  }
0x1c: {  	p1 =	slt.u32 s9, $0xF7A;
	s5 =	simm.s32 @!p2 $0x0  }
0x1d: {  	s5 =	simm.s32 @p1 $0x1;
	p0 =	seq.s32 s7, s2  }
0x1e: {  	s7 =	smul.u32 @!p0 $0xF7A, s2;
	p2 =	seq.s32 @!p0 s5, $0x0  }
0x1f: {  	s9 =	smul.u32 $0xF7A, s1;
	s8 =	simm.s32 @!p0 $0x1BF5;
	p2 =	por !p2, p0  }
0x20: {  	[sflag:s8] =	ssyncset.s32 @!p0 $0xFFFFF086;
	s6 =	sadd.s32 @!p0 s3, s7;
	s7 =	simm.s32 @!p0 $0x108  }
0x21: {  	s3 =	sadd.s32 s3, s9;
	s6 =	sadd.s32 @!p0 $0x88, s6;
	s7 =	simm.s32 @p2 $0x1082  }
0x22: {  	[simem:s7], [sflag:s8] =	dma.local @!p0 [hbm:s6], $0xF7A  }
0x23: {  	s9 =	sor.u32 $0xD0000000, s2;
	s6 =	simm.s32 $0x108;
	_ =	swait.ge @!p0 [sflag:s8], $0x0  }
0x24: {  	s3 =	sadd.s32 $0x88, s3;
	s6 =	simm.s32 @!p1 $0x1082;
	[sflag:s4] =	ssyncset.s32 $0xFFFFF086  }
0x25: {  	[simem:s6], [sflag:s4] =	dma.local [hbm:s3], $0xF7A  }
0x26: {  	[smem:$0x3F99] =	sst s1;
	(tag) =	ssettag s2;
	_ =	strace s9  }
0x27: {  	s1 =	sld [smem:$0x3FA9]  }
0x28: {  	s2 =	sld [smem:$0x3FAA]  }
0x29: {  	s4 =	sld [smem:$0x3FAC]  }
0x2a: {  	p0 =	seq.s32 s5, $0x0;
	s5 =	sld [smem:$0x3FAD]  }
0x2b: {  	s6 =	sld [smem:$0x3FAE]  }
0x2c: {  	s7 =	sld [smem:$0x3FAF]  }
0x2d: {  	s3 =	simm.s32 $0x108;
	s8 =	sld [smem:$0x3FB0]  }
0x2e: {  	s3 =	simm.s32 @!p0 $0x1082;
	s9 =	sld [smem:$0x3FB1]  }
0x2f: {  	lr =	sadd.s32 s0, s3;
	s0 =	sld [smem:$0x3FA8]  }
0x30: {  	s3 =	sld [smem:$0x3FAB]  }
0x31: {  	[smem:$0x3FB4] =	sst s10  }
0x32: {  	s10 =	sld [smem:$0x3FB2];
	_ =	sdelay $0x3  }
0x33: {  	p0 =	seq.s32 s10, $0x1;
	s10 =	sld [smem:$0x3FB4];
	_ =	sdelay $0x3  }
0x34: {  	[smem:$0x3FB4] =	sst s10  }
0x35: {  	s10 =	sld [smem:$0x3FB3];
	_ =	sdelay $0x3  }
0x36: {  	p1 =	seq.s32 s10, $0x1;
	s10 =	sld [smem:$0x3FB4];
	_ =	sdelay $0x3  }
0x37: {  	[smem:$0x3FB4] =	sst s10  }
0x38: {  	s10 =	sld [smem:$0x3FB5]  }
0x39: {  	_ = 	snop;
	(pc) =	sbr.ind lr, $3  }
0x3a: {  	_ = 	snop  }
0x3b: {  	_ = 	snop  }
0x3c: {  	p2 =	seq.s32 s10, $0x1;
	s10 =	sld [smem:$0x3FB4]  }
0x3d: {  	_ =	shalt  }
0x3e: {  	_ =	shalt  }
0x3f: {  	_ =	shalt  }
0x40: {  	_ =	shalt  }
0x41: {  	_ =	shalt  }
0x42: {  	_ =	shalt  }
0x43: {  	_ =	shalt  }
0x44: {  	_ =	shalt  }
0x45: {  	_ =	shalt  }
0x46: {  	_ =	shalt  }
0x47: {  	_ =	shalt  }
0x48: {  	_ =	shalt  }
0x49: {  	_ =	shalt  }
0x4a: {  	_ =	shalt  }
0x4b: {  	_ =	shalt  }
0x4c: {  	_ =	shalt  }
0x4d: {  	_ =	shalt  }
0x4e: {  	_ =	shalt  }
0x4f: {  	_ =	shalt  }
0x50: {  	_ =	shalt  }
0x51: {  	_ =	shalt  }
0x52: {  	_ =	shalt  }
0x53: {  	_ =	shalt  }
0x54: {  	_ =	shalt  }
0x55: {  	_ =	shalt  }
0x56: {  	_ =	shalt  }
0x57: {  	_ =	shalt  }
0x58: {  	_ =	shalt  }
0x59: {  	_ =	shalt  }
0x5a: {  	_ =	shalt  }
0x5b: {  	_ =	shalt  }
0x5c: {  	_ =	shalt  }
0x5d: {  	_ =	shalt  }
0x5e: {  	_ =	shalt  }
0x5f: {  	_ =	shalt  }
0x60: {  	_ =	shalt  }
0x61: {  	_ =	shalt  }
0x62: {  	_ =	shalt  }
0x63: {  	_ =	shalt  }
0x64: {  	_ =	shalt  }
0x65: {  	_ =	shalt  }
0x66: {  	_ =	shalt  }
0x67: {  	_ =	shalt  }
0x68: {  	_ =	shalt  }
0x69: {  	_ =	shalt  }
0x6a: {  	_ =	shalt  }
0x6b: {  	_ =	shalt  }
0x6c: {  	_ =	shalt  }
0x6d: {  	_ =	shalt  }
0x6e: {  	_ =	shalt  }
0x6f: {  	_ =	shalt  }
0x70: {  	_ =	shalt  }
0x71: {  	_ =	shalt  }
0x72: {  	_ =	shalt  }
0x73: {  	_ =	shalt  }
0x74: {  	_ =	shalt  }
0x75: {  	_ =	shalt  }
0x76: {  	_ =	shalt  }
0x77: {  	_ =	shalt  }
0x78: {  	_ =	shalt  }
0x79: {  	_ =	shalt  }
0x7a: {  	_ =	shalt  }
0x7b: {  	_ =	shalt  }
0x7c: {  	_ =	shalt  }
0x7d: {  	_ =	shalt  }
0x7e: {  	_ =	shalt  }
0x7f: {  	_ =	shalt  }
0x80: {  	_ =	shalt  }
0x81: {  	_ =	shalt  }
0x82: {  	_ =	shalt  }
0x83: {  	_ =	shalt  }
0x84: {  	_ =	shalt  }
0x85: {  	_ =	shalt  }
0x86: {  	_ =	shalt  }
0x87: {  	_ =	shalt  }
.Lfunc_end0:
.L_simem_size_0:
called_computation.2_lowered:
.L_overlay_start_0:
0x88: {  	s2 =	sld [smem:$0x3FD9]  }
0x89: {  	s3 =	sld [smem:$0x3FFE];
	_ =	sdelay $0x1  }
0x8a: {  	s1 =	srdreg.scid  }
0x8b: {  	s0 =	sand.u32 $0x1, s1  }
0x8c: {  	s17 =	sshll.u32 s0, $0xA;
	s2 =	sadd.s32 s3, s2  }
0x8d: {  	s2 =	sadd.s32 s2, s17  }
0x8e: {  	[smem:$0x3FC0] =	sst s2  }
0x8f: {  	_ = 	snop  }
0x90: {  	s18 =	sld [smem:$0x3FD0];
	(tm) =	ssettm $0x1  }
0x91: {  	s19 =	sld [smem:$0x3FFB];
	_ =	sdelay $0x3  }
0x92: {  	_ =	strace s19  }
0x93: {  	s2 =	sld [smem:$0x3FFC];
	_ =	sdelay $0x3  }
0x94: {  	_ =	strace s2  }
0x95: {  	s2 =	sld [smem:$0x3FFD];
	_ =	sdelay $0x3  }
0x96: {  	_ =	strace s2  }
0x97: {  	_ =	strace $0x8FFFFFFF  }
0x98: {  	s20 =	sld [smem:$0x3FDB];
	_ =	sdelay $0x1  }
0x99: {  	s4 =	simm.s32 $_scs_section_size  }
0x9a: {  	s5 =	simm.s32 $_size__tile_overlayer_lowered;
	s6 =	simm.s32 $_tile_overlayer_lowered  }
0x9b: {  	s7 =	simm.s32 $0x1BFF;
	s21 =	sshll.u32 s6, $0x1;
	s4 =	sadd.s32 s4, s20  }
0x9c: {  	s22 =	simm.s32 $0x0;
	s5 =	sshll.u32 s5, $0x1;
	s6 =	sadd.s32 s21, s4  }
0x9d: {  	[timem:s22], [sflag:s7] =	dma.local [hbm:s6], s5  }
0x9e: {  	_ =	swait.ge [sflag:s7], s5  }
0x9f: {  	s5 =	ssub.s32 $0x0, s5;
	[sflag:s7] =	ssyncset.done $0x0  }
0xa0: {  	[sflag:s7] =	ssyncadd.s32 s5;
	_ =	sdelay $0x1  }
0xa1: {  	s23 =	simm.s32 $0x1B8B  }
0xa2: {  	_ =	swait.ge [sflag:s23], $0x1  }
0xa3: {  	[sflag:s23] =	ssyncset.done $0x0  }
0xa4: {  	[sflag:s23] =	ssyncadd.s32 $0xFFFFFFFF  }
0xa5: {  	s5 =	sld [smem:$0x0]  }
0xa6: {  	s6 =	sand.u32 $0xFFFFFFFE, s1  }
0xa7: {  	p0 =	sne.s32 s1, s6  }
0xa8: {  	s6 =	sshll.u32 @p0 s6, $0xE  }
0xa9: {  	s6 =	sadd.s32 @p0 $0x11B8D, s6;
	s7 =	sshll.u32 @p0 s5, $0x11  }
0xaa: {  	s6 =	sor.u32 @p0 s7, s6  }
0xab: {  	[sflag:s6] =	ssyncadd.remote.s32 @p0 $0x1;
	_ =	sdelay $0x1  }
0xac: {  	s6 =	simm.s32 @p0 $0x1B8D  }
0xad: {  	_ =	swait.eq @p0 [sflag:s6], $0x1  }
0xae: {  	[sflag:s6] =	ssyncadd.s32 @p0 $0xFFFFFFFF  }
0xaf: {  	s7 =	sshll.u32 @!p0 s1, $0xE  }
0xb0: {  	s7 =	sor.u32 @!p0 $0x4000, s7;
	s6 =	simm.s32 @!p0 $0x1B8D  }
0xb1: {  	s5 =	sshll.u32 @!p0 s5, $0x11;
	s7 =	sadd.s32 @!p0 $0x11B8D, s7;
	_ =	swait.eq @!p0 [sflag:s6], $0x1  }
0xb2: {  	s5 =	sor.u32 @!p0 s5, s7;
	[sflag:s6] =	ssyncadd.s32 @!p0 $0xFFFFFFFF  }
0xb3: {  	s25 =	simm.s32 $0x1B8E;
	s24 =	sld [smem:$0x3FFE];
	[sflag:s5] =	ssyncadd.remote.s32 @!p0 $0x1  }
0xb4: {  	s26 =	simm.s32 $execute0_lowered;
	[smem:$0x3FD2] =	sst s25  }
0xb5: {  	s6 =	sshll.u32 s26, $0x1;
	_ =	strace $0x8000004F;
	[dreg:$0x1] =	wrdreg $0xFFFFFFFF  }
0xb6: {  	s28 =	simm.s32 $_size_execute0_lowered;
	s4 =	sadd.s32 s4, s6;
	[dreg:$0x0] =	wrdreg $0x0  }
0xb7: {  	s6 =	sshll.u32 s28, $0x1;
	[dreg:$0x2] =	wrdreg s4  }
0xb8: {  	[dreg:$0x3] =	wrdreg s6  }
0xb9: {  	[dreg:$0x4] =	wrdreg $0xC0  }
0xba: {  	_ =	task [dreg:s22], $0x5FFFF  }
0xbb: {  	[dreg:$0x1] =	wrdreg $0xFFFFFFFF  }
0xbc: {  	[dreg:$0x0] =	wrdreg $0x60  }
0xbd: {  	[dreg:$0x2] =	wrdreg s18  }
0xbe: {  	[dreg:$0x3] =	wrdreg s24  }
0xbf: {  	[dreg:$0x4] =	wrdreg $0xBC800  }
0xc0: {  	[dreg:$0x5] =	wrdreg $0x9  }
0xc1: {  	_ =	task.clear_ibuf [dreg:s22], $0x6FFFF;
	_ =	strace $0x9000004F  }
0xc2: {  	s29 =	simm.s32 $0x9;
	_ =	strace $0x80000051  }
0xc3: {  	_ =	swait.ge [sflag:s29], $0x1  }
0xc4: {  	[sflag:s29] =	ssyncadd.s32 $0xFFFFFFFF  }
0xc5: {  	_ =	strace $0x90000051  }
0xc6: {  	_ =	sfence  }
0xc7: {  	s30 =	sld [smem:$0x0];
	_ =	sdelay $0x2  }
0xc8: {  	s31 =	sshll.u32 s1, $0xD;
	s1 =	sshrl.u32 s1, $0x2  }
0xc9: {  	s4 =	sand.u32 $0x4000, s31;
	s1 =	sadd.s32 s1, s30  }
0xca: {  	s0 =	sor.u32 s4, s0;
	s1 =	sshll.u32 s1, $0x11  }
0xcb: {  	s0 =	sor.u32 s1, s0  }
0xcc: {  	s0 =	sadd.s32 $0x8F2B, s0  }
0xcd: {  	[sflag:s0] =	ssyncadd.remote.s32 $0x1  }
0xce: {  	_ =	sfence.sel $0xFFFF  }
0xcf: {  	[dreg:$0x0] =	wrdreg $0xFFFFFFFF;
	(pc) =	sbr.abs _section_cstart, $3  }
0xd0: {  	[dreg:$0x1] =	wrdreg $0xFFFFFFFF  }
0xd1: {  	_ =	task.clear_ibuf [dreg:s22], $0x2FFFF;
	_ =	strace $0x9FFFFFFF  }
0xd2: {  	(tm) =	ssettm $0x7FFFFFFF  }
0xd3: {  	_ =	shalt  }
tec
execute0_lowered:
.L_overlay_start_1:
0x0: {  	(tag) =	ssettag $0x1  }
0x1: {  	s1 =	rddreg [dreg:$0x0]  }
0x2: {  	s7 =	rddreg [dreg:$0x1]  }
0x3: {  	s3 =	rddreg [dreg:$0x2]  }
0x4: {  	s0 =	srdreg.scid;
	s2 =	rddreg [dreg:$0x3];
	s4 =	simm.s32 $0x0  }
0x5: {  	s14 =	simm.s32 $0x50;
	s15 =	simm.s32 $0x2800;
	s16 =	simm.s32 $0x1  }
0x6: {  	s17 =	simm.s32 $0x3C80;
	s18 =	simm.s32 $0x3;
	s8 =	sand.u32 $0x1, s0  }
0x7: {  	s19 =	simm.s32 $0x28;
	s0 =	stileid.u32;
	s5 =	smul.u32 $0x13C000, s8  }
0x8: {  	s25 =	simm.s32 $0x0;
	[smem:$0x7FF] =	sst s4;
	s6 =	smul.u32 $0x13C00, s0  }
0x9: {  	s10 =	smul.u32 $0x4F000, s0;
	s30 =	ssub.s32 $0x2, s8;
	s31 =	sshll.u32 s0, $0x1  }
0xa: {  	_ =	strace $0x80000050;
	s11 =	sshrl.u32 s30, $0x1;
	s8 =	sor.u32 s8, s31  }
0xb: {  	s5 =	sadd.s32 s6, s5;
	s6 =	sadd.s32 $0x3000, s7;
	s10 =	sshrl.u32 s10, $0x2  }
0xc: {  	s13 =	ssub.s32 s30, s11;
	s20 =	smul.u32 $0x50, s8;
	s9 =	sshrl.u32 s5, $0x3  }
0xd: {  	s5 =	sadd.s32 $0xD000, s7;
	s13 =	smax.u32 s13, $0x1;
	s12 =	sadd.s32 s9, s7  }
0xe: {  	v4 =	vlaneseq.u32;
	s7 =	sadd.s32 s10, s3;
	s21 =	sadd.s32 $0x10, s20;
	s22 =	sadd.s32 $0x20, s20  }
0xf: {  	s23 =	sadd.s32 $0x30, s20;
	s24 =	sadd.s32 $0x40, s20;
	v0 =	vor.u32 s20, v4;
	s20 =	simm.s32 $0x2880  }
0x10: {  	s8 =	sadd.s32 $0x4000, s7;
	s9 =	sadd.s32 $0x8000, s7;
	s10 =	sadd.s32 $0xC000, s7  }
0x11: {  	v5 =	vimm.f32 $0.0e+00;
	s11 =	sadd.s32 $0x10000, s7;
	s12 =	sadd.s32 $0xBF000, s12;
	v1 =	vor.u32 s21, v4;
	s21 =	simm.s32 $0x80  }
0x12: {  	v2 =	vor.u32 s22, v4;
	s22 =	simm.s32 $0x7C80;
	v3 =	vor.u32 s23, v4;
	v4 =	vor.u32 s24, v4;
	s23 =	simm.s32 $0x2;
	s24 =	simm.s32 $0x2828  }
.LBB2_1:
0x13: {  	[tilespmem:$0x2800] =	vst v0  }
0x14: {  	[tilespmem:$0x2810] =	vst v1  }
0x15: {  	[tilespmem:$0x2820] =	vst v2  }
0x16: {  	[tilespmem:$0x2830] =	vst v3  }
0x17: {  	[tilespmem:$0x2840] =	vst v4  }
0x18: {  	[tilespmem:s4], [sflag:$0x1] =	stream.indirect.gather [hbm4b:s5+s14], $0x80, s15, s14, $0xb8;
	[tilespmem:$0x1F880] =	vst v63  }
0x19: {  	_ =	swait.ge [sflag:s16], $0x2800  }
0x1a: {  	[sflag:s16] =	ssyncset.done $0x0  }
0x1b: {  	s26 =	simm.s32 $0x0;
	s28 =	simm.s32 $0x200;
	[sflag:s16] =	ssyncadd.s32 $0xFFFFD800  }
.LBB2_2:
0x1c: {  	p0 =	sne.s32 s28, $0xFE00;
	[tilespmem:s26+$0x3CF0] =	vst v5  }
0x1d: {  	[tilespmem:s26+$0x3C80] =	vst v5  }
0x1e: {  	[tilespmem:s26+$0x3C90] =	vst v5  }
.Ltmp0:
0x1f: {  	[tilespmem:s26+$0x3CA0] =	vst v5;
	(pc) =	sbr.rel @p0 .LBB2_2-.Ltmp0, $4  }
0x20: {  	[tilespmem:s26+$0x3CB0] =	vst v5  }
0x21: {  	[tilespmem:s26+$0x3CC0] =	vst v5  }
0x22: {  	[tilespmem:s26+$0x3CD0] =	vst v5  }
0x23: {  	[tilespmem:s26+$0x3CE0] =	vst v5;
	s26 =	sshra.s32 s28, $0x2;
	s28 =	sadd.s32 $0x200, s28  }
0x24: {  	[tilespmem:s26+$0x3CF0] =	vst v5  }
0x25: {  	[tilespmem:s26+$0x3C80] =	vst v5  }
0x26: {  	[tilespmem:s26+$0x3C90] =	vst v5  }
0x27: {  	[tilespmem:s26+$0x3CA0] =	vst v5  }
0x28: {  	[tilespmem:s26+$0x3CB0] =	vst v5  }
0x29: {  	[tilespmem:s26+$0x3CC0] =	vst v5  }
0x2a: {  	[tilespmem:s26+$0x3CD0] =	vst v5  }
0x2b: {  	[tilespmem:s26+$0x3CE0] =	vst v5  }
0x2c: {  	[spmem:s7] =	stream.linear.scatter [tilespmem:s17], [sflag:$0x3], $0x4000, $0x38;
	[tilespmem:$0x1F880] =	vst v63  }
0x2d: {  	_ =	swait.ge [sflag:s18], $0x4000  }
0x2e: {  	[sflag:s18] =	ssyncset.done $0x0  }
0x2f: {  	[sflag:s18] =	ssyncadd.s32 $0xFFFFC000  }
0x30: {  	[spmem:s8] =	stream.linear.scatter [tilespmem:s17], [sflag:$0x3], $0x4000, $0x38;
	[tilespmem:$0x1F880] =	vst v63  }
0x31: {  	_ =	swait.ge [sflag:s18], $0x4000  }
0x32: {  	[sflag:s18] =	ssyncset.done $0x0  }
0x33: {  	[sflag:s18] =	ssyncadd.s32 $0xFFFFC000  }
0x34: {  	[spmem:s9] =	stream.linear.scatter [tilespmem:s17], [sflag:$0x3], $0x4000, $0x38;
	[tilespmem:$0x1F880] =	vst v63  }
0x35: {  	_ =	swait.ge [sflag:s18], $0x4000  }
0x36: {  	[sflag:s18] =	ssyncset.done $0x0  }
0x37: {  	[sflag:s18] =	ssyncadd.s32 $0xFFFFC000  }
0x38: {  	[spmem:s10] =	stream.linear.scatter [tilespmem:s17], [sflag:$0x3], $0x4000, $0x38;
	[tilespmem:$0x1F880] =	vst v63  }
0x39: {  	_ =	swait.ge [sflag:s18], $0x4000  }
0x3a: {  	[sflag:s18] =	ssyncset.done $0x0  }
0x3b: {  	[sflag:s18] =	ssyncadd.s32 $0xFFFFC000  }
0x3c: {  	[spmem:s11] =	stream.linear.scatter [tilespmem:s17], [sflag:$0x3], $0x3C00, $0x38;
	[tilespmem:$0x1F880] =	vst v63  }
0x3d: {  	_ =	swait.ge [sflag:s18], $0x3C00  }
0x3e: {  	[sflag:s18] =	ssyncset.done $0x0  }
0x3f: {  	[sflag:s18] =	ssyncadd.s32 $0xFFFFC400  }
0x40: {  	[bflag:$0x0] =	sbarrier.arrive $0xFFFF  }
0x41: {  	[tilespmem:s20], [sflag:$0x1] =	stream.indirect.gather [hbm4b:s6+s19], $0x80, s15, s19, $0xb8;
	[tilespmem:$0x1F880] =	vst v63  }
0x42: {  	_ =	swait.ge [sflag:s16], $0x1400  }
0x43: {  	[sflag:s16] =	ssyncset.done $0x0  }
0x44: {  	s31 =	simm.s32 $0x0;
	[sflag:s16] =	ssyncadd.s32 $0xFFFFEC00  }
0x45: {  	[tilespmem:s17], [sflag:$0x1] =	stream.indirect.gather [hbm4b:s1+s21], $0x80, s31, s21, $0xb8;
	[tilespmem:$0x1F880] =	vst v63  }
0x46: {  	s29 =	simm.s32 $0x80  }
0x47: {  	[tilespmem:s22], [sflag:$0x1] =	stream.indirect.gather [hbm4b:s1+s21], $0x80, s29, s21, $0xb8;
	[tilespmem:$0x1F880] =	vst v63  }
0x48: {  	_ =	swait.ge [sflag:s16], $0x4000  }
0x49: {  	[sflag:s16] =	ssyncset.done $0x0  }
0x4a: {  	s30 =	simm.s32 $0x2880;
	[sflag:s16] =	ssyncadd.s32 $0xFFFFC000  }
0x4b: {  	[spmem:s3] =	stream.indirect.scatter.add.f32 [tilespmem:s17], [sflag:$0x2], $0x80, s30, s21, $0xb8;
	[tilespmem:$0x1F880] =	vst v63  }
0x4c: {  	_ =	swait.ge [sflag:s16], $0x4000  }
0x4d: {  	[sflag:s16] =	ssyncset.done $0x0  }
0x4e: {  	s31 =	simm.s32 $0x2900;
	[sflag:s16] =	ssyncadd.s32 $0xFFFFC000  }
0x4f: {  	[spmem:s3] =	stream.indirect.scatter.add.f32 [tilespmem:s22], [sflag:$0x2], $0x80, s31, s21, $0xb8;
	[tilespmem:$0x1F880] =	vst v63  }
0x50: {  	_ =	swait.ge [sflag:s23], $0x4000  }
0x51: {  	[sflag:s23] =	ssyncset.done $0x0  }
0x52: {  	[sflag:s23] =	ssyncadd.s32 $0xFFFFC000  }
0x53: {  	_ =	swait.ge [sflag:s23], $0x4000  }
0x54: {  	s26 =	simm.s32 $0x400;
	s28 =	simm.s32 $0x800;
	[sflag:s23] =	ssyncset.done $0x0  }
.LBB2_4:
0x55: {  	s29 =	sshra.s32 s26, $0x2  }
0x56: {  	[sflag:s23] =	ssyncadd.s32 $0xFFFFC000;
	s26 =	smov.u32 s28;
	s30 =	sadd.s32 $0x400, s28  }
0x57: {  	[tilespmem:s17], [sflag:$0x1] =	stream.indirect.gather [hbm4b:s1+s21], $0x80, s29, s21, $0xb8;
	[tilespmem:$0x1F880] =	vst v63  }
0x58: {  	p0 =	sne.s32 s28, $0x4C00;
	s28 =	sadd.s32 $0x80, s29  }
0x59: {  	[tilespmem:s22], [sflag:$0x1] =	stream.indirect.gather [hbm4b:s1+s21], $0x80, s28, s21, $0xb8;
	[tilespmem:$0x1F880] =	vst v63  }
0x5a: {  	_ =	swait.ge [sflag:s16], $0x4000  }
0x5b: {  	[sflag:s16] =	ssyncset.done $0x0  }
0x5c: {  	s28 =	sadd.s32 $0x2880, s29;
	[sflag:s16] =	ssyncadd.s32 $0xFFFFC000  }
0x5d: {  	[spmem:s3] =	stream.indirect.scatter.add.f32 [tilespmem:s17], [sflag:$0x2], $0x80, s28, s21, $0xb8;
	[tilespmem:$0x1F880] =	vst v63  }
0x5e: {  	_ =	swait.ge [sflag:s16], $0x4000  }
0x5f: {  	[sflag:s16] =	ssyncset.done $0x0  }
0x60: {  	s28 =	sadd.s32 $0x2900, s29;
	[sflag:s16] =	ssyncadd.s32 $0xFFFFC000  }
0x61: {  	[spmem:s3] =	stream.indirect.scatter.add.f32 [tilespmem:s22], [sflag:$0x2], $0x80, s28, s21, $0xb8;
	[tilespmem:$0x1F880] =	vst v63  }
.Ltmp1:
0x62: {  	_ =	swait.ge [sflag:s23], $0x4000;
	(pc) =	sbr.rel @p0 .LBB2_4-.Ltmp1, $4  }
0x63: {  	[sflag:s23] =	ssyncset.done $0x0  }
0x64: {  	[sflag:s23] =	ssyncadd.s32 $0xFFFFC000  }
0x65: {  	_ =	swait.ge [sflag:s23], $0x4000  }
0x66: {  	s28 =	smov.u32 s30;
	[sflag:s23] =	ssyncset.done $0x0  }
0x67: {  	s26 =	sshra.s32 s26, $0x2;
	[sflag:s23] =	ssyncadd.s32 $0xFFFFC000  }
0x68: {  	[tilespmem:s17], [sflag:$0x1] =	stream.indirect.gather [hbm4b:s1+s21], $0x80, s26, s21, $0xb8;
	[tilespmem:$0x1F880] =	vst v63  }
0x69: {  	s28 =	sadd.s32 $0x80, s26  }
0x6a: {  	[tilespmem:s22], [sflag:$0x1] =	stream.indirect.gather [hbm4b:s1+s21], $0x80, s28, s21, $0xb8;
	[tilespmem:$0x1F880] =	vst v63  }
0x6b: {  	_ =	swait.ge [sflag:s16], $0x4000  }
0x6c: {  	[sflag:s16] =	ssyncset.done $0x0  }
0x6d: {  	s28 =	sadd.s32 $0x2880, s26;
	[sflag:s16] =	ssyncadd.s32 $0xFFFFC000  }
0x6e: {  	[spmem:s3] =	stream.indirect.scatter.add.f32 [tilespmem:s17], [sflag:$0x2], $0x80, s28, s21, $0xb8;
	[tilespmem:$0x1F880] =	vst v63  }
0x6f: {  	_ =	swait.ge [sflag:s16], $0x4000  }
0x70: {  	[sflag:s16] =	ssyncset.done $0x0  }
0x71: {  	s26 =	sadd.s32 $0x2900, s26;
	[sflag:s16] =	ssyncadd.s32 $0xFFFFC000  }
0x72: {  	[spmem:s3] =	stream.indirect.scatter.add.f32 [tilespmem:s22], [sflag:$0x2], $0x80, s26, s21, $0xb8;
	[tilespmem:$0x1F880] =	vst v63  }
0x73: {  	_ =	swait.ge [sflag:s23], $0x4000  }
0x74: {  	[sflag:s23] =	ssyncset.done $0x0  }
0x75: {  	[sflag:s23] =	ssyncadd.s32 $0xFFFFC000  }
0x76: {  	_ =	swait.ge [sflag:s23], $0x4000  }
0x77: {  	[sflag:s23] =	ssyncset.done $0x0  }
0x78: {  	[sflag:s23] =	ssyncadd.s32 $0xFFFFC000  }
0x79: {  	[tilespmem:s20], [sflag:$0x1] =	stream.indirect.gather [hbm4b:s6+s19], $0x80, s24, s19, $0xb8;
	[tilespmem:$0x1F880] =	vst v63  }
0x7a: {  	_ =	swait.ge [sflag:s16], $0x1400  }
0x7b: {  	[sflag:s16] =	ssyncset.done $0x0  }
0x7c: {  	s31 =	simm.s32 $0x1400;
	[sflag:s16] =	ssyncadd.s32 $0xFFFFEC00  }
0x7d: {  	[tilespmem:s17], [sflag:$0x1] =	stream.indirect.gather [hbm4b:s1+s21], $0x80, s31, s21, $0xb8;
	[tilespmem:$0x1F880] =	vst v63  }
0x7e: {  	s29 =	simm.s32 $0x1480  }
0x7f: {  	[tilespmem:s22], [sflag:$0x1] =	stream.indirect.gather [hbm4b:s1+s21], $0x80, s29, s21, $0xb8;
	[tilespmem:$0x1F880] =	vst v63  }
0x80: {  	_ =	swait.ge [sflag:s16], $0x4000  }
0x81: {  	[sflag:s16] =	ssyncset.done $0x0  }
0x82: {  	s30 =	simm.s32 $0x2880;
	[sflag:s16] =	ssyncadd.s32 $0xFFFFC000  }
0x83: {  	[spmem:s3] =	stream.indirect.scatter.add.f32 [tilespmem:s17], [sflag:$0x2], $0x80, s30, s21, $0xb8;
	[tilespmem:$0x1F880] =	vst v63  }
0x84: {  	_ =	swait.ge [sflag:s16], $0x4000  }
0x85: {  	[sflag:s16] =	ssyncset.done $0x0  }
0x86: {  	s31 =	simm.s32 $0x2900;
	[sflag:s16] =	ssyncadd.s32 $0xFFFFC000  }
0x87: {  	[spmem:s3] =	stream.indirect.scatter.add.f32 [tilespmem:s22], [sflag:$0x2], $0x80, s31, s21, $0xb8;
	[tilespmem:$0x1F880] =	vst v63  }
0x88: {  	_ =	swait.ge [sflag:s23], $0x4000  }
0x89: {  	[sflag:s23] =	ssyncset.done $0x0  }
0x8a: {  	[sflag:s23] =	ssyncadd.s32 $0xFFFFC000  }
0x8b: {  	_ =	swait.ge [sflag:s23], $0x4000  }
0x8c: {  	s28 =	simm.s32 $0x800;
	s26 =	simm.s32 $0x100;
	[sflag:s23] =	ssyncset.done $0x0  }
.LBB2_6:
0x8d: {  	s29 =	sadd.s32 $0x1400, s26  }
0x8e: {  	[sflag:s23] =	ssyncadd.s32 $0xFFFFC000;
	s30 =	smov.u32 s28;
	s31 =	sadd.s32 $0x400, s28  }
0x8f: {  	[tilespmem:s17], [sflag:$0x1] =	stream.indirect.gather [hbm4b:s1+s21], $0x80, s29, s21, $0xb8;
	[tilespmem:$0x1F880] =	vst v63  }
0x90: {  	p0 =	sne.s32 s28, $0x4C00;
	s28 =	sadd.s32 $0x1480, s26  }
0x91: {  	[tilespmem:s22], [sflag:$0x1] =	stream.indirect.gather [hbm4b:s1+s21], $0x80, s28, s21, $0xb8;
	[tilespmem:$0x1F880] =	vst v63  }
0x92: {  	_ =	swait.ge [sflag:s16], $0x4000  }
0x93: {  	[sflag:s16] =	ssyncset.done $0x0  }
0x94: {  	s28 =	sadd.s32 $0x2880, s26;
	[sflag:s16] =	ssyncadd.s32 $0xFFFFC000  }
0x95: {  	[spmem:s3] =	stream.indirect.scatter.add.f32 [tilespmem:s17], [sflag:$0x2], $0x80, s28, s21, $0xb8;
	[tilespmem:$0x1F880] =	vst v63  }
0x96: {  	_ =	swait.ge [sflag:s16], $0x4000  }
0x97: {  	[sflag:s16] =	ssyncset.done $0x0  }
0x98: {  	s26 =	sadd.s32 $0x2900, s26;
	[sflag:s16] =	ssyncadd.s32 $0xFFFFC000  }
0x99: {  	[spmem:s3] =	stream.indirect.scatter.add.f32 [tilespmem:s22], [sflag:$0x2], $0x80, s26, s21, $0xb8;
	[tilespmem:$0x1F880] =	vst v63  }
.Ltmp2:
0x9a: {  	_ =	swait.ge [sflag:s23], $0x4000;
	(pc) =	sbr.rel @p0 .LBB2_6-.Ltmp2, $4  }
0x9b: {  	[sflag:s23] =	ssyncset.done $0x0  }
0x9c: {  	[sflag:s23] =	ssyncadd.s32 $0xFFFFC000  }
0x9d: {  	_ =	swait.ge [sflag:s23], $0x4000  }
0x9e: {  	s28 =	smov.u32 s31;
	s26 =	sshra.s32 s30, $0x2;
	[sflag:s23] =	ssyncset.done $0x0  }
0x9f: {  	s28 =	sadd.s32 $0x1400, s26;
	[sflag:s23] =	ssyncadd.s32 $0xFFFFC000  }
0xa0: {  	[tilespmem:s17], [sflag:$0x1] =	stream.indirect.gather [hbm4b:s1+s21], $0x80, s28, s21, $0xb8;
	[tilespmem:$0x1F880] =	vst v63  }
0xa1: {  	s30 =	sadd.s32 $0x1480, s26  }
0xa2: {  	[tilespmem:s22], [sflag:$0x1] =	stream.indirect.gather [hbm4b:s1+s21], $0x80, s30, s21, $0xb8;
	[tilespmem:$0x1F880] =	vst v63  }
0xa3: {  	_ =	swait.ge [sflag:s16], $0x4000  }
0xa4: {  	[sflag:s16] =	ssyncset.done $0x0  }
0xa5: {  	s31 =	sadd.s32 $0x2880, s26;
	[sflag:s16] =	ssyncadd.s32 $0xFFFFC000  }
0xa6: {  	[spmem:s3] =	stream.indirect.scatter.add.f32 [tilespmem:s17], [sflag:$0x2], $0x80, s31, s21, $0xb8;
	[tilespmem:$0x1F880] =	vst v63  }
0xa7: {  	_ =	swait.ge [sflag:s16], $0x4000  }
0xa8: {  	[sflag:s16] =	ssyncset.done $0x0  }
0xa9: {  	s29 =	sadd.s32 $0x2900, s26;
	[sflag:s16] =	ssyncadd.s32 $0xFFFFC000  }
0xaa: {  	[spmem:s3] =	stream.indirect.scatter.add.f32 [tilespmem:s22], [sflag:$0x2], $0x80, s29, s21, $0xb8;
	[tilespmem:$0x1F880] =	vst v63  }
0xab: {  	_ =	swait.ge [sflag:s23], $0x4000  }
0xac: {  	[sflag:s23] =	ssyncset.done $0x0  }
0xad: {  	[sflag:s23] =	ssyncadd.s32 $0xFFFFC000  }
0xae: {  	_ =	swait.ge [sflag:s23], $0x4000  }
0xaf: {  	s25 =	sadd.s32 $0x1, s25;
	s30 =	sshll.u32 s0, $0x6;
	[sflag:s23] =	ssyncset.done $0x0  }
0xb0: {  	p0 =	sne.s32 s25, s13;
	s26 =	sor.u32 $0x1C03, s30;
	[sflag:s23] =	ssyncadd.s32 $0xFFFFC000  }
.Ltmp3:
0xb1: {  	s31 =	sshrl.u32 s7, $0x3;
	[bflag:$0x0] =	sbarrier.arrive $0xFFFF;
	(pc) =	sbr.rel @p0 .LBB2_1-.Ltmp3, $4  }
0xb2: {  	[hbm:s12], [sflag:s26] =	dma.local [spmem:s31], $0x2780  }
0xb3: {  	_ =	swait.ge [sflag:s18], $0x2780  }
0xb4: {  	[sflag:s18] =	ssyncset.done $0x0  }
0xb5: {  	[sflag:s18] =	ssyncadd.s32 $0xFFFFD880  }
0xb6: {  	_ =	sfence.sel $0x180000  }
0xb7: {  	[bflag:$0x0] =	sbarrier.arrive $0xFFFF  }
0xb8: {  	p0 =	sne.s32 s0, $0x0;
	_ =	strace $0x90000050  }
0xb9: {  	s0 =	sadd.s32 @!p0 $0x100000, s2;
	[bflag:$0x2] =	sbarrier.arrive $0xFFFF  }
0xba: {  	[sflag:s0] =	ssyncadd.tile.s32 @!p0 $0x1;
	_ =	shalt  }
.Lfunc_end2:
_tile_overlayer_lowered:
.L_overlay_start_2:
0xbb: {  	(tag) =	ssettag $0x2  }
0xbc: {  	s0 =	rddreg [dreg:$0x0];
	s2 =	stileid.u32  }
0xbd: {  	s1 =	rddreg [dreg:$0x1];
	p0 =	sne.s32 s2, $0x0  }
0xbe: {  	s3 =	rddreg [dreg:$0x2];
	[bflag:$0x3] =	sbarrier.arrive $0xFFFF;
	s2 =	simm.s32 @!p0 $0x1C03  }
0xbf: {  	[timem:s3], [sflag:s2] =	dma.local @!p0 [hbm:s0], s1  }
0xc0: {  	s0 =	simm.s32 @!p0 $0x3  }
0xc1: {  	_ =	swait.ge @!p0 [sflag:s0], s1  }
0xc2: {  	s1 =	ssub.s32 @!p0 $0x0, s1;
	[sflag:s0] =	ssyncset.done @!p0 $0x0  }
0xc3: {  	[sflag:s0] =	ssyncadd.s32 @!p0 s1  }
0xc4: {  	[bflag:$0x3] =	sbarrier.arrive $0xFFFF  }
0xc5: {  	_ =	shalt  }

// kernel: kernel.17.cloned.1.call-start
scs
__scs_entry_jumppad:
0x0: {  	(pc) =	sbr.rel $0x88, $3  }
0x1: {  	(tag) =	ssettag $0x0;
	lr =	simm.s32 $0x1  }
0x2: {  	[smem:$0x3F99] =	sst lr;
	_ =	strace $0xD0000000  }
0x3: {  	_ = 	snop  }
0x4: {  	_ = 	snop  }
0x5: {  	_ = 	snop  }
0x6: {  	_ = 	snop  }
0x7: {  	_ = 	snop  }
__scs_overlays_trampoline_lowered:
0x8: {  	[smem:$0x3FA8] =	sst s0  }
0x9: {  	[smem:$0x3FA9] =	sst s1  }
0xa: {  	[smem:$0x3FAA] =	sst s2  }
0xb: {  	[smem:$0x3FAB] =	sst s3  }
0xc: {  	[smem:$0x3FAC] =	sst s4  }
0xd: {  	[smem:$0x3FAD] =	sst s5  }
0xe: {  	[smem:$0x3FAE] =	sst s6  }
0xf: {  	[smem:$0x3FAF] =	sst s7  }
0x10: {  	[smem:$0x3FB0] =	sst s8  }
0x11: {  	[smem:$0x3FB1] =	sst s9;
	s0 =	simm.s32 @!p0 $0x0  }
0x12: {  	s1 =	sld [smem:$0x3F97];
	s0 =	simm.s32 @p0 $0x1  }
0x13: {  	[smem:$0x3FB2] =	sst s0;
	s0 =	simm.s32 @!p1 $0x0  }
0x14: {  	s2 =	sld [smem:$0x3F96];
	s0 =	simm.s32 @p1 $0x1  }
0x15: {  	[smem:$0x3FB3] =	sst s0;
	s0 =	simm.s32 @!p2 $0x0  }
0x16: {  	s3 =	sld [smem:$0x3FDB];
	s0 =	simm.s32 @p2 $0x1  }
0x17: {  	s4 =	simm.s32 $0x1BF5;
	[smem:$0x3FB5] =	sst s0  }
0x18: {  	s0 =	sld [smem:$0x3F98];
	_ =	swait.ge [sflag:s4], $0x0  }
0x19: {  	s7 =	sld [smem:$0x3F99]  }
0x1a: {  	s8 =	sadd.s32 $0xFFFFE003, lr  }
0x1b: {  	s9 =	sadd.s32 $0xFFFFFEF7, lr;
	s5 =	simm.s32 $0xFFFFFFFF;
	p2 =	slt.u32 s8, $0xFFFFF086  }
0x1c: {  	p1 =	slt.u32 s9, $0xF7A;
	s5 =	simm.s32 @!p2 $0x0  }
0x1d: {  	s5 =	simm.s32 @p1 $0x1;
	p0 =	seq.s32 s7, s2  }
0x1e: {  	s7 =	smul.u32 @!p0 $0xF7A, s2;
	p2 =	seq.s32 @!p0 s5, $0x0  }
0x1f: {  	s9 =	smul.u32 $0xF7A, s1;
	s8 =	simm.s32 @!p0 $0x1BF5;
	p2 =	por !p2, p0  }
0x20: {  	[sflag:s8] =	ssyncset.s32 @!p0 $0xFFFFF086;
	s6 =	sadd.s32 @!p0 s3, s7;
	s7 =	simm.s32 @!p0 $0x108  }
0x21: {  	s3 =	sadd.s32 s3, s9;
	s6 =	sadd.s32 @!p0 $0x88, s6;
	s7 =	simm.s32 @p2 $0x1082  }
0x22: {  	[simem:s7], [sflag:s8] =	dma.local @!p0 [hbm:s6], $0xF7A  }
0x23: {  	s9 =	sor.u32 $0xD0000000, s2;
	s6 =	simm.s32 $0x108;
	_ =	swait.ge @!p0 [sflag:s8], $0x0  }
0x24: {  	s3 =	sadd.s32 $0x88, s3;
	s6 =	simm.s32 @!p1 $0x1082;
	[sflag:s4] =	ssyncset.s32 $0xFFFFF086  }
0x25: {  	[simem:s6], [sflag:s4] =	dma.local [hbm:s3], $0xF7A  }
0x26: {  	[smem:$0x3F99] =	sst s1;
	(tag) =	ssettag s2;
	_ =	strace s9  }
0x27: {  	s1 =	sld [smem:$0x3FA9]  }
0x28: {  	s2 =	sld [smem:$0x3FAA]  }
0x29: {  	s4 =	sld [smem:$0x3FAC]  }
0x2a: {  	p0 =	seq.s32 s5, $0x0;
	s5 =	sld [smem:$0x3FAD]  }
0x2b: {  	s6 =	sld [smem:$0x3FAE]  }
0x2c: {  	s7 =	sld [smem:$0x3FAF]  }
0x2d: {  	s3 =	simm.s32 $0x108;
	s8 =	sld [smem:$0x3FB0]  }
0x2e: {  	s3 =	simm.s32 @!p0 $0x1082;
	s9 =	sld [smem:$0x3FB1]  }
0x2f: {  	lr =	sadd.s32 s0, s3;
	s0 =	sld [smem:$0x3FA8]  }
0x30: {  	s3 =	sld [smem:$0x3FAB]  }
0x31: {  	[smem:$0x3FB4] =	sst s10  }
0x32: {  	s10 =	sld [smem:$0x3FB2];
	_ =	sdelay $0x3  }
0x33: {  	p0 =	seq.s32 s10, $0x1;
	s10 =	sld [smem:$0x3FB4];
	_ =	sdelay $0x3  }
0x34: {  	[smem:$0x3FB4] =	sst s10  }
0x35: {  	s10 =	sld [smem:$0x3FB3];
	_ =	sdelay $0x3  }
0x36: {  	p1 =	seq.s32 s10, $0x1;
	s10 =	sld [smem:$0x3FB4];
	_ =	sdelay $0x3  }
0x37: {  	[smem:$0x3FB4] =	sst s10  }
0x38: {  	s10 =	sld [smem:$0x3FB5]  }
0x39: {  	_ = 	snop;
	(pc) =	sbr.ind lr, $3  }
0x3a: {  	_ = 	snop  }
0x3b: {  	_ = 	snop  }
0x3c: {  	p2 =	seq.s32 s10, $0x1;
	s10 =	sld [smem:$0x3FB4]  }
0x3d: {  	_ =	shalt  }
0x3e: {  	_ =	shalt  }
0x3f: {  	_ =	shalt  }
0x40: {  	_ =	shalt  }
0x41: {  	_ =	shalt  }
0x42: {  	_ =	shalt  }
0x43: {  	_ =	shalt  }
0x44: {  	_ =	shalt  }
0x45: {  	_ =	shalt  }
0x46: {  	_ =	shalt  }
0x47: {  	_ =	shalt  }
0x48: {  	_ =	shalt  }
0x49: {  	_ =	shalt  }
0x4a: {  	_ =	shalt  }
0x4b: {  	_ =	shalt  }
0x4c: {  	_ =	shalt  }
0x4d: {  	_ =	shalt  }
0x4e: {  	_ =	shalt  }
0x4f: {  	_ =	shalt  }
0x50: {  	_ =	shalt  }
0x51: {  	_ =	shalt  }
0x52: {  	_ =	shalt  }
0x53: {  	_ =	shalt  }
0x54: {  	_ =	shalt  }
0x55: {  	_ =	shalt  }
0x56: {  	_ =	shalt  }
0x57: {  	_ =	shalt  }
0x58: {  	_ =	shalt  }
0x59: {  	_ =	shalt  }
0x5a: {  	_ =	shalt  }
0x5b: {  	_ =	shalt  }
0x5c: {  	_ =	shalt  }
0x5d: {  	_ =	shalt  }
0x5e: {  	_ =	shalt  }
0x5f: {  	_ =	shalt  }
0x60: {  	_ =	shalt  }
0x61: {  	_ =	shalt  }
0x62: {  	_ =	shalt  }
0x63: {  	_ =	shalt  }
0x64: {  	_ =	shalt  }
0x65: {  	_ =	shalt  }
0x66: {  	_ =	shalt  }
0x67: {  	_ =	shalt  }
0x68: {  	_ =	shalt  }
0x69: {  	_ =	shalt  }
0x6a: {  	_ =	shalt  }
0x6b: {  	_ =	shalt  }
0x6c: {  	_ =	shalt  }
0x6d: {  	_ =	shalt  }
0x6e: {  	_ =	shalt  }
0x6f: {  	_ =	shalt  }
0x70: {  	_ =	shalt  }
0x71: {  	_ =	shalt  }
0x72: {  	_ =	shalt  }
0x73: {  	_ =	shalt  }
0x74: {  	_ =	shalt  }
0x75: {  	_ =	shalt  }
0x76: {  	_ =	shalt  }
0x77: {  	_ =	shalt  }
0x78: {  	_ =	shalt  }
0x79: {  	_ =	shalt  }
0x7a: {  	_ =	shalt  }
0x7b: {  	_ =	shalt  }
0x7c: {  	_ =	shalt  }
0x7d: {  	_ =	shalt  }
0x7e: {  	_ =	shalt  }
0x7f: {  	_ =	shalt  }
0x80: {  	_ =	shalt  }
0x81: {  	_ =	shalt  }
0x82: {  	_ =	shalt  }
0x83: {  	_ =	shalt  }
0x84: {  	_ =	shalt  }
0x85: {  	_ =	shalt  }
0x86: {  	_ =	shalt  }
0x87: {  	_ =	shalt  }
.Lfunc_end0:
.L_simem_size_0:
called_computation.3_lowered:
.L_overlay_start_0:
0x88: {  	s2 =	sld [smem:$0x3FD9]  }
0x89: {  	s3 =	sld [smem:$0x3FFE];
	_ =	sdelay $0x1  }
0x8a: {  	s1 =	srdreg.scid  }
0x8b: {  	s0 =	sand.u32 $0x1, s1  }
0x8c: {  	s17 =	sshll.u32 s0, $0xA;
	s2 =	sadd.s32 s3, s2  }
0x8d: {  	s2 =	sadd.s32 s2, s17  }
0x8e: {  	[smem:$0x3FC0] =	sst s2  }
0x8f: {  	_ = 	snop  }
0x90: {  	s2 =	sld [smem:$0x3FD0];
	(tm) =	ssettm $0x1  }
0x91: {  	s18 =	sld [smem:$0x3FFB];
	_ =	sdelay $0x3  }
0x92: {  	_ =	strace s18  }
0x93: {  	s3 =	sld [smem:$0x3FFC];
	_ =	sdelay $0x3  }
0x94: {  	_ =	strace s3  }
0x95: {  	s3 =	sld [smem:$0x3FFD];
	_ =	sdelay $0x3  }
0x96: {  	_ =	strace s3  }
0x97: {  	_ =	strace $0x8FFFFFFF  }
0x98: {  	s19 =	sld [smem:$0x3FDB];
	_ =	sdelay $0x1  }
0x99: {  	s4 =	simm.s32 $_scs_section_size  }
0x9a: {  	s5 =	simm.s32 $_size__tile_overlayer_lowered;
	s6 =	simm.s32 $_tile_overlayer_lowered  }
0x9b: {  	s22 =	simm.s32 $0x1BFF;
	s21 =	sshll.u32 s6, $0x1;
	s3 =	sadd.s32 s4, s19  }
0x9c: {  	s7 =	simm.s32 $0x0;
	s20 =	sshll.u32 s5, $0x1;
	s5 =	sadd.s32 s21, s3  }
0x9d: {  	[timem:s7], [sflag:s22] =	dma.local [hbm:s5], s20  }
0x9e: {  	_ =	swait.ge [sflag:s22], s20  }
0x9f: {  	s4 =	ssub.s32 $0x0, s20;
	[sflag:s22] =	ssyncset.done $0x0  }
0xa0: {  	[sflag:s22] =	ssyncadd.s32 s4;
	_ =	sdelay $0x1  }
0xa1: {  	s23 =	simm.s32 $0x1B8B  }
0xa2: {  	_ =	swait.ge [sflag:s23], $0x1  }
0xa3: {  	[sflag:s23] =	ssyncset.done $0x0  }
0xa4: {  	s25 =	simm.s32 $0x1B8E;
	s24 =	sld [smem:$0x3FFE];
	[sflag:s23] =	ssyncadd.s32 $0xFFFFFFFF  }
0xa5: {  	s26 =	simm.s32 $execute0_lowered;
	[smem:$0x3FD2] =	sst s25  }
0xa6: {  	s5 =	sshll.u32 s26, $0x1;
	_ =	strace $0x8000004C;
	[dreg:$0x1] =	wrdreg $0xFFFFFFFF  }
0xa7: {  	s28 =	simm.s32 $_size_execute0_lowered;
	s3 =	sadd.s32 s3, s5;
	[dreg:$0x0] =	wrdreg $0x0  }
0xa8: {  	s5 =	sshll.u32 s28, $0x1;
	[dreg:$0x2] =	wrdreg s3  }
0xa9: {  	[dreg:$0x3] =	wrdreg s5  }
0xaa: {  	[dreg:$0x4] =	wrdreg $0xC0  }
0xab: {  	_ =	task [dreg:s7], $0x5FFFF  }
0xac: {  	[dreg:$0x1] =	wrdreg $0xFFFFFFFF  }
0xad: {  	[dreg:$0x0] =	wrdreg $0x60  }
0xae: {  	[dreg:$0x2] =	wrdreg s2  }
0xaf: {  	[dreg:$0x3] =	wrdreg s24  }
0xb0: {  	[dreg:$0x4] =	wrdreg $0xBC800  }
0xb1: {  	[dreg:$0x5] =	wrdreg $0xA  }
0xb2: {  	_ =	task.clear_ibuf [dreg:s7], $0x6FFFF;
	_ =	strace $0x9000004C  }
0xb3: {  	s29 =	simm.s32 $0xA;
	_ =	strace $0x8000004E  }
0xb4: {  	_ =	swait.ge [sflag:s29], $0x1  }
0xb5: {  	[sflag:s29] =	ssyncadd.s32 $0xFFFFFFFF  }
0xb6: {  	_ =	strace $0x9000004E  }
0xb7: {  	_ =	sfence  }
0xb8: {  	s30 =	sld [smem:$0x0];
	_ =	sdelay $0x2  }
0xb9: {  	s31 =	sshll.u32 s1, $0xD;
	s1 =	sshrl.u32 s1, $0x2  }
0xba: {  	s3 =	sand.u32 $0x4000, s31;
	s1 =	sadd.s32 s1, s30  }
0xbb: {  	s0 =	sor.u32 s3, s0;
	s1 =	sshll.u32 s1, $0x11  }
0xbc: {  	s0 =	sor.u32 s1, s0  }
0xbd: {  	s0 =	sadd.s32 $0x8F2B, s0  }
0xbe: {  	[sflag:s0] =	ssyncadd.remote.s32 $0x1  }
0xbf: {  	_ =	sfence.sel $0xFFFF  }
0xc0: {  	[dreg:$0x0] =	wrdreg $0xFFFFFFFF;
	(pc) =	sbr.abs _section_cstart, $3  }
0xc1: {  	[dreg:$0x1] =	wrdreg $0xFFFFFFFF  }
0xc2: {  	_ =	task.clear_ibuf [dreg:s7], $0x2FFFF;
	_ =	strace $0x9FFFFFFF  }
0xc3: {  	(tm) =	ssettm $0x7FFFFFFF  }
tec
execute0_lowered:
.L_overlay_start_1:
0x0: {  	(tag) =	ssettag $0x1  }
0x1: {  	s1 =	rddreg [dreg:$0x0]  }
0x2: {  	s7 =	rddreg [dreg:$0x1]  }
0x3: {  	s3 =	rddreg [dreg:$0x2]  }
0x4: {  	s0 =	srdreg.scid;
	s2 =	rddreg [dreg:$0x3];
	s4 =	simm.s32 $0x0  }
0x5: {  	s14 =	simm.s32 $0x50;
	s15 =	simm.s32 $0x2800;
	s16 =	simm.s32 $0x1  }
0x6: {  	s17 =	simm.s32 $0x3C80;
	s18 =	simm.s32 $0x3;
	s8 =	sand.u32 $0x1, s0  }
0x7: {  	s19 =	simm.s32 $0x28;
	s0 =	stileid.u32;
	s5 =	smul.u32 $0x13C000, s8  }
0x8: {  	s25 =	simm.s32 $0x0;
	[smem:$0x7FF] =	sst s4;
	s6 =	smul.u32 $0x13C00, s0  }
0x9: {  	s10 =	smul.u32 $0x4F000, s0;
	s30 =	ssub.s32 $0x2, s8;
	s31 =	sshll.u32 s0, $0x1  }
0xa: {  	_ =	strace $0x8000004D;
	s11 =	sshrl.u32 s30, $0x1;
	s8 =	sor.u32 s8, s31  }
0xb: {  	s5 =	sadd.s32 s6, s5;
	s6 =	sadd.s32 $0x3000, s7;
	s10 =	sshrl.u32 s10, $0x2  }
0xc: {  	s13 =	ssub.s32 s30, s11;
	s20 =	smul.u32 $0x50, s8;
	s9 =	sshrl.u32 s5, $0x3  }
0xd: {  	s5 =	sadd.s32 $0xB5000, s7;
	s13 =	smax.u32 s13, $0x1;
	s12 =	sadd.s32 s9, s7  }
0xe: {  	v4 =	vlaneseq.u32;
	s7 =	sadd.s32 s10, s3;
	s21 =	sadd.s32 $0x10, s20;
	s22 =	sadd.s32 $0x20, s20  }
0xf: {  	s23 =	sadd.s32 $0x30, s20;
	s24 =	sadd.s32 $0x40, s20;
	v0 =	vor.u32 s20, v4;
	s20 =	simm.s32 $0x2880  }
0x10: {  	s8 =	sadd.s32 $0x4000, s7;
	s9 =	sadd.s32 $0x8000, s7;
	s10 =	sadd.s32 $0xC000, s7  }
0x11: {  	v5 =	vimm.f32 $0.0e+00;
	s11 =	sadd.s32 $0x10000, s7;
	s12 =	sadd.s32 $0x17000, s12;
	v1 =	vor.u32 s21, v4;
	s21 =	simm.s32 $0x80  }
0x12: {  	v2 =	vor.u32 s22, v4;
	s22 =	simm.s32 $0x7C80;
	v3 =	vor.u32 s23, v4;
	v4 =	vor.u32 s24, v4;
	s23 =	simm.s32 $0x2;
	s24 =	simm.s32 $0x2828  }
.LBB2_1:
0x13: {  	[tilespmem:$0x2800] =	vst v0  }
0x14: {  	[tilespmem:$0x2810] =	vst v1  }
0x15: {  	[tilespmem:$0x2820] =	vst v2  }
0x16: {  	[tilespmem:$0x2830] =	vst v3  }
0x17: {  	[tilespmem:$0x2840] =	vst v4  }
0x18: {  	[tilespmem:s4], [sflag:$0x1] =	stream.indirect.gather [hbm4b:s5+s14], $0x80, s15, s14, $0xb8;
	[tilespmem:$0x1F880] =	vst v63  }
0x19: {  	_ =	swait.ge [sflag:s16], $0x2800  }
0x1a: {  	[sflag:s16] =	ssyncset.done $0x0  }
0x1b: {  	s26 =	simm.s32 $0x0;
	s28 =	simm.s32 $0x200;
	[sflag:s16] =	ssyncadd.s32 $0xFFFFD800  }
.LBB2_2:
0x1c: {  	p0 =	sne.s32 s28, $0xFE00;
	[tilespmem:s26+$0x3CF0] =	vst v5  }
0x1d: {  	[tilespmem:s26+$0x3C80] =	vst v5  }
0x1e: {  	[tilespmem:s26+$0x3C90] =	vst v5  }
.Ltmp0:
0x1f: {  	[tilespmem:s26+$0x3CA0] =	vst v5;
	(pc) =	sbr.rel @p0 .LBB2_2-.Ltmp0, $4  }
0x20: {  	[tilespmem:s26+$0x3CB0] =	vst v5  }
0x21: {  	[tilespmem:s26+$0x3CC0] =	vst v5  }
0x22: {  	[tilespmem:s26+$0x3CD0] =	vst v5  }
0x23: {  	[tilespmem:s26+$0x3CE0] =	vst v5;
	s26 =	sshra.s32 s28, $0x2;
	s28 =	sadd.s32 $0x200, s28  }
0x24: {  	[tilespmem:s26+$0x3CF0] =	vst v5  }
0x25: {  	[tilespmem:s26+$0x3C80] =	vst v5  }
0x26: {  	[tilespmem:s26+$0x3C90] =	vst v5  }
0x27: {  	[tilespmem:s26+$0x3CA0] =	vst v5  }
0x28: {  	[tilespmem:s26+$0x3CB0] =	vst v5  }
0x29: {  	[tilespmem:s26+$0x3CC0] =	vst v5  }
0x2a: {  	[tilespmem:s26+$0x3CD0] =	vst v5  }
0x2b: {  	[tilespmem:s26+$0x3CE0] =	vst v5  }
0x2c: {  	[spmem:s7] =	stream.linear.scatter [tilespmem:s17], [sflag:$0x3], $0x4000, $0x38;
	[tilespmem:$0x1F880] =	vst v63  }
0x2d: {  	_ =	swait.ge [sflag:s18], $0x4000  }
0x2e: {  	[sflag:s18] =	ssyncset.done $0x0  }
0x2f: {  	[sflag:s18] =	ssyncadd.s32 $0xFFFFC000  }
0x30: {  	[spmem:s8] =	stream.linear.scatter [tilespmem:s17], [sflag:$0x3], $0x4000, $0x38;
	[tilespmem:$0x1F880] =	vst v63  }
0x31: {  	_ =	swait.ge [sflag:s18], $0x4000  }
0x32: {  	[sflag:s18] =	ssyncset.done $0x0  }
0x33: {  	[sflag:s18] =	ssyncadd.s32 $0xFFFFC000  }
0x34: {  	[spmem:s9] =	stream.linear.scatter [tilespmem:s17], [sflag:$0x3], $0x4000, $0x38;
	[tilespmem:$0x1F880] =	vst v63  }
0x35: {  	_ =	swait.ge [sflag:s18], $0x4000  }
0x36: {  	[sflag:s18] =	ssyncset.done $0x0  }
0x37: {  	[sflag:s18] =	ssyncadd.s32 $0xFFFFC000  }
0x38: {  	[spmem:s10] =	stream.linear.scatter [tilespmem:s17], [sflag:$0x3], $0x4000, $0x38;
	[tilespmem:$0x1F880] =	vst v63  }
0x39: {  	_ =	swait.ge [sflag:s18], $0x4000  }
0x3a: {  	[sflag:s18] =	ssyncset.done $0x0  }
0x3b: {  	[sflag:s18] =	ssyncadd.s32 $0xFFFFC000  }
0x3c: {  	[spmem:s11] =	stream.linear.scatter [tilespmem:s17], [sflag:$0x3], $0x3C00, $0x38;
	[tilespmem:$0x1F880] =	vst v63  }
0x3d: {  	_ =	swait.ge [sflag:s18], $0x3C00  }
0x3e: {  	[sflag:s18] =	ssyncset.done $0x0  }
0x3f: {  	[sflag:s18] =	ssyncadd.s32 $0xFFFFC400  }
0x40: {  	[bflag:$0x0] =	sbarrier.arrive $0xFFFF  }
0x41: {  	[tilespmem:s20], [sflag:$0x1] =	stream.indirect.gather [hbm4b:s6+s19], $0x80, s15, s19, $0xb8;
	[tilespmem:$0x1F880] =	vst v63  }
0x42: {  	_ =	swait.ge [sflag:s16], $0x1400  }
0x43: {  	[sflag:s16] =	ssyncset.done $0x0  }
0x44: {  	s31 =	simm.s32 $0x0;
	[sflag:s16] =	ssyncadd.s32 $0xFFFFEC00  }
0x45: {  	[tilespmem:s17], [sflag:$0x1] =	stream.indirect.gather [hbm4b:s1+s21], $0x80, s31, s21, $0xb8;
	[tilespmem:$0x1F880] =	vst v63  }
0x46: {  	s29 =	simm.s32 $0x80  }
0x47: {  	[tilespmem:s22], [sflag:$0x1] =	stream.indirect.gather [hbm4b:s1+s21], $0x80, s29, s21, $0xb8;
	[tilespmem:$0x1F880] =	vst v63  }
0x48: {  	_ =	swait.ge [sflag:s16], $0x4000  }
0x49: {  	[sflag:s16] =	ssyncset.done $0x0  }
0x4a: {  	s30 =	simm.s32 $0x2880;
	[sflag:s16] =	ssyncadd.s32 $0xFFFFC000  }
0x4b: {  	[spmem:s3] =	stream.indirect.scatter.add.f32 [tilespmem:s17], [sflag:$0x2], $0x80, s30, s21, $0xb8;
	[tilespmem:$0x1F880] =	vst v63  }
0x4c: {  	_ =	swait.ge [sflag:s16], $0x4000  }
0x4d: {  	[sflag:s16] =	ssyncset.done $0x0  }
0x4e: {  	s31 =	simm.s32 $0x2900;
	[sflag:s16] =	ssyncadd.s32 $0xFFFFC000  }
0x4f: {  	[spmem:s3] =	stream.indirect.scatter.add.f32 [tilespmem:s22], [sflag:$0x2], $0x80, s31, s21, $0xb8;
	[tilespmem:$0x1F880] =	vst v63  }
0x50: {  	_ =	swait.ge [sflag:s23], $0x4000  }
0x51: {  	[sflag:s23] =	ssyncset.done $0x0  }
0x52: {  	[sflag:s23] =	ssyncadd.s32 $0xFFFFC000  }
0x53: {  	_ =	swait.ge [sflag:s23], $0x4000  }
0x54: {  	s26 =	simm.s32 $0x400;
	s28 =	simm.s32 $0x800;
	[sflag:s23] =	ssyncset.done $0x0  }
.LBB2_4:
0x55: {  	s29 =	sshra.s32 s26, $0x2  }
0x56: {  	[sflag:s23] =	ssyncadd.s32 $0xFFFFC000;
	s26 =	smov.u32 s28;
	s30 =	sadd.s32 $0x400, s28  }
0x57: {  	[tilespmem:s17], [sflag:$0x1] =	stream.indirect.gather [hbm4b:s1+s21], $0x80, s29, s21, $0xb8;
	[tilespmem:$0x1F880] =	vst v63  }
0x58: {  	p0 =	sne.s32 s28, $0x4C00;
	s28 =	sadd.s32 $0x80, s29  }
0x59: {  	[tilespmem:s22], [sflag:$0x1] =	stream.indirect.gather [hbm4b:s1+s21], $0x80, s28, s21, $0xb8;
	[tilespmem:$0x1F880] =	vst v63  }
0x5a: {  	_ =	swait.ge [sflag:s16], $0x4000  }
0x5b: {  	[sflag:s16] =	ssyncset.done $0x0  }
0x5c: {  	s28 =	sadd.s32 $0x2880, s29;
	[sflag:s16] =	ssyncadd.s32 $0xFFFFC000  }
0x5d: {  	[spmem:s3] =	stream.indirect.scatter.add.f32 [tilespmem:s17], [sflag:$0x2], $0x80, s28, s21, $0xb8;
	[tilespmem:$0x1F880] =	vst v63  }
0x5e: {  	_ =	swait.ge [sflag:s16], $0x4000  }
0x5f: {  	[sflag:s16] =	ssyncset.done $0x0  }
0x60: {  	s28 =	sadd.s32 $0x2900, s29;
	[sflag:s16] =	ssyncadd.s32 $0xFFFFC000  }
0x61: {  	[spmem:s3] =	stream.indirect.scatter.add.f32 [tilespmem:s22], [sflag:$0x2], $0x80, s28, s21, $0xb8;
	[tilespmem:$0x1F880] =	vst v63  }
.Ltmp1:
0x62: {  	_ =	swait.ge [sflag:s23], $0x4000;
	(pc) =	sbr.rel @p0 .LBB2_4-.Ltmp1, $4  }
0x63: {  	[sflag:s23] =	ssyncset.done $0x0  }
0x64: {  	[sflag:s23] =	ssyncadd.s32 $0xFFFFC000  }
0x65: {  	_ =	swait.ge [sflag:s23], $0x4000  }
0x66: {  	s28 =	smov.u32 s30;
	[sflag:s23] =	ssyncset.done $0x0  }
0x67: {  	s26 =	sshra.s32 s26, $0x2;
	[sflag:s23] =	ssyncadd.s32 $0xFFFFC000  }
0x68: {  	[tilespmem:s17], [sflag:$0x1] =	stream.indirect.gather [hbm4b:s1+s21], $0x80, s26, s21, $0xb8;
	[tilespmem:$0x1F880] =	vst v63  }
0x69: {  	s28 =	sadd.s32 $0x80, s26  }
0x6a: {  	[tilespmem:s22], [sflag:$0x1] =	stream.indirect.gather [hbm4b:s1+s21], $0x80, s28, s21, $0xb8;
	[tilespmem:$0x1F880] =	vst v63  }
0x6b: {  	_ =	swait.ge [sflag:s16], $0x4000  }
0x6c: {  	[sflag:s16] =	ssyncset.done $0x0  }
0x6d: {  	s28 =	sadd.s32 $0x2880, s26;
	[sflag:s16] =	ssyncadd.s32 $0xFFFFC000  }
0x6e: {  	[spmem:s3] =	stream.indirect.scatter.add.f32 [tilespmem:s17], [sflag:$0x2], $0x80, s28, s21, $0xb8;
	[tilespmem:$0x1F880] =	vst v63  }
0x6f: {  	_ =	swait.ge [sflag:s16], $0x4000  }
0x70: {  	[sflag:s16] =	ssyncset.done $0x0  }
0x71: {  	s26 =	sadd.s32 $0x2900, s26;
	[sflag:s16] =	ssyncadd.s32 $0xFFFFC000  }
0x72: {  	[spmem:s3] =	stream.indirect.scatter.add.f32 [tilespmem:s22], [sflag:$0x2], $0x80, s26, s21, $0xb8;
	[tilespmem:$0x1F880] =	vst v63  }
0x73: {  	_ =	swait.ge [sflag:s23], $0x4000  }
0x74: {  	[sflag:s23] =	ssyncset.done $0x0  }
0x75: {  	[sflag:s23] =	ssyncadd.s32 $0xFFFFC000  }
0x76: {  	_ =	swait.ge [sflag:s23], $0x4000  }
0x77: {  	[sflag:s23] =	ssyncset.done $0x0  }
0x78: {  	[sflag:s23] =	ssyncadd.s32 $0xFFFFC000  }
0x79: {  	[tilespmem:s20], [sflag:$0x1] =	stream.indirect.gather [hbm4b:s6+s19], $0x80, s24, s19, $0xb8;
	[tilespmem:$0x1F880] =	vst v63  }
0x7a: {  	_ =	swait.ge [sflag:s16], $0x1400  }
0x7b: {  	[sflag:s16] =	ssyncset.done $0x0  }
0x7c: {  	s31 =	simm.s32 $0x1400;
	[sflag:s16] =	ssyncadd.s32 $0xFFFFEC00  }
0x7d: {  	[tilespmem:s17], [sflag:$0x1] =	stream.indirect.gather [hbm4b:s1+s21], $0x80, s31, s21, $0xb8;
	[tilespmem:$0x1F880] =	vst v63  }
0x7e: {  	s29 =	simm.s32 $0x1480  }
0x7f: {  	[tilespmem:s22], [sflag:$0x1] =	stream.indirect.gather [hbm4b:s1+s21], $0x80, s29, s21, $0xb8;
	[tilespmem:$0x1F880] =	vst v63  }
0x80: {  	_ =	swait.ge [sflag:s16], $0x4000  }
0x81: {  	[sflag:s16] =	ssyncset.done $0x0  }
0x82: {  	s30 =	simm.s32 $0x2880;
	[sflag:s16] =	ssyncadd.s32 $0xFFFFC000  }
0x83: {  	[spmem:s3] =	stream.indirect.scatter.add.f32 [tilespmem:s17], [sflag:$0x2], $0x80, s30, s21, $0xb8;
	[tilespmem:$0x1F880] =	vst v63  }
0x84: {  	_ =	swait.ge [sflag:s16], $0x4000  }
0x85: {  	[sflag:s16] =	ssyncset.done $0x0  }
0x86: {  	s31 =	simm.s32 $0x2900;
	[sflag:s16] =	ssyncadd.s32 $0xFFFFC000  }
0x87: {  	[spmem:s3] =	stream.indirect.scatter.add.f32 [tilespmem:s22], [sflag:$0x2], $0x80, s31, s21, $0xb8;
	[tilespmem:$0x1F880] =	vst v63  }
0x88: {  	_ =	swait.ge [sflag:s23], $0x4000  }
0x89: {  	[sflag:s23] =	ssyncset.done $0x0  }
0x8a: {  	[sflag:s23] =	ssyncadd.s32 $0xFFFFC000  }
0x8b: {  	_ =	swait.ge [sflag:s23], $0x4000  }
0x8c: {  	s28 =	simm.s32 $0x800;
	s26 =	simm.s32 $0x100;
	[sflag:s23] =	ssyncset.done $0x0  }
.LBB2_6:
0x8d: {  	s29 =	sadd.s32 $0x1400, s26  }
0x8e: {  	[sflag:s23] =	ssyncadd.s32 $0xFFFFC000;
	s30 =	smov.u32 s28;
	s31 =	sadd.s32 $0x400, s28  }
0x8f: {  	[tilespmem:s17], [sflag:$0x1] =	stream.indirect.gather [hbm4b:s1+s21], $0x80, s29, s21, $0xb8;
	[tilespmem:$0x1F880] =	vst v63  }
0x90: {  	p0 =	sne.s32 s28, $0x4C00;
	s28 =	sadd.s32 $0x1480, s26  }
0x91: {  	[tilespmem:s22], [sflag:$0x1] =	stream.indirect.gather [hbm4b:s1+s21], $0x80, s28, s21, $0xb8;
	[tilespmem:$0x1F880] =	vst v63  }
0x92: {  	_ =	swait.ge [sflag:s16], $0x4000  }
0x93: {  	[sflag:s16] =	ssyncset.done $0x0  }
0x94: {  	s28 =	sadd.s32 $0x2880, s26;
	[sflag:s16] =	ssyncadd.s32 $0xFFFFC000  }
0x95: {  	[spmem:s3] =	stream.indirect.scatter.add.f32 [tilespmem:s17], [sflag:$0x2], $0x80, s28, s21, $0xb8;
	[tilespmem:$0x1F880] =	vst v63  }
0x96: {  	_ =	swait.ge [sflag:s16], $0x4000  }
0x97: {  	[sflag:s16] =	ssyncset.done $0x0  }
0x98: {  	s26 =	sadd.s32 $0x2900, s26;
	[sflag:s16] =	ssyncadd.s32 $0xFFFFC000  }
0x99: {  	[spmem:s3] =	stream.indirect.scatter.add.f32 [tilespmem:s22], [sflag:$0x2], $0x80, s26, s21, $0xb8;
	[tilespmem:$0x1F880] =	vst v63  }
.Ltmp2:
0x9a: {  	_ =	swait.ge [sflag:s23], $0x4000;
	(pc) =	sbr.rel @p0 .LBB2_6-.Ltmp2, $4  }
0x9b: {  	[sflag:s23] =	ssyncset.done $0x0  }
0x9c: {  	[sflag:s23] =	ssyncadd.s32 $0xFFFFC000  }
0x9d: {  	_ =	swait.ge [sflag:s23], $0x4000  }
0x9e: {  	s28 =	smov.u32 s31;
	s26 =	sshra.s32 s30, $0x2;
	[sflag:s23] =	ssyncset.done $0x0  }
0x9f: {  	s28 =	sadd.s32 $0x1400, s26;
	[sflag:s23] =	ssyncadd.s32 $0xFFFFC000  }
0xa0: {  	[tilespmem:s17], [sflag:$0x1] =	stream.indirect.gather [hbm4b:s1+s21], $0x80, s28, s21, $0xb8;
	[tilespmem:$0x1F880] =	vst v63  }
0xa1: {  	s30 =	sadd.s32 $0x1480, s26  }
0xa2: {  	[tilespmem:s22], [sflag:$0x1] =	stream.indirect.gather [hbm4b:s1+s21], $0x80, s30, s21, $0xb8;
	[tilespmem:$0x1F880] =	vst v63  }
0xa3: {  	_ =	swait.ge [sflag:s16], $0x4000  }
0xa4: {  	[sflag:s16] =	ssyncset.done $0x0  }
0xa5: {  	s31 =	sadd.s32 $0x2880, s26;
	[sflag:s16] =	ssyncadd.s32 $0xFFFFC000  }
0xa6: {  	[spmem:s3] =	stream.indirect.scatter.add.f32 [tilespmem:s17], [sflag:$0x2], $0x80, s31, s21, $0xb8;
	[tilespmem:$0x1F880] =	vst v63  }
0xa7: {  	_ =	swait.ge [sflag:s16], $0x4000  }
0xa8: {  	[sflag:s16] =	ssyncset.done $0x0  }
0xa9: {  	s29 =	sadd.s32 $0x2900, s26;
	[sflag:s16] =	ssyncadd.s32 $0xFFFFC000  }
0xaa: {  	[spmem:s3] =	stream.indirect.scatter.add.f32 [tilespmem:s22], [sflag:$0x2], $0x80, s29, s21, $0xb8;
	[tilespmem:$0x1F880] =	vst v63  }
0xab: {  	_ =	swait.ge [sflag:s23], $0x4000  }
0xac: {  	[sflag:s23] =	ssyncset.done $0x0  }
0xad: {  	[sflag:s23] =	ssyncadd.s32 $0xFFFFC000  }
0xae: {  	_ =	swait.ge [sflag:s23], $0x4000  }
0xaf: {  	s25 =	sadd.s32 $0x1, s25;
	s30 =	sshll.u32 s0, $0x6;
	[sflag:s23] =	ssyncset.done $0x0  }
0xb0: {  	p0 =	sne.s32 s25, s13;
	s26 =	sor.u32 $0x1C03, s30;
	[sflag:s23] =	ssyncadd.s32 $0xFFFFC000  }
.Ltmp3:
0xb1: {  	s31 =	sshrl.u32 s7, $0x3;
	[bflag:$0x0] =	sbarrier.arrive $0xFFFF;
	(pc) =	sbr.rel @p0 .LBB2_1-.Ltmp3, $4  }
0xb2: {  	[hbm:s12], [sflag:s26] =	dma.local [spmem:s31], $0x2780  }
0xb3: {  	_ =	swait.ge [sflag:s18], $0x2780  }
0xb4: {  	[sflag:s18] =	ssyncset.done $0x0  }
0xb5: {  	[sflag:s18] =	ssyncadd.s32 $0xFFFFD880  }
0xb6: {  	_ =	sfence.sel $0x180000  }
0xb7: {  	[bflag:$0x0] =	sbarrier.arrive $0xFFFF  }
0xb8: {  	p0 =	sne.s32 s0, $0x0;
	_ =	strace $0x9000004D  }
0xb9: {  	s0 =	sadd.s32 @!p0 $0x100000, s2;
	[bflag:$0x2] =	sbarrier.arrive $0xFFFF  }
0xba: {  	[sflag:s0] =	ssyncadd.tile.s32 @!p0 $0x1;
	_ =	shalt  }
.Lfunc_end2:
_tile_overlayer_lowered:
.L_overlay_start_2:
0xbb: {  	(tag) =	ssettag $0x2  }
0xbc: {  	s0 =	rddreg [dreg:$0x0];
	s2 =	stileid.u32  }
0xbd: {  	s1 =	rddreg [dreg:$0x1];
	p0 =	sne.s32 s2, $0x0  }
0xbe: {  	s3 =	rddreg [dreg:$0x2];
	[bflag:$0x3] =	sbarrier.arrive $0xFFFF;
	s2 =	simm.s32 @!p0 $0x1C03  }
0xbf: {  	[timem:s3], [sflag:s2] =	dma.local @!p0 [hbm:s0], s1  }
0xc0: {  	s0 =	simm.s32 @!p0 $0x3  }
0xc1: {  	_ =	swait.ge @!p0 [sflag:s0], s1  }
0xc2: {  	s1 =	ssub.s32 @!p0 $0x0, s1;
	[sflag:s0] =	ssyncset.done @!p0 $0x0  }
0xc3: {  	[sflag:s0] =	ssyncadd.s32 @!p0 s1  }
0xc4: {  	[bflag:$0x3] =	sbarrier.arrive $0xFFFF  }
0xc5: {  	_ =	shalt  }

// kernel: kernel.8.cloned.1.call-start
scs
__scs_entry_jumppad:
0x0: {  	(pc) =	sbr.rel $0x88, $3  }
0x1: {  	(tag) =	ssettag $0x0;
	lr =	simm.s32 $0x1  }
0x2: {  	[smem:$0x3F99] =	sst lr;
	_ =	strace $0xD0000000  }
0x3: {  	_ = 	snop  }
0x4: {  	_ = 	snop  }
0x5: {  	_ = 	snop  }
0x6: {  	_ = 	snop  }
0x7: {  	_ = 	snop  }
__scs_overlays_trampoline_lowered:
0x8: {  	[smem:$0x3FA8] =	sst s0  }
0x9: {  	[smem:$0x3FA9] =	sst s1  }
0xa: {  	[smem:$0x3FAA] =	sst s2  }
0xb: {  	[smem:$0x3FAB] =	sst s3  }
0xc: {  	[smem:$0x3FAC] =	sst s4  }
0xd: {  	[smem:$0x3FAD] =	sst s5  }
0xe: {  	[smem:$0x3FAE] =	sst s6  }
0xf: {  	[smem:$0x3FAF] =	sst s7  }
0x10: {  	[smem:$0x3FB0] =	sst s8  }
0x11: {  	[smem:$0x3FB1] =	sst s9;
	s0 =	simm.s32 @!p0 $0x0  }
0x12: {  	s1 =	sld [smem:$0x3F97];
	s0 =	simm.s32 @p0 $0x1  }
0x13: {  	[smem:$0x3FB2] =	sst s0;
	s0 =	simm.s32 @!p1 $0x0  }
0x14: {  	s2 =	sld [smem:$0x3F96];
	s0 =	simm.s32 @p1 $0x1  }
0x15: {  	[smem:$0x3FB3] =	sst s0;
	s0 =	simm.s32 @!p2 $0x0  }
0x16: {  	s3 =	sld [smem:$0x3FDB];
	s0 =	simm.s32 @p2 $0x1  }
0x17: {  	s4 =	simm.s32 $0x1BF5;
	[smem:$0x3FB5] =	sst s0  }
0x18: {  	s0 =	sld [smem:$0x3F98];
	_ =	swait.ge [sflag:s4], $0x0  }
0x19: {  	s7 =	sld [smem:$0x3F99]  }
0x1a: {  	s8 =	sadd.s32 $0xFFFFE003, lr  }
0x1b: {  	s9 =	sadd.s32 $0xFFFFFEF7, lr;
	s5 =	simm.s32 $0xFFFFFFFF;
	p2 =	slt.u32 s8, $0xFFFFF086  }
0x1c: {  	p1 =	slt.u32 s9, $0xF7A;
	s5 =	simm.s32 @!p2 $0x0  }
0x1d: {  	s5 =	simm.s32 @p1 $0x1;
	p0 =	seq.s32 s7, s2  }
0x1e: {  	s7 =	smul.u32 @!p0 $0xF7A, s2;
	p2 =	seq.s32 @!p0 s5, $0x0  }
0x1f: {  	s9 =	smul.u32 $0xF7A, s1;
	s8 =	simm.s32 @!p0 $0x1BF5;
	p2 =	por !p2, p0  }
0x20: {  	[sflag:s8] =	ssyncset.s32 @!p0 $0xFFFFF086;
	s6 =	sadd.s32 @!p0 s3, s7;
	s7 =	simm.s32 @!p0 $0x108  }
0x21: {  	s3 =	sadd.s32 s3, s9;
	s6 =	sadd.s32 @!p0 $0x88, s6;
	s7 =	simm.s32 @p2 $0x1082  }
0x22: {  	[simem:s7], [sflag:s8] =	dma.local @!p0 [hbm:s6], $0xF7A  }
0x23: {  	s9 =	sor.u32 $0xD0000000, s2;
	s6 =	simm.s32 $0x108;
	_ =	swait.ge @!p0 [sflag:s8], $0x0  }
0x24: {  	s3 =	sadd.s32 $0x88, s3;
	s6 =	simm.s32 @!p1 $0x1082;
	[sflag:s4] =	ssyncset.s32 $0xFFFFF086  }
0x25: {  	[simem:s6], [sflag:s4] =	dma.local [hbm:s3], $0xF7A  }
0x26: {  	[smem:$0x3F99] =	sst s1;
	(tag) =	ssettag s2;
	_ =	strace s9  }
0x27: {  	s1 =	sld [smem:$0x3FA9]  }
0x28: {  	s2 =	sld [smem:$0x3FAA]  }
0x29: {  	s4 =	sld [smem:$0x3FAC]  }
0x2a: {  	p0 =	seq.s32 s5, $0x0;
	s5 =	sld [smem:$0x3FAD]  }
0x2b: {  	s6 =	sld [smem:$0x3FAE]  }
0x2c: {  	s7 =	sld [smem:$0x3FAF]  }
0x2d: {  	s3 =	simm.s32 $0x108;
	s8 =	sld [smem:$0x3FB0]  }
0x2e: {  	s3 =	simm.s32 @!p0 $0x1082;
	s9 =	sld [smem:$0x3FB1]  }
0x2f: {  	lr =	sadd.s32 s0, s3;
	s0 =	sld [smem:$0x3FA8]  }
0x30: {  	s3 =	sld [smem:$0x3FAB]  }
0x31: {  	[smem:$0x3FB4] =	sst s10  }
0x32: {  	s10 =	sld [smem:$0x3FB2];
	_ =	sdelay $0x3  }
0x33: {  	p0 =	seq.s32 s10, $0x1;
	s10 =	sld [smem:$0x3FB4];
	_ =	sdelay $0x3  }
0x34: {  	[smem:$0x3FB4] =	sst s10  }
0x35: {  	s10 =	sld [smem:$0x3FB3];
	_ =	sdelay $0x3  }
0x36: {  	p1 =	seq.s32 s10, $0x1;
	s10 =	sld [smem:$0x3FB4];
	_ =	sdelay $0x3  }
0x37: {  	[smem:$0x3FB4] =	sst s10  }
0x38: {  	s10 =	sld [smem:$0x3FB5]  }
0x39: {  	_ = 	snop;
	(pc) =	sbr.ind lr, $3  }
0x3a: {  	_ = 	snop  }
0x3b: {  	_ = 	snop  }
0x3c: {  	p2 =	seq.s32 s10, $0x1;
	s10 =	sld [smem:$0x3FB4]  }
0x3d: {  	_ =	shalt  }
0x3e: {  	_ =	shalt  }
0x3f: {  	_ =	shalt  }
0x40: {  	_ =	shalt  }
0x41: {  	_ =	shalt  }
0x42: {  	_ =	shalt  }
0x43: {  	_ =	shalt  }
0x44: {  	_ =	shalt  }
0x45: {  	_ =	shalt  }
0x46: {  	_ =	shalt  }
0x47: {  	_ =	shalt  }
0x48: {  	_ =	shalt  }
0x49: {  	_ =	shalt  }
0x4a: {  	_ =	shalt  }
0x4b: {  	_ =	shalt  }
0x4c: {  	_ =	shalt  }
0x4d: {  	_ =	shalt  }
0x4e: {  	_ =	shalt  }
0x4f: {  	_ =	shalt  }
0x50: {  	_ =	shalt  }
0x51: {  	_ =	shalt  }
0x52: {  	_ =	shalt  }
0x53: {  	_ =	shalt  }
0x54: {  	_ =	shalt  }
0x55: {  	_ =	shalt  }
0x56: {  	_ =	shalt  }
0x57: {  	_ =	shalt  }
0x58: {  	_ =	shalt  }
0x59: {  	_ =	shalt  }
0x5a: {  	_ =	shalt  }
0x5b: {  	_ =	shalt  }
0x5c: {  	_ =	shalt  }
0x5d: {  	_ =	shalt  }
0x5e: {  	_ =	shalt  }
0x5f: {  	_ =	shalt  }
0x60: {  	_ =	shalt  }
0x61: {  	_ =	shalt  }
0x62: {  	_ =	shalt  }
0x63: {  	_ =	shalt  }
0x64: {  	_ =	shalt  }
0x65: {  	_ =	shalt  }
0x66: {  	_ =	shalt  }
0x67: {  	_ =	shalt  }
0x68: {  	_ =	shalt  }
0x69: {  	_ =	shalt  }
0x6a: {  	_ =	shalt  }
0x6b: {  	_ =	shalt  }
0x6c: {  	_ =	shalt  }
0x6d: {  	_ =	shalt  }
0x6e: {  	_ =	shalt  }
0x6f: {  	_ =	shalt  }
0x70: {  	_ =	shalt  }
0x71: {  	_ =	shalt  }
0x72: {  	_ =	shalt  }
0x73: {  	_ =	shalt  }
0x74: {  	_ =	shalt  }
0x75: {  	_ =	shalt  }
0x76: {  	_ =	shalt  }
0x77: {  	_ =	shalt  }
0x78: {  	_ =	shalt  }
0x79: {  	_ =	shalt  }
0x7a: {  	_ =	shalt  }
0x7b: {  	_ =	shalt  }
0x7c: {  	_ =	shalt  }
0x7d: {  	_ =	shalt  }
0x7e: {  	_ =	shalt  }
0x7f: {  	_ =	shalt  }
0x80: {  	_ =	shalt  }
0x81: {  	_ =	shalt  }
0x82: {  	_ =	shalt  }
0x83: {  	_ =	shalt  }
0x84: {  	_ =	shalt  }
0x85: {  	_ =	shalt  }
0x86: {  	_ =	shalt  }
0x87: {  	_ =	shalt  }
.Lfunc_end0:
.L_simem_size_0:
called_computation_lowered:
.L_overlay_start_0:
0x88: {  	s2 =	sld [smem:$0x3FD9]  }
0x89: {  	s3 =	sld [smem:$0x3FFE];
	_ =	sdelay $0x1  }
0x8a: {  	s1 =	srdreg.scid  }
0x8b: {  	s0 =	sand.u32 $0x1, s1  }
0x8c: {  	s17 =	sshll.u32 s0, $0xA;
	s2 =	sadd.s32 s3, s2  }
0x8d: {  	s2 =	sadd.s32 s2, s17  }
0x8e: {  	[smem:$0x3FC0] =	sst s2  }
0x8f: {  	_ = 	snop  }
0x90: {  	(tm) =	ssettm $0x1  }
0x91: {  	s18 =	sld [smem:$0x3FFB];
	_ =	sdelay $0x3  }
0x92: {  	_ =	strace s18  }
0x93: {  	s2 =	sld [smem:$0x3FFC];
	_ =	sdelay $0x3  }
0x94: {  	_ =	strace s2  }
0x95: {  	s2 =	sld [smem:$0x3FFD];
	_ =	sdelay $0x3  }
0x96: {  	_ =	strace s2  }
0x97: {  	_ =	strace $0x8FFFFFFF  }
0x98: {  	s19 =	sld [smem:$0x3FDB];
	_ =	sdelay $0x1  }
0x99: {  	s20 =	simm.s32 $_scs_section_size  }
0x9a: {  	s4 =	simm.s32 $_size__tile_overlayer_lowered;
	s5 =	simm.s32 $_tile_overlayer_lowered  }
0x9b: {  	s6 =	simm.s32 $0x1BFF;
	s21 =	sshll.u32 s5, $0x1;
	s3 =	sadd.s32 s20, s19  }
0x9c: {  	s22 =	simm.s32 $0x0;
	s4 =	sshll.u32 s4, $0x1;
	s5 =	sadd.s32 s21, s3  }
0x9d: {  	[timem:s22], [sflag:s6] =	dma.local [hbm:s5], s4  }
0x9e: {  	_ =	swait.ge [sflag:s6], s4  }
0x9f: {  	s4 =	ssub.s32 $0x0, s4;
	[sflag:s6] =	ssyncset.done $0x0  }
0xa0: {  	[sflag:s6] =	ssyncadd.s32 s4;
	_ =	sdelay $0x1  }
0xa1: {  	s23 =	simm.s32 $0x1B8B  }
0xa2: {  	_ =	swait.ge [sflag:s23], $0x1  }
0xa3: {  	[sflag:s23] =	ssyncset.done $0x0  }
0xa4: {  	[sflag:s23] =	ssyncadd.s32 $0xFFFFFFFF  }
0xa5: {  	s4 =	sld [smem:$0x0]  }
0xa6: {  	s5 =	sand.u32 $0xFFFFFFFE, s1  }
0xa7: {  	p0 =	sne.s32 s1, s5  }
0xa8: {  	s5 =	sshll.u32 @p0 s5, $0xE  }
0xa9: {  	s5 =	sadd.s32 @p0 $0x11B8D, s5;
	s6 =	sshll.u32 @p0 s4, $0x11  }
0xaa: {  	s5 =	sor.u32 @p0 s6, s5  }
0xab: {  	[sflag:s5] =	ssyncadd.remote.s32 @p0 $0x1;
	_ =	sdelay $0x1  }
0xac: {  	s5 =	simm.s32 @p0 $0x1B8D  }
0xad: {  	_ =	swait.eq @p0 [sflag:s5], $0x1  }
0xae: {  	[sflag:s5] =	ssyncadd.s32 @p0 $0xFFFFFFFF  }
0xaf: {  	s6 =	sshll.u32 @!p0 s1, $0xE  }
0xb0: {  	s6 =	sor.u32 @!p0 $0x4000, s6;
	s5 =	simm.s32 @!p0 $0x1B8D  }
0xb1: {  	s4 =	sshll.u32 @!p0 s4, $0x11;
	s6 =	sadd.s32 @!p0 $0x11B8D, s6;
	_ =	swait.eq @!p0 [sflag:s5], $0x1  }
0xb2: {  	s4 =	sor.u32 @!p0 s4, s6;
	[sflag:s5] =	ssyncadd.s32 @!p0 $0xFFFFFFFF  }
0xb3: {  	s25 =	simm.s32 $0x1B8E;
	s24 =	sld [smem:$0x3FFE];
	[sflag:s4] =	ssyncadd.remote.s32 @!p0 $0x1  }
0xb4: {  	s26 =	simm.s32 $execute0_lowered;
	[smem:$0x3FD2] =	sst s25  }
0xb5: {  	s5 =	sshll.u32 s26, $0x1;
	_ =	strace $0x80000049;
	[dreg:$0x1] =	wrdreg $0xFFFFFFFF  }
0xb6: {  	s28 =	simm.s32 $_size_execute0_lowered;
	s3 =	sadd.s32 s3, s5;
	[dreg:$0x0] =	wrdreg $0x0  }
0xb7: {  	s5 =	sshll.u32 s28, $0x1;
	[dreg:$0x2] =	wrdreg s3  }
0xb8: {  	[dreg:$0x3] =	wrdreg s5  }
0xb9: {  	[dreg:$0x4] =	wrdreg $0xC0  }
0xba: {  	_ =	task [dreg:s22], $0x5FFFF  }
0xbb: {  	[dreg:$0x1] =	wrdreg $0xFFFFFFFF  }
0xbc: {  	[dreg:$0x0] =	wrdreg $0x60  }
0xbd: {  	[dreg:$0x2] =	wrdreg s24  }
0xbe: {  	[dreg:$0x3] =	wrdreg $0x54800  }
0xbf: {  	[dreg:$0x4] =	wrdreg $0x9  }
0xc0: {  	_ =	task.clear_ibuf [dreg:s22], $0x5FFFF;
	_ =	strace $0x90000049  }
0xc1: {  	s29 =	simm.s32 $0x9;
	_ =	strace $0x8000004B  }
0xc2: {  	_ =	swait.ge [sflag:s29], $0x1  }
0xc3: {  	[sflag:s29] =	ssyncadd.s32 $0xFFFFFFFF  }
0xc4: {  	_ =	strace $0x9000004B  }
0xc5: {  	_ =	sfence  }
0xc6: {  	s30 =	sld [smem:$0x0];
	_ =	sdelay $0x2  }
0xc7: {  	s31 =	sshll.u32 s1, $0xD;
	s1 =	sshrl.u32 s1, $0x2  }
0xc8: {  	s4 =	sand.u32 $0x4000, s31;
	s1 =	sadd.s32 s1, s30  }
0xc9: {  	s0 =	sor.u32 s4, s0;
	s1 =	sshll.u32 s1, $0x11  }
0xca: {  	s0 =	sor.u32 s1, s0  }
0xcb: {  	s0 =	sadd.s32 $0x8F2B, s0  }
0xcc: {  	[sflag:s0] =	ssyncadd.remote.s32 $0x1  }
0xcd: {  	_ =	sfence.sel $0xFFFF  }
0xce: {  	[dreg:$0x0] =	wrdreg $0xFFFFFFFF;
	(pc) =	sbr.abs _section_cstart, $3  }
0xcf: {  	[dreg:$0x1] =	wrdreg $0xFFFFFFFF  }
0xd0: {  	_ =	task.clear_ibuf [dreg:s22], $0x2FFFF;
	_ =	strace $0x9FFFFFFF  }
0xd1: {  	(tm) =	ssettm $0x7FFFFFFF  }
tec
execute0_lowered:
.L_overlay_start_1:
0x0: {  	(tag) =	ssettag $0x1  }
0x1: {  	s6 =	rddreg [dreg:$0x0]  }
0x2: {  	s0 =	srdreg.scid;
	s2 =	rddreg [dreg:$0x1]  }
0x3: {  	s1 =	rddreg [dreg:$0x2];
	s5 =	sand.u32 $0x1, s0  }
0x4: {  	s0 =	stileid.u32;
	s4 =	smul.u32 $0x13C000, s5  }
0x5: {  	s3 =	simm.s32 $0x0;
	s17 =	simm.s32 $0x2;
	s7 =	smul.u32 $0x13C00, s0  }
0x6: {  	[smem:$0x7FF] =	sst s3;
	s8 =	smul.u32 $0x4F000, s0;
	s30 =	ssub.s32 $0x2, s5  }
0x7: {  	_ =	strace $0x8000004A;
	s31 =	sshll.u32 s0, $0x1;
	s9 =	sshrl.u32 s30, $0x1  }
0x8: {  	s4 =	sadd.s32 s7, s4;
	s8 =	sshrl.u32 s8, $0x2;
	s11 =	ssub.s32 s30, s9  }
0x9: {  	s7 =	sshrl.u32 s4, $0x3;
	s4 =	sadd.s32 $0x3000, s6;
	s11 =	smax.u32 s11, $0x1  }
0xa: {  	s10 =	sadd.s32 s7, s6;
	s7 =	sor.u32 s5, s31;
	s5 =	sadd.s32 s8, s2  }
0xb: {  	s12 =	smul.u32 $0x50, s7;
	s6 =	sadd.s32 $0x4000, s5;
	s7 =	sadd.s32 $0x8000, s5  }
0xc: {  	s8 =	sadd.s32 $0xC000, s5;
	s9 =	sadd.s32 $0x10000, s5;
	s10 =	sadd.s32 $0x66000, s10  }
0xd: {  	v4 =	vlaneseq.u32;
	v5 =	vimm.f32 $0.0e+00;
	s13 =	sadd.s32 $0x10, s12;
	s14 =	sadd.s32 $0x20, s12;
	s15 =	sadd.s32 $0x30, s12  }
0xe: {  	v6 =	vimm.f32 $1.000000000e+00;
	v0 =	vor.u32 s12, v4;
	s16 =	sadd.s32 $0x40, s12;
	s12 =	simm.s32 $0x1480;
	v1 =	vor.u32 s13, v4;
	s13 =	simm.s32 $0x3  }
0xf: {  	v2 =	vor.u32 s14, v4;
	v3 =	vor.u32 s15, v4;
	s14 =	simm.s32 $0x28;
	v4 =	vor.u32 s16, v4;
	s15 =	simm.s32 $0x80;
	s16 =	simm.s32 $0x1  }
.LBB2_1:
0x10: {  	[tilespmem:$0x0] =	vst v0  }
0x11: {  	[tilespmem:$0x10] =	vst v1  }
0x12: {  	[tilespmem:$0x20] =	vst v2  }
0x13: {  	[tilespmem:$0x30] =	vst v3  }
0x14: {  	[tilespmem:$0x40] =	vst v4;
	s18 =	simm.s32 $0x0;
	s19 =	simm.s32 $0x200  }
.LBB2_2:
0x15: {  	p0 =	sne.s32 s19, $0xFE00;
	[tilespmem:s18+$0x14F0] =	vst v5  }
0x16: {  	[tilespmem:s18+$0x1480] =	vst v5  }
0x17: {  	[tilespmem:s18+$0x1490] =	vst v5  }
.Ltmp0:
0x18: {  	[tilespmem:s18+$0x14A0] =	vst v5;
	(pc) =	sbr.rel @p0 .LBB2_2-.Ltmp0, $4  }
0x19: {  	[tilespmem:s18+$0x14B0] =	vst v5  }
0x1a: {  	[tilespmem:s18+$0x14C0] =	vst v5  }
0x1b: {  	[tilespmem:s18+$0x14D0] =	vst v5  }
0x1c: {  	[tilespmem:s18+$0x14E0] =	vst v5;
	s18 =	sshra.s32 s19, $0x2;
	s19 =	sadd.s32 $0x200, s19  }
0x1d: {  	[tilespmem:s18+$0x14F0] =	vst v5  }
0x1e: {  	[tilespmem:s18+$0x1480] =	vst v5  }
0x1f: {  	[tilespmem:s18+$0x1490] =	vst v5  }
0x20: {  	[tilespmem:s18+$0x14A0] =	vst v5  }
0x21: {  	[tilespmem:s18+$0x14B0] =	vst v5  }
0x22: {  	[tilespmem:s18+$0x14C0] =	vst v5  }
0x23: {  	[tilespmem:s18+$0x14D0] =	vst v5  }
0x24: {  	[tilespmem:s18+$0x14E0] =	vst v5  }
0x25: {  	[spmem:s5] =	stream.linear.scatter [tilespmem:s12], [sflag:$0x3], $0x4000, $0x38;
	[tilespmem:$0x19080] =	vst v63  }
0x26: {  	_ =	swait.ge [sflag:s13], $0x4000  }
0x27: {  	[sflag:s13] =	ssyncset.done $0x0  }
0x28: {  	[sflag:s13] =	ssyncadd.s32 $0xFFFFC000  }
0x29: {  	[spmem:s6] =	stream.linear.scatter [tilespmem:s12], [sflag:$0x3], $0x4000, $0x38;
	[tilespmem:$0x19080] =	vst v63  }
0x2a: {  	_ =	swait.ge [sflag:s13], $0x4000  }
0x2b: {  	[sflag:s13] =	ssyncset.done $0x0  }
0x2c: {  	[sflag:s13] =	ssyncadd.s32 $0xFFFFC000  }
0x2d: {  	[spmem:s7] =	stream.linear.scatter [tilespmem:s12], [sflag:$0x3], $0x4000, $0x38;
	[tilespmem:$0x19080] =	vst v63  }
0x2e: {  	_ =	swait.ge [sflag:s13], $0x4000  }
0x2f: {  	[sflag:s13] =	ssyncset.done $0x0  }
0x30: {  	[sflag:s13] =	ssyncadd.s32 $0xFFFFC000  }
0x31: {  	[spmem:s8] =	stream.linear.scatter [tilespmem:s12], [sflag:$0x3], $0x4000, $0x38;
	[tilespmem:$0x19080] =	vst v63  }
0x32: {  	_ =	swait.ge [sflag:s13], $0x4000  }
0x33: {  	[sflag:s13] =	ssyncset.done $0x0  }
0x34: {  	[sflag:s13] =	ssyncadd.s32 $0xFFFFC000  }
0x35: {  	[spmem:s9] =	stream.linear.scatter [tilespmem:s12], [sflag:$0x3], $0x3C00, $0x38;
	[tilespmem:$0x19080] =	vst v63  }
0x36: {  	_ =	swait.ge [sflag:s13], $0x3C00  }
0x37: {  	[sflag:s13] =	ssyncset.done $0x0  }
0x38: {  	s18 =	simm.s32 $0x0;
	s19 =	simm.s32 $0x200;
	[sflag:s13] =	ssyncadd.s32 $0xFFFFC400  }
.LBB2_4:
0x39: {  	p0 =	sne.s32 s19, $0xFE00;
	[tilespmem:s18+$0x14F0] =	vst v6  }
0x3a: {  	[tilespmem:s18+$0x1480] =	vst v6  }
0x3b: {  	[tilespmem:s18+$0x1490] =	vst v6  }
.Ltmp1:
0x3c: {  	[tilespmem:s18+$0x14A0] =	vst v6;
	(pc) =	sbr.rel @p0 .LBB2_4-.Ltmp1, $4  }
0x3d: {  	[tilespmem:s18+$0x14B0] =	vst v6  }
0x3e: {  	[tilespmem:s18+$0x14C0] =	vst v6  }
0x3f: {  	[tilespmem:s18+$0x14D0] =	vst v6  }
0x40: {  	[tilespmem:s18+$0x14E0] =	vst v6;
	s18 =	sshra.s32 s19, $0x2;
	s19 =	sadd.s32 $0x200, s19  }
0x41: {  	[tilespmem:s18+$0x14F0] =	vst v6  }
0x42: {  	[tilespmem:s18+$0x1480] =	vst v6  }
0x43: {  	[tilespmem:s18+$0x1490] =	vst v6  }
0x44: {  	[tilespmem:s18+$0x14A0] =	vst v6  }
0x45: {  	[tilespmem:s18+$0x14B0] =	vst v6  }
0x46: {  	[tilespmem:s18+$0x14C0] =	vst v6  }
0x47: {  	[tilespmem:s18+$0x14D0] =	vst v6  }
0x48: {  	[tilespmem:s18+$0x14E0] =	vst v6  }
0x49: {  	s29 =	simm.s32 $0x0;
	[bflag:$0x0] =	sbarrier.arrive $0xFFFF  }
0x4a: {  	[tilespmem:s15], [sflag:$0x1] =	stream.indirect.gather [hbm4b:s4+s14], $0x80, s29, s14, $0xb8;
	[tilespmem:$0x19080] =	vst v63  }
0x4b: {  	_ =	swait.ge [sflag:s16], $0x1400  }
0x4c: {  	[sflag:s16] =	ssyncset.done $0x0  }
0x4d: {  	s30 =	simm.s32 $0x80;
	[sflag:s16] =	ssyncadd.s32 $0xFFFFEC00  }
0x4e: {  	[spmem:s2] =	stream.indirect.scatter.add.f32 [tilespmem:s12], [sflag:$0x2], $0x80, s30, s15, $0xb8;
	[tilespmem:$0x19080] =	vst v63  }
0x4f: {  	s31 =	simm.s32 $0x100  }
0x50: {  	[spmem:s2] =	stream.indirect.scatter.add.f32 [tilespmem:s12], [sflag:$0x2], $0x80, s31, s15, $0xb8;
	[tilespmem:$0x19080] =	vst v63  }
0x51: {  	_ =	swait.ge [sflag:s17], $0x4000  }
0x52: {  	[sflag:s17] =	ssyncset.done $0x0  }
0x53: {  	[sflag:s17] =	ssyncadd.s32 $0xFFFFC000  }
0x54: {  	_ =	swait.ge [sflag:s17], $0x4000  }
0x55: {  	s19 =	simm.s32 $0x800;
	s18 =	simm.s32 $0x100;
	[sflag:s17] =	ssyncset.done $0x0  }
.LBB2_6:
0x56: {  	s20 =	sadd.s32 $0x80, s18  }
0x57: {  	[sflag:s17] =	ssyncadd.s32 $0xFFFFC000;
	s21 =	smov.u32 s19;
	s22 =	sadd.s32 $0x400, s19  }
0x58: {  	[spmem:s2] =	stream.indirect.scatter.add.f32 [tilespmem:s12], [sflag:$0x2], $0x80, s20, s15, $0xb8;
	[tilespmem:$0x19080] =	vst v63  }
0x59: {  	p0 =	sne.s32 s19, $0x4C00;
	s18 =	sadd.s32 $0x100, s18  }
0x5a: {  	[spmem:s2] =	stream.indirect.scatter.add.f32 [tilespmem:s12], [sflag:$0x2], $0x80, s18, s15, $0xb8;
	[tilespmem:$0x19080] =	vst v63  }
.Ltmp2:
0x5b: {  	_ =	swait.ge [sflag:s17], $0x4000;
	(pc) =	sbr.rel @p0 .LBB2_6-.Ltmp2, $4  }
0x5c: {  	[sflag:s17] =	ssyncset.done $0x0  }
0x5d: {  	[sflag:s17] =	ssyncadd.s32 $0xFFFFC000  }
0x5e: {  	_ =	swait.ge [sflag:s17], $0x4000  }
0x5f: {  	s19 =	smov.u32 s22;
	s18 =	sshra.s32 s21, $0x2;
	[sflag:s17] =	ssyncset.done $0x0  }
0x60: {  	s19 =	sadd.s32 $0x80, s18;
	[sflag:s17] =	ssyncadd.s32 $0xFFFFC000  }
0x61: {  	[spmem:s2] =	stream.indirect.scatter.add.f32 [tilespmem:s12], [sflag:$0x2], $0x80, s19, s15, $0xb8;
	[tilespmem:$0x19080] =	vst v63  }
0x62: {  	s29 =	sadd.s32 $0x100, s18  }
0x63: {  	[spmem:s2] =	stream.indirect.scatter.add.f32 [tilespmem:s12], [sflag:$0x2], $0x80, s29, s15, $0xb8;
	[tilespmem:$0x19080] =	vst v63  }
0x64: {  	_ =	swait.ge [sflag:s17], $0x4000  }
0x65: {  	[sflag:s17] =	ssyncset.done $0x0  }
0x66: {  	[sflag:s17] =	ssyncadd.s32 $0xFFFFC000  }
0x67: {  	_ =	swait.ge [sflag:s17], $0x4000  }
0x68: {  	[sflag:s17] =	ssyncset.done $0x0  }
0x69: {  	[sflag:s17] =	ssyncadd.s32 $0xFFFFC000  }
0x6a: {  	[tilespmem:s15], [sflag:$0x1] =	stream.indirect.gather [hbm4b:s4+s14], $0x80, s14, s14, $0xb8;
	[tilespmem:$0x19080] =	vst v63  }
0x6b: {  	_ =	swait.ge [sflag:s16], $0x1400  }
0x6c: {  	[sflag:s16] =	ssyncset.done $0x0  }
0x6d: {  	s30 =	simm.s32 $0x80;
	[sflag:s16] =	ssyncadd.s32 $0xFFFFEC00  }
0x6e: {  	[spmem:s2] =	stream.indirect.scatter.add.f32 [tilespmem:s12], [sflag:$0x2], $0x80, s30, s15, $0xb8;
	[tilespmem:$0x19080] =	vst v63  }
0x6f: {  	s31 =	simm.s32 $0x100  }
0x70: {  	[spmem:s2] =	stream.indirect.scatter.add.f32 [tilespmem:s12], [sflag:$0x2], $0x80, s31, s15, $0xb8;
	[tilespmem:$0x19080] =	vst v63  }
0x71: {  	_ =	swait.ge [sflag:s17], $0x4000  }
0x72: {  	[sflag:s17] =	ssyncset.done $0x0  }
0x73: {  	[sflag:s17] =	ssyncadd.s32 $0xFFFFC000  }
0x74: {  	_ =	swait.ge [sflag:s17], $0x4000  }
0x75: {  	s18 =	simm.s32 $0x100;
	s19 =	simm.s32 $0x800;
	[sflag:s17] =	ssyncset.done $0x0  }
.LBB2_8:
0x76: {  	s20 =	sadd.s32 $0x80, s18  }
0x77: {  	[sflag:s17] =	ssyncadd.s32 $0xFFFFC000;
	s21 =	smov.u32 s19;
	s22 =	sadd.s32 $0x400, s19  }
0x78: {  	[spmem:s2] =	stream.indirect.scatter.add.f32 [tilespmem:s12], [sflag:$0x2], $0x80, s20, s15, $0xb8;
	[tilespmem:$0x19080] =	vst v63  }
0x79: {  	p0 =	sne.s32 s19, $0x4C00;
	s18 =	sadd.s32 $0x100, s18  }
0x7a: {  	[spmem:s2] =	stream.indirect.scatter.add.f32 [tilespmem:s12], [sflag:$0x2], $0x80, s18, s15, $0xb8;
	[tilespmem:$0x19080] =	vst v63  }
.Ltmp3:
0x7b: {  	_ =	swait.ge [sflag:s17], $0x4000;
	(pc) =	sbr.rel @p0 .LBB2_8-.Ltmp3, $4  }
0x7c: {  	[sflag:s17] =	ssyncset.done $0x0  }
0x7d: {  	[sflag:s17] =	ssyncadd.s32 $0xFFFFC000  }
0x7e: {  	_ =	swait.ge [sflag:s17], $0x4000  }
0x7f: {  	s19 =	smov.u32 s22;
	s18 =	sshra.s32 s21, $0x2;
	[sflag:s17] =	ssyncset.done $0x0  }
0x80: {  	s19 =	sadd.s32 $0x80, s18;
	[sflag:s17] =	ssyncadd.s32 $0xFFFFC000  }
0x81: {  	[spmem:s2] =	stream.indirect.scatter.add.f32 [tilespmem:s12], [sflag:$0x2], $0x80, s19, s15, $0xb8;
	[tilespmem:$0x19080] =	vst v63  }
0x82: {  	s29 =	sadd.s32 $0x100, s18  }
0x83: {  	[spmem:s2] =	stream.indirect.scatter.add.f32 [tilespmem:s12], [sflag:$0x2], $0x80, s29, s15, $0xb8;
	[tilespmem:$0x19080] =	vst v63  }
0x84: {  	_ =	swait.ge [sflag:s17], $0x4000  }
0x85: {  	[sflag:s17] =	ssyncset.done $0x0  }
0x86: {  	[sflag:s17] =	ssyncadd.s32 $0xFFFFC000  }
0x87: {  	_ =	swait.ge [sflag:s17], $0x4000  }
0x88: {  	s30 =	sshll.u32 s0, $0x6;
	s3 =	sadd.s32 $0x1, s3;
	[sflag:s17] =	ssyncset.done $0x0  }
0x89: {  	s31 =	sshrl.u32 s5, $0x3;
	p0 =	sne.s32 s3, s11;
	[sflag:s17] =	ssyncadd.s32 $0xFFFFC000  }
.Ltmp4:
0x8a: {  	s18 =	sor.u32 $0x1C03, s30;
	[bflag:$0x0] =	sbarrier.arrive $0xFFFF;
	(pc) =	sbr.rel @p0 .LBB2_1-.Ltmp4, $4  }
0x8b: {  	[hbm:s10], [sflag:s18] =	dma.local [spmem:s31], $0x2780  }
0x8c: {  	_ =	swait.ge [sflag:s13], $0x2780  }
0x8d: {  	[sflag:s13] =	ssyncset.done $0x0  }
0x8e: {  	[sflag:s13] =	ssyncadd.s32 $0xFFFFD880  }
0x8f: {  	_ =	sfence.sel $0x180000  }
0x90: {  	[bflag:$0x0] =	sbarrier.arrive $0xFFFF  }
0x91: {  	p0 =	sne.s32 s0, $0x0;
	_ =	strace $0x9000004A  }
0x92: {  	s0 =	sadd.s32 @!p0 $0x100000, s1;
	[bflag:$0x2] =	sbarrier.arrive $0xFFFF  }
0x93: {  	[sflag:s0] =	ssyncadd.tile.s32 @!p0 $0x1;
	_ =	shalt  }
.Lfunc_end2:
_tile_overlayer_lowered:
.L_overlay_start_2:
0x94: {  	(tag) =	ssettag $0x2  }
0x95: {  	s0 =	rddreg [dreg:$0x0];
	s2 =	stileid.u32  }
0x96: {  	s1 =	rddreg [dreg:$0x1];
	p0 =	sne.s32 s2, $0x0  }
0x97: {  	s3 =	rddreg [dreg:$0x2];
	[bflag:$0x3] =	sbarrier.arrive $0xFFFF;
	s2 =	simm.s32 @!p0 $0x1C03  }
0x98: {  	[timem:s3], [sflag:s2] =	dma.local @!p0 [hbm:s0], s1  }
0x99: {  	s0 =	simm.s32 @!p0 $0x3  }
0x9a: {  	_ =	swait.ge @!p0 [sflag:s0], s1  }
0x9b: {  	s1 =	ssub.s32 @!p0 $0x0, s1;
	[sflag:s0] =	ssyncset.done @!p0 $0x0  }
0x9c: {  	[sflag:s0] =	ssyncadd.s32 @!p0 s1  }
0x9d: {  	[bflag:$0x3] =	sbarrier.arrive $0xFFFF  }
0x9e: {  	_ =	shalt  }

</sc_bundles>
